<compile_context>
chip_gen: v7x
topology: tpu7x:2x2x1
jax: 0.10.2.dev20260603
libtpu: 0.0.44.dev20260713+nightly
codegen_flags: <defaults>
</compile_context>

<pallas_src>
import jax
import jax.numpy as jnp
from jax import lax
from jax.experimental import pallas as pl
from jax.experimental.pallas import tpu as pltpu
from jax.experimental.pallas import tpu_sc as plsc

_HASH = 16
_CELLS = 1 << _HASH
_NC, _NS, _L = 2, 16, 16
_NW = _NC * _NS

def _ids_body(xt_ref, o_ref):
    blk = xt_ref.shape[1]
    k = lax.broadcasted_iota(jnp.int32, (_HASH, 1), 0)
    raw = jax.lax.bitcast_convert_type(xt_ref[...], jnp.int32)
    bits = jax.lax.shift_right_logical(raw, 29) & 1
    ids = jnp.sum(bits << k, axis=0)
    o_ref[...] = ids.reshape(blk // 128, 128)


def _compute_ids(xt, start_blk, nblk):
    blk = 65536
    return pl.pallas_call(
        _ids_body,
        grid=(nblk,),
        in_specs=[pl.BlockSpec((_HASH, blk), lambda i: (0, i + start_blk))],
        out_specs=pl.BlockSpec((blk // 128, 128), lambda i: (i, 0)),
        out_shape=jax.ShapeDtypeStruct((nblk * blk // 128, 128), jnp.int32),
    )(xt)


def _hist_body(ids_hbm, out_hbm, idx_v, ones_v, stage_v, hist_sh, sem):
    c = lax.axis_index("c")
    s = lax.axis_index("s")
    wid = c * _NS + s
    nrows = ids_hbm.shape[0] // _NW
    slc = _CELLS // _NS

    @plsc.parallel_loop(0, slc // _L, 1, unroll=8)
    def _zero(i):
        stage_v[pl.ds(i * _L, _L)] = jnp.zeros((_L,), jnp.float32)

    pltpu.sync_copy(stage_v, hist_sh.at[pl.ds(s * slc, slc)])

    @plsc.parallel_loop(0, 128 // _L, 1, unroll=8)
    def _one(i):
        ones_v[pl.ds(i * _L, _L)] = jnp.ones((_L,), jnp.float32)

    pltpu.sync_copy(ids_hbm.at[pl.ds(wid * nrows, nrows)], idx_v)
    plsc.subcore_barrier()

    k = 16

    def _grp(g, _):
        descs = []
        for u in range(k):
            descs.append(pltpu.async_copy(
                ones_v, hist_sh.at[idx_v.at[g * k + u]], sem, add=True))
        for d in descs:
            d.wait()
        return _

    lax.fori_loop(0, nrows // k, _grp, None)
    plsc.subcore_barrier()

    pltpu.sync_copy(hist_sh.at[pl.ds(s * slc, slc)],
                    out_hbm.at[c, pl.ds(s * slc, slc)])


_SC_PARAMS = pltpu.CompilerParams(needs_layout_passes=False)


def _hist(ids2d):
    nrows = ids2d.shape[0] // _NW
    mesh = plsc.VectorSubcoreMesh(core_axis_name="c", subcore_axis_name="s")
    return pl.kernel(
        _hist_body,
        out_type=jax.ShapeDtypeStruct((_NC, _CELLS), jnp.float32),
        mesh=mesh,
        compiler_params=_SC_PARAMS,
        scratch_types=[
            pltpu.VMEM((nrows, 128), jnp.int32),
            pltpu.VMEM((128,), jnp.float32),
            pltpu.VMEM((_CELLS // _NS,), jnp.float32),
            pltpu.VMEM_SHARED((_CELLS,), jnp.float32),
            pltpu.SemaphoreType.DMA,
        ],
    )(ids2d)


def _tab_body(*refs):
    (*p_refs, cs_ref, o_ref) = refs
    tot = cs_ref[...]
    for p in p_refs:
        tot = tot + p[0] + p[1]
    o_ref[...] = jax.lax.rsqrt(jnp.maximum(tot, 1.0))


def _table(parts, counts_state):
    return pl.pallas_call(
        _tab_body,
        out_shape=jax.ShapeDtypeStruct((_CELLS,), jnp.float32),
    )(*parts, counts_state)


def _gather_body(*refs):
    (*ids_list, rtab_hbm, out_hbm, tbl_v, idx_v, res0_v, res1_v, sem_t,
     sem_i, sem_o) = refs
    c = lax.axis_index("c")
    s = lax.axis_index("s")
    wid = c * _NS + s
    res_bufs = (res0_v, res1_v)

    tbl_cp = pltpu.async_copy(rtab_hbm, tbl_v, sem_t)
    row_off = 0
    qr0 = ids_list[0].shape[0] // _NW
    first_cp = pltpu.async_copy(
        ids_list[0].at[pl.ds(wid * qr0, qr0)], idx_v.at[pl.ds(0, qr0)], sem_i)
    tbl_cp.wait()
    first_cp.wait()

    out_cps = []
    for h, ids_h in enumerate(ids_list):
        qrows = ids_h.shape[0] // _NW
        base = wid * qrows
        res_v = res_bufs[h % 2]
        if h >= 2:
            out_cps[h - 2].wait()

        @plsc.parallel_loop(0, qrows, 1, unroll=4)
        def _row(r):
            for k in range(128 // _L):
                vidx = idx_v[r, pl.ds(k * _L, _L)]
                res_v[r, pl.ds(k * _L, _L)] = plsc.load_gather(
                    tbl_v, [vidx])

        out_cps.append(pltpu.async_copy(
            res_v.at[pl.ds(0, qrows)],
            out_hbm.at[pl.ds(row_off + base, qrows)], sem_o))
        row_off += ids_h.shape[0]
        if h + 1 < len(ids_list):
            qn = ids_list[h + 1].shape[0] // _NW
            pltpu.async_copy(
                ids_list[h + 1].at[pl.ds(wid * qn, qn)],
                idx_v.at[pl.ds(0, qn)], sem_i).wait()
    for cp in out_cps[max(0, len(out_cps) - 2):]:
        cp.wait()


def _gather(ids_list, rtab):
    qmax = max(x.shape[0] for x in ids_list) // _NW
    nrows_total = sum(x.shape[0] for x in ids_list)
    mesh = plsc.VectorSubcoreMesh(core_axis_name="c", subcore_axis_name="s")
    return pl.kernel(
        _gather_body,
        out_type=jax.ShapeDtypeStruct((nrows_total, 128), jnp.float32),
        mesh=mesh,
        compiler_params=_SC_PARAMS,
        scratch_types=[
            pltpu.VMEM((_CELLS,), jnp.float32),
            pltpu.VMEM((qmax, 128), jnp.int32),
            pltpu.VMEM((qmax, 128), jnp.float32),
            pltpu.VMEM((qmax, 128), jnp.float32),
            pltpu.SemaphoreType.DMA,
            pltpu.SemaphoreType.DMA,
            pltpu.SemaphoreType.DMA,
        ],
    )(*ids_list, rtab)


_SPLIT_BLKS = (9, 7)


def kernel(cells, counts_state):
    n = cells.shape[0]
    xt = cells.T
    ids_list, parts = [], []
    start = 0
    for nblk in _SPLIT_BLKS:
        ids_ch = _compute_ids(xt, start, nblk)
        start += nblk
        ids_list.append(ids_ch)
        parts.append(_hist(ids_ch))
    rtab = _table(parts, counts_state)
    out2d = _gather(ids_list, rtab)
    return out2d.reshape(n)

# --- scband reference (transcript-rebuilt; emitter-appended) ---
"""Pipeline reference for scband-cell-counter-51754355916990 (READ-ONLY COPY).

The authoritative reference and input builder live on the scoring server;
editing this copy changes nothing except your own understanding.
"""

import jax, jax.numpy as jnp
import numpy as np

HASH_DIM = 16
NUM_CELLS = 2 ** HASH_DIM
N = 1048576


def setup_inputs(seed: int = 0) -> dict:
    key = jax.random.key(seed)
    k1, k2 = jax.random.split(key, 2)
    # binary SimHash cell codes (0/1), as produced by torch.sign(codes @ A).clip(0, 1)
    cells = (jax.random.uniform(k1, (N, HASH_DIM), dtype=jnp.float32) > 0.5).astype(jnp.float32)
    # running visitation-count table over all 2^K cells
    counts_state = jnp.zeros((NUM_CELLS,), dtype=jnp.float32)
    return {"cells": cells, "counts_state": counts_state}


def reference(cells, counts_state):
    # convert binary hash vector -> integer cell id
    powers = jnp.asarray(2 ** np.arange(HASH_DIM), dtype=jnp.float32)
    bits = (cells > 0.5).astype(jnp.float32)
    ids = jnp.round(bits @ powers).astype(jnp.int32)
    # histogram of cell visits this batch (scatter-add)
    hist = jnp.zeros((NUM_CELLS,), dtype=jnp.float32).at[ids].add(1.0)
    new_counts = counts_state + hist
    # gather per-sample visitation count and compute count-based intrinsic reward 1/sqrt(n)
    per_sample = jnp.take(new_counts, ids, axis=0)
    reward = 1.0 / jnp.sqrt(jnp.clip(per_sample, 1.0, None))
    return reward

if __name__ == "__main__":
    import jax
    _d = setup_inputs()
    print(jax.jit(kernel)(*tuple(_d.values())))

</pallas_src>

<mosaic_0001>
#map = affine_map<(d0, d1) -> (0, 0)>
module attributes {stable_mosaic.version = 14 : i64} {
  func.func @_hist_body(%arg0: i32, %arg1: i32, %arg2: memref<4608x128xi32, #tpu.memory_space<hbm>>, %arg3: memref<2x65536xf32, #tpu.memory_space<hbm>>, %arg4: memref<144x128xi32, #tpu.memory_space<vmem>>, %arg5: memref<128xf32, #tpu.memory_space<vmem>>, %arg6: memref<4096xf32, #tpu.memory_space<vmem>>, %arg7: memref<65536xf32, #tpu.memory_space<vmem_shared>>, %arg8: memref<!tpu.dma_semaphore, #tpu.memory_space<semaphore_mem>>) attributes {dimension_semantics = [#tpu.dimension_semantics<core_parallel>, #tpu.dimension_semantics<subcore_parallel>], iteration_bounds = array<i64: 2, 16>, scalar_prefetch = 0 : i64, scratch_operands = 5 : i64, tpu.core_type = #tpu.core_type<sc_vector_subcore>, window_params = [{transform_indices = #map}, {transform_indices = #map}]} {
    %mul3A = arith.constant 16 : i32
    %mul3A_0 = arith.muli %arg0, %mul3A : i32
    %add3A = arith.addi %mul3A_0, %arg1 : i32
    %parallel_loop3A = arith.constant 0 : i32
    %parallel_loop3A_1 = arith.constant 256 : i32
    %parallel_loop3A_2 = arith.constant 1 : i32
    scf.for %parallel_loop3A_19 = %parallel_loop3A to %parallel_loop3A_1 step %parallel_loop3A_2  : i32 {
      %parallel_loop3A_20 = arith.constant 0.000000e+00 : f32
      %parallel_loop3A_21 = vector.broadcast %parallel_loop3A_20 : f32 to vector<16xf32>
      %parallel_loop3A_22 = arith.constant 16 : i32
      %parallel_loop3A_23 = arith.muli %parallel_loop3A_19, %parallel_loop3A_22 : i32
      %parallel_loop3A_24 = arith.index_cast %parallel_loop3A_23 : i32 to index
      %parallel_loop3A_25 = tpu.vector_load %arg6[%parallel_loop3A_24] {strides = array<i32>} : memref<4096xf32, #tpu.memory_space<vmem>>, vector<16xf32>,
      tpu.vector_store %arg6[%parallel_loop3A_24], %parallel_loop3A_21 {strides = array<i32>} : memref<4096xf32, #tpu.memory_space<vmem>>, vector<16xf32>,
    } {sc.loop_unroll_factor = 8 : i64, sc.parallel_access}
    %mul3A_3 = arith.constant 4096 : i32
    %mul3A_4 = arith.muli %arg1, %mul3A_3 : i32
    "tpu.region"() ({
      %run_scoped3A = tpu.sem_alloc : memref<!tpu.dma_semaphore, #tpu.memory_space<semaphore_mem>>
      %dma_start3A = tpu.memref_slice %arg7[%mul3A_4] : memref<65536xf32, #tpu.memory_space<vmem_shared>> -> memref<4096xf32, #tpu.memory_space<vmem_shared>>
      %dma_start3A_19 = tpu.memref_slice %arg7[%mul3A_4] : memref<65536xf32, #tpu.memory_space<vmem_shared>> -> memref<4096xf32, #tpu.memory_space<vmem_shared>>
      tpu.enqueue_dma source(%arg6 : memref<4096xf32, #tpu.memory_space<vmem>>) target(%dma_start3A_19 : memref<4096xf32, #tpu.memory_space<vmem_shared>>) target_semaphore(%run_scoped3A : memref<!tpu.dma_semaphore, #tpu.memory_space<semaphore_mem>>)
      %dma_wait3A = tpu.memref_slice %arg7[%mul3A_4] : memref<65536xf32, #tpu.memory_space<vmem_shared>> -> memref<4096xf32, #tpu.memory_space<vmem_shared>>
      %dma_wait3A_20 = tpu.memref_slice %arg7[%mul3A_4] : memref<65536xf32, #tpu.memory_space<vmem_shared>> -> memref<4096xf32, #tpu.memory_space<vmem_shared>>
      tpu.wait_dma2 semaphore(%run_scoped3A : memref<!tpu.dma_semaphore, #tpu.memory_space<semaphore_mem>>) src(%arg6 : memref<4096xf32, #tpu.memory_space<vmem>>) dst(%dma_wait3A_20 : memref<4096xf32, #tpu.memory_space<vmem_shared>>)
      tpu.yield
    }) : () -> ()
    %parallel_loop3A_5 = arith.constant 0 : i32
    %parallel_loop3A_6 = arith.constant 8 : i32
    %parallel_loop3A_7 = arith.constant 1 : i32
    scf.for %parallel_loop3A_19 = %parallel_loop3A_5 to %parallel_loop3A_6 step %parallel_loop3A_7  : i32 {
      %parallel_loop3A_20 = arith.constant 1.000000e+00 : f32
      %parallel_loop3A_21 = vector.broadcast %parallel_loop3A_20 : f32 to vector<16xf32>
      %parallel_loop3A_22 = arith.constant 16 : i32
      %parallel_loop3A_23 = arith.muli %parallel_loop3A_19, %parallel_loop3A_22 : i32
      %parallel_loop3A_24 = arith.index_cast %parallel_loop3A_23 : i32 to index
      %parallel_loop3A_25 = tpu.vector_load %arg5[%parallel_loop3A_24] {strides = array<i32>} : memref<128xf32, #tpu.memory_space<vmem>>, vector<16xf32>,
      tpu.vector_store %arg5[%parallel_loop3A_24], %parallel_loop3A_21 {strides = array<i32>} : memref<128xf32, #tpu.memory_space<vmem>>, vector<16xf32>,
    } {sc.loop_unroll_factor = 8 : i64, sc.parallel_access}
    %mul3A_8 = arith.constant 144 : i32
    %mul3A_9 = arith.muli %add3A, %mul3A_8 : i32
    "tpu.region"() ({
      %run_scoped3A = tpu.sem_alloc : memref<!tpu.dma_semaphore, #tpu.memory_space<semaphore_mem>>
      %dma_start3A = arith.constant 0 : i32
      %dma_start3A_19 = tpu.memref_slice %arg2[%mul3A_9, %dma_start3A] : memref<4608x128xi32, #tpu.memory_space<hbm>> -> memref<144x128xi32, #tpu.memory_space<hbm>>
      %dma_start3A_20 = arith.constant 0 : i32
      %dma_start3A_21 = tpu.memref_slice %arg2[%mul3A_9, %dma_start3A_20] : memref<4608x128xi32, #tpu.memory_space<hbm>> -> memref<144x128xi32, #tpu.memory_space<hbm>>
      tpu.enqueue_dma source(%dma_start3A_21 : memref<144x128xi32, #tpu.memory_space<hbm>>) target(%arg4 : memref<144x128xi32, #tpu.memory_space<vmem>>) target_semaphore(%run_scoped3A : memref<!tpu.dma_semaphore, #tpu.memory_space<semaphore_mem>>)
      %dma_wait3A = arith.constant 0 : i32
      %dma_wait3A_22 = tpu.memref_slice %arg2[%mul3A_9, %dma_wait3A] : memref<4608x128xi32, #tpu.memory_space<hbm>> -> memref<144x128xi32, #tpu.memory_space<hbm>>
      %dma_wait3A_23 = arith.constant 0 : i32
      %dma_wait3A_24 = tpu.memref_slice %arg2[%mul3A_9, %dma_wait3A_23] : memref<4608x128xi32, #tpu.memory_space<hbm>> -> memref<144x128xi32, #tpu.memory_space<hbm>>
      tpu.wait_dma2 semaphore(%run_scoped3A : memref<!tpu.dma_semaphore, #tpu.memory_space<semaphore_mem>>) src(%dma_wait3A_24 : memref<144x128xi32, #tpu.memory_space<hbm>>) dst(%arg4 : memref<144x128xi32, #tpu.memory_space<vmem>>)
      tpu.yield
    }) : () -> ()
    %barrier3A = arith.constant 0 : index
    tpu.barrier barrier_id(%barrier3A)
    %scan3A = arith.constant 0 : i32
    %scan3A_10 = arith.constant 9 : i32
    %scan3A_11 = arith.addi %scan3A, %scan3A_10 : i32
    %scan3A_12 = arith.constant 1 : i32
    scf.for %scan3A_19 = %scan3A to %scan3A_11 step %scan3A_12  : i32 {
      %mul3A_20 = arith.constant 16 : i32
      %mul3A_21 = arith.muli %scan3A_19, %mul3A_20 : i32
      %add3A_22 = arith.constant 0 : i32
      %add3A_23 = arith.addi %mul3A_21, %add3A_22 : i32
      %dma_start3A = arith.constant 0 : i32
      %dma_start3A_24 = tpu.memref_slice %arg4[%add3A_23, %dma_start3A] : memref<144x128xi32, #tpu.memory_space<vmem>> -> memref<1x128xi32, #tpu.memory_space<vmem>>
      %dma_start3A_25 = tpu.memref_squeeze %dma_start3A_24 : memref<1x128xi32, #tpu.memory_space<vmem>> -> memref<128xi32, #tpu.memory_space<vmem>>
      %dma_start3A_26 = arith.constant 0 : i32
      %dma_start3A_27 = tpu.memref_slice %arg7[%dma_start3A_26] : memref<65536xf32, #tpu.memory_space<vmem_shared>> -> memref<65536xf32, #tpu.memory_space<vmem_shared>>
      tpu.enqueue_indirect_dma source(%arg5 : memref<128xf32, #tpu.memory_space<vmem>>) target(%dma_start3A_27 : memref<65536xf32, #tpu.memory_space<vmem_shared>>) offsets(%dma_start3A_25 : memref<128xi32, #tpu.memory_space<vmem>>) semaphore(%arg8 : memref<!tpu.dma_semaphore, #tpu.memory_space<semaphore_mem>>) {add = true}
      %mul3A_28 = arith.constant 16 : i32
      %mul3A_29 = arith.muli %scan3A_19, %mul3A_28 : i32
      %add3A_30 = arith.constant 1 : i32
      %add3A_31 = arith.addi %mul3A_29, %add3A_30 : i32
      %dma_start3A_32 = arith.constant 0 : i32
      %dma_start3A_33 = tpu.memref_slice %arg4[%add3A_31, %dma_start3A_32] : memref<144x128xi32, #tpu.memory_space<vmem>> -> memref<1x128xi32, #tpu.memory_space<vmem>>
      %dma_start3A_34 = tpu.memref_squeeze %dma_start3A_33 : memref<1x128xi32, #tpu.memory_space<vmem>> -> memref<128xi32, #tpu.memory_space<vmem>>
      %dma_start3A_35 = arith.constant 0 : i32
      %dma_start3A_36 = tpu.memref_slice %arg7[%dma_start3A_35] : memref<65536xf32, #tpu.memory_space<vmem_shared>> -> memref<65536xf32, #tpu.memory_space<vmem_shared>>
      tpu.enqueue_indirect_dma source(%arg5 : memref<128xf32, #tpu.memory_space<vmem>>) target(%dma_start3A_36 : memref<65536xf32, #tpu.memory_space<vmem_shared>>) offsets(%dma_start3A_34 : memref<128xi32, #tpu.memory_space<vmem>>) semaphore(%arg8 : memref<!tpu.dma_semaphore, #tpu.memory_space<semaphore_mem>>) {add = true}
      %mul3A_37 = arith.constant 16 : i32
      %mul3A_38 = arith.muli %scan3A_19, %mul3A_37 : i32
      %add3A_39 = arith.constant 2 : i32
      %add3A_40 = arith.addi %mul3A_38, %add3A_39 : i32
      %dma_start3A_41 = arith.constant 0 : i32
      %dma_start3A_42 = tpu.memref_slice %arg4[%add3A_40, %dma_start3A_41] : memref<144x128xi32, #tpu.memory_space<vmem>> -> memref<1x128xi32, #tpu.memory_space<vmem>>
      %dma_start3A_43 = tpu.memref_squeeze %dma_start3A_42 : memref<1x128xi32, #tpu.memory_space<vmem>> -> memref<128xi32, #tpu.memory_space<vmem>>
      %dma_start3A_44 = arith.constant 0 : i32
      %dma_start3A_45 = tpu.memref_slice %arg7[%dma_start3A_44] : memref<65536xf32, #tpu.memory_space<vmem_shared>> -> memref<65536xf32, #tpu.memory_space<vmem_shared>>
      tpu.enqueue_indirect_dma source(%arg5 : memref<128xf32, #tpu.memory_space<vmem>>) target(%dma_start3A_45 : memref<65536xf32, #tpu.memory_space<vmem_shared>>) offsets(%dma_start3A_43 : memref<128xi32, #tpu.memory_space<vmem>>) semaphore(%arg8 : memref<!tpu.dma_semaphore, #tpu.memory_space<semaphore_mem>>) {add = true}
      %mul3A_46 = arith.constant 16 : i32
      %mul3A_47 = arith.muli %scan3A_19, %mul3A_46 : i32
      %add3A_48 = arith.constant 3 : i32
      %add3A_49 = arith.addi %mul3A_47, %add3A_48 : i32
      %dma_start3A_50 = arith.constant 0 : i32
      %dma_start3A_51 = tpu.memref_slice %arg4[%add3A_49, %dma_start3A_50] : memref<144x128xi32, #tpu.memory_space<vmem>> -> memref<1x128xi32, #tpu.memory_space<vmem>>
      %dma_start3A_52 = tpu.memref_squeeze %dma_start3A_51 : memref<1x128xi32, #tpu.memory_space<vmem>> -> memref<128xi32, #tpu.memory_space<vmem>>
      %dma_start3A_53 = arith.constant 0 : i32
      %dma_start3A_54 = tpu.memref_slice %arg7[%dma_start3A_53] : memref<65536xf32, #tpu.memory_space<vmem_shared>> -> memref<65536xf32, #tpu.memory_space<vmem_shared>>
      tpu.enqueue_indirect_dma source(%arg5 : memref<128xf32, #tpu.memory_space<vmem>>) target(%dma_start3A_54 : memref<65536xf32, #tpu.memory_space<vmem_shared>>) offsets(%dma_start3A_52 : memref<128xi32, #tpu.memory_space<vmem>>) semaphore(%arg8 : memref<!tpu.dma_semaphore, #tpu.memory_space<semaphore_mem>>) {add = true}
      %mul3A_55 = arith.constant 16 : i32
      %mul3A_56 = arith.muli %scan3A_19, %mul3A_55 : i32
      %add3A_57 = arith.constant 4 : i32
      %add3A_58 = arith.addi %mul3A_56, %add3A_57 : i32
      %dma_start3A_59 = arith.constant 0 : i32
      %dma_start3A_60 = tpu.memref_slice %arg4[%add3A_58, %dma_start3A_59] : memref<144x128xi32, #tpu.memory_space<vmem>> -> memref<1x128xi32, #tpu.memory_space<vmem>>
      %dma_start3A_61 = tpu.memref_squeeze %dma_start3A_60 : memref<1x128xi32, #tpu.memory_space<vmem>> -> memref<128xi32, #tpu.memory_space<vmem>>
      %dma_start3A_62 = arith.constant 0 : i32
      %dma_start3A_63 = tpu.memref_slice %arg7[%dma_start3A_62] : memref<65536xf32, #tpu.memory_space<vmem_shared>> -> memref<65536xf32, #tpu.memory_space<vmem_shared>>
      tpu.enqueue_indirect_dma source(%arg5 : memref<128xf32, #tpu.memory_space<vmem>>) target(%dma_start3A_63 : memref<65536xf32, #tpu.memory_space<vmem_shared>>) offsets(%dma_start3A_61 : memref<128xi32, #tpu.memory_space<vmem>>) semaphore(%arg8 : memref<!tpu.dma_semaphore, #tpu.memory_space<semaphore_mem>>) {add = true}
      %mul3A_64 = arith.constant 16 : i32
      %mul3A_65 = arith.muli %scan3A_19, %mul3A_64 : i32
      %add3A_66 = arith.constant 5 : i32
      %add3A_67 = arith.addi %mul3A_65, %add3A_66 : i32
      %dma_start3A_68 = arith.constant 0 : i32
      %dma_start3A_69 = tpu.memref_slice %arg4[%add3A_67, %dma_start3A_68] : memref<144x128xi32, #tpu.memory_space<vmem>> -> memref<1x128xi32, #tpu.memory_space<vmem>>
      %dma_start3A_70 = tpu.memref_squeeze %dma_start3A_69 : memref<1x128xi32, #tpu.memory_space<vmem>> -> memref<128xi32, #tpu.memory_space<vmem>>
      %dma_start3A_71 = arith.constant 0 : i32
      %dma_start3A_72 = tpu.memref_slice %arg7[%dma_start3A_71] : memref<65536xf32, #tpu.memory_space<vmem_shared>> -> memref<65536xf32, #tpu.memory_space<vmem_shared>>
      tpu.enqueue_indirect_dma source(%arg5 : memref<128xf32, #tpu.memory_space<vmem>>) target(%dma_start3A_72 : memref<65536xf32, #tpu.memory_space<vmem_shared>>) offsets(%dma_start3A_70 : memref<128xi32, #tpu.memory_space<vmem>>) semaphore(%arg8 : memref<!tpu.dma_semaphore, #tpu.memory_space<semaphore_mem>>) {add = true}
      %mul3A_73 = arith.constant 16 : i32
      %mul3A_74 = arith.muli %scan3A_19, %mul3A_73 : i32
      %add3A_75 = arith.constant 6 : i32
      %add3A_76 = arith.addi %mul3A_74, %add3A_75 : i32
      %dma_start3A_77 = arith.constant 0 : i32
      %dma_start3A_78 = tpu.memref_slice %arg4[%add3A_76, %dma_start3A_77] : memref<144x128xi32, #tpu.memory_space<vmem>> -> memref<1x128xi32, #tpu.memory_space<vmem>>
      %dma_start3A_79 = tpu.memref_squeeze %dma_start3A_78 : memref<1x128xi32, #tpu.memory_space<vmem>> -> memref<128xi32, #tpu.memory_space<vmem>>
      %dma_start3A_80 = arith.constant 0 : i32
      %dma_start3A_81 = tpu.memref_slice %arg7[%dma_start3A_80] : memref<65536xf32, #tpu.memory_space<vmem_shared>> -> memref<65536xf32, #tpu.memory_space<vmem_shared>>
      tpu.enqueue_indirect_dma source(%arg5 : memref<128xf32, #tpu.memory_space<vmem>>) target(%dma_start3A_81 : memref<65536xf32, #tpu.memory_space<vmem_shared>>) offsets(%dma_start3A_79 : memref<128xi32, #tpu.memory_space<vmem>>) semaphore(%arg8 : memref<!tpu.dma_semaphore, #tpu.memory_space<semaphore_mem>>) {add = true}
      %mul3A_82 = arith.constant 16 : i32
      %mul3A_83 = arith.muli %scan3A_19, %mul3A_82 : i32
      %add3A_84 = arith.constant 7 : i32
      %add3A_85 = arith.addi %mul3A_83, %add3A_84 : i32
      %dma_start3A_86 = arith.constant 0 : i32
      %dma_start3A_87 = tpu.memref_slice %arg4[%add3A_85, %dma_start3A_86] : memref<144x128xi32, #tpu.memory_space<vmem>> -> memref<1x128xi32, #tpu.memory_space<vmem>>
      %dma_start3A_88 = tpu.memref_squeeze %dma_start3A_87 : memref<1x128xi32, #tpu.memory_space<vmem>> -> memref<128xi32, #tpu.memory_space<vmem>>
      %dma_start3A_89 = arith.constant 0 : i32
      %dma_start3A_90 = tpu.memref_slice %arg7[%dma_start3A_89] : memref<65536xf32, #tpu.memory_space<vmem_shared>> -> memref<65536xf32, #tpu.memory_space<vmem_shared>>
      tpu.enqueue_indirect_dma source(%arg5 : memref<128xf32, #tpu.memory_space<vmem>>) target(%dma_start3A_90 : memref<65536xf32, #tpu.memory_space<vmem_shared>>) offsets(%dma_start3A_88 : memref<128xi32, #tpu.memory_space<vmem>>) semaphore(%arg8 : memref<!tpu.dma_semaphore, #tpu.memory_space<semaphore_mem>>) {add = true}
      %mul3A_91 = arith.constant 16 : i32
      %mul3A_92 = arith.muli %scan3A_19, %mul3A_91 : i32
      %add3A_93 = arith.constant 8 : i32
      %add3A_94 = arith.addi %mul3A_92, %add3A_93 : i32
      %dma_start3A_95 = arith.constant 0 : i32
      %dma_start3A_96 = tpu.memref_slice %arg4[%add3A_94, %dma_start3A_95] : memref<144x128xi32, #tpu.memory_space<vmem>> -> memref<1x128xi32, #tpu.memory_space<vmem>>
      %dma_start3A_97 = tpu.memref_squeeze %dma_start3A_96 : memref<1x128xi32, #tpu.memory_space<vmem>> -> memref<128xi32, #tpu.memory_space<vmem>>
      %dma_start3A_98 = arith.constant 0 : i32
      %dma_start3A_99 = tpu.memref_slice %arg7[%dma_start3A_98] : memref<65536xf32, #tpu.memory_space<vmem_shared>> -> memref<65536xf32, #tpu.memory_space<vmem_shared>>
      tpu.enqueue_indirect_dma source(%arg5 : memref<128xf32, #tpu.memory_space<vmem>>) target(%dma_start3A_99 : memref<65536xf32, #tpu.memory_space<vmem_shared>>) offsets(%dma_start3A_97 : memref<128xi32, #tpu.memory_space<vmem>>) semaphore(%arg8 : memref<!tpu.dma_semaphore, #tpu.memory_space<semaphore_mem>>) {add = true}
      %mul3A_100 = arith.constant 16 : i32
      %mul3A_101 = arith.muli %scan3A_19, %mul3A_100 : i32
      %add3A_102 = arith.constant 9 : i32
      %add3A_103 = arith.addi %mul3A_101, %add3A_102 : i32
      %dma_start3A_104 = arith.constant 0 : i32
      %dma_start3A_105 = tpu.memref_slice %arg4[%add3A_103, %dma_start3A_104] : memref<144x128xi32, #tpu.memory_space<vmem>> -> memref<1x128xi32, #tpu.memory_space<vmem>>
      %dma_start3A_106 = tpu.memref_squeeze %dma_start3A_105 : memref<1x128xi32, #tpu.memory_space<vmem>> -> memref<128xi32, #tpu.memory_space<vmem>>
      %dma_start3A_107 = arith.constant 0 : i32
      %dma_start3A_108 = tpu.memref_slice %arg7[%dma_start3A_107] : memref<65536xf32, #tpu.memory_space<vmem_shared>> -> memref<65536xf32, #tpu.memory_space<vmem_shared>>
      tpu.enqueue_indirect_dma source(%arg5 : memref<128xf32, #tpu.memory_space<vmem>>) target(%dma_start3A_108 : memref<65536xf32, #tpu.memory_space<vmem_shared>>) offsets(%dma_start3A_106 : memref<128xi32, #tpu.memory_space<vmem>>) semaphore(%arg8 : memref<!tpu.dma_semaphore, #tpu.memory_space<semaphore_mem>>) {add = true}
      %mul3A_109 = arith.constant 16 : i32
      %mul3A_110 = arith.muli %scan3A_19, %mul3A_109 : i32
      %add3A_111 = arith.constant 10 : i32
      %add3A_112 = arith.addi %mul3A_110, %add3A_111 : i32
      %dma_start3A_113 = arith.constant 0 : i32
      %dma_start3A_114 = tpu.memref_slice %arg4[%add3A_112, %dma_start3A_113] : memref<144x128xi32, #tpu.memory_space<vmem>> -> memref<1x128xi32, #tpu.memory_space<vmem>>
      %dma_start3A_115 = tpu.memref_squeeze %dma_start3A_114 : memref<1x128xi32, #tpu.memory_space<vmem>> -> memref<128xi32, #tpu.memory_space<vmem>>
      %dma_start3A_116 = arith.constant 0 : i32
      %dma_start3A_117 = tpu.memref_slice %arg7[%dma_start3A_116] : memref<65536xf32, #tpu.memory_space<vmem_shared>> -> memref<65536xf32, #tpu.memory_space<vmem_shared>>
      tpu.enqueue_indirect_dma source(%arg5 : memref<128xf32, #tpu.memory_space<vmem>>) target(%dma_start3A_117 : memref<65536xf32, #tpu.memory_space<vmem_shared>>) offsets(%dma_start3A_115 : memref<128xi32, #tpu.memory_space<vmem>>) semaphore(%arg8 : memref<!tpu.dma_semaphore, #tpu.memory_space<semaphore_mem>>) {add = true}
      %mul3A_118 = arith.constant 16 : i32
      %mul3A_119 = arith.muli %scan3A_19, %mul3A_118 : i32
      %add3A_120 = arith.constant 11 : i32
      %add3A_121 = arith.addi %mul3A_119, %add3A_120 : i32
      %dma_start3A_122 = arith.constant 0 : i32
      %dma_start3A_123 = tpu.memref_slice %arg4[%add3A_121, %dma_start3A_122] : memref<144x128xi32, #tpu.memory_space<vmem>> -> memref<1x128xi32, #tpu.memory_space<vmem>>
      %dma_start3A_124 = tpu.memref_squeeze %dma_start3A_123 : memref<1x128xi32, #tpu.memory_space<vmem>> -> memref<128xi32, #tpu.memory_space<vmem>>
      %dma_start3A_125 = arith.constant 0 : i32
      %dma_start3A_126 = tpu.memref_slice %arg7[%dma_start3A_125] : memref<65536xf32, #tpu.memory_space<vmem_shared>> -> memref<65536xf32, #tpu.memory_space<vmem_shared>>
      tpu.enqueue_indirect_dma source(%arg5 : memref<128xf32, #tpu.memory_space<vmem>>) target(%dma_start3A_126 : memref<65536xf32, #tpu.memory_space<vmem_shared>>) offsets(%dma_start3A_124 : memref<128xi32, #tpu.memory_space<vmem>>) semaphore(%arg8 : memref<!tpu.dma_semaphore, #tpu.memory_space<semaphore_mem>>) {add = true}
      %mul3A_127 = arith.constant 16 : i32
      %mul3A_128 = arith.muli %scan3A_19, %mul3A_127 : i32
      %add3A_129 = arith.constant 12 : i32
      %add3A_130 = arith.addi %mul3A_128, %add3A_129 : i32
      %dma_start3A_131 = arith.constant 0 : i32
      %dma_start3A_132 = tpu.memref_slice %arg4[%add3A_130, %dma_start3A_131] : memref<144x128xi32, #tpu.memory_space<vmem>> -> memref<1x128xi32, #tpu.memory_space<vmem>>
      %dma_start3A_133 = tpu.memref_squeeze %dma_start3A_132 : memref<1x128xi32, #tpu.memory_space<vmem>> -> memref<128xi32, #tpu.memory_space<vmem>>
      %dma_start3A_134 = arith.constant 0 : i32
      %dma_start3A_135 = tpu.memref_slice %arg7[%dma_start3A_134] : memref<65536xf32, #tpu.memory_space<vmem_shared>> -> memref<65536xf32, #tpu.memory_space<vmem_shared>>
      tpu.enqueue_indirect_dma source(%arg5 : memref<128xf32, #tpu.memory_space<vmem>>) target(%dma_start3A_135 : memref<65536xf32, #tpu.memory_space<vmem_shared>>) offsets(%dma_start3A_133 : memref<128xi32, #tpu.memory_space<vmem>>) semaphore(%arg8 : memref<!tpu.dma_semaphore, #tpu.memory_space<semaphore_mem>>) {add = true}
      %mul3A_136 = arith.constant 16 : i32
      %mul3A_137 = arith.muli %scan3A_19, %mul3A_136 : i32
      %add3A_138 = arith.constant 13 : i32
      %add3A_139 = arith.addi %mul3A_137, %add3A_138 : i32
      %dma_start3A_140 = arith.constant 0 : i32
      %dma_start3A_141 = tpu.memref_slice %arg4[%add3A_139, %dma_start3A_140] : memref<144x128xi32, #tpu.memory_space<vmem>> -> memref<1x128xi32, #tpu.memory_space<vmem>>
      %dma_start3A_142 = tpu.memref_squeeze %dma_start3A_141 : memref<1x128xi32, #tpu.memory_space<vmem>> -> memref<128xi32, #tpu.memory_space<vmem>>
      %dma_start3A_143 = arith.constant 0 : i32
      %dma_start3A_144 = tpu.memref_slice %arg7[%dma_start3A_143] : memref<65536xf32, #tpu.memory_space<vmem_shared>> -> memref<65536xf32, #tpu.memory_space<vmem_shared>>
      tpu.enqueue_indirect_dma source(%arg5 : memref<128xf32, #tpu.memory_space<vmem>>) target(%dma_start3A_144 : memref<65536xf32, #tpu.memory_space<vmem_shared>>) offsets(%dma_start3A_142 : memref<128xi32, #tpu.memory_space<vmem>>) semaphore(%arg8 : memref<!tpu.dma_semaphore, #tpu.memory_space<semaphore_mem>>) {add = true}
      %mul3A_145 = arith.constant 16 : i32
      %mul3A_146 = arith.muli %scan3A_19, %mul3A_145 : i32
      %add3A_147 = arith.constant 14 : i32
      %add3A_148 = arith.addi %mul3A_146, %add3A_147 : i32
      %dma_start3A_149 = arith.constant 0 : i32
      %dma_start3A_150 = tpu.memref_slice %arg4[%add3A_148, %dma_start3A_149] : memref<144x128xi32, #tpu.memory_space<vmem>> -> memref<1x128xi32, #tpu.memory_space<vmem>>
      %dma_start3A_151 = tpu.memref_squeeze %dma_start3A_150 : memref<1x128xi32, #tpu.memory_space<vmem>> -> memref<128xi32, #tpu.memory_space<vmem>>
      %dma_start3A_152 = arith.constant 0 : i32
      %dma_start3A_153 = tpu.memref_slice %arg7[%dma_start3A_152] : memref<65536xf32, #tpu.memory_space<vmem_shared>> -> memref<65536xf32, #tpu.memory_space<vmem_shared>>
      tpu.enqueue_indirect_dma source(%arg5 : memref<128xf32, #tpu.memory_space<vmem>>) target(%dma_start3A_153 : memref<65536xf32, #tpu.memory_space<vmem_shared>>) offsets(%dma_start3A_151 : memref<128xi32, #tpu.memory_space<vmem>>) semaphore(%arg8 : memref<!tpu.dma_semaphore, #tpu.memory_space<semaphore_mem>>) {add = true}
      %mul3A_154 = arith.constant 16 : i32
      %mul3A_155 = arith.muli %scan3A_19, %mul3A_154 : i32
      %add3A_156 = arith.constant 15 : i32
      %add3A_157 = arith.addi %mul3A_155, %add3A_156 : i32
      %dma_start3A_158 = arith.constant 0 : i32
      %dma_start3A_159 = tpu.memref_slice %arg4[%add3A_157, %dma_start3A_158] : memref<144x128xi32, #tpu.memory_space<vmem>> -> memref<1x128xi32, #tpu.memory_space<vmem>>
      %dma_start3A_160 = tpu.memref_squeeze %dma_start3A_159 : memref<1x128xi32, #tpu.memory_space<vmem>> -> memref<128xi32, #tpu.memory_space<vmem>>
      %dma_start3A_161 = arith.constant 0 : i32
      %dma_start3A_162 = tpu.memref_slice %arg7[%dma_start3A_161] : memref<65536xf32, #tpu.memory_space<vmem_shared>> -> memref<65536xf32, #tpu.memory_space<vmem_shared>>
      tpu.enqueue_indirect_dma source(%arg5 : memref<128xf32, #tpu.memory_space<vmem>>) target(%dma_start3A_162 : memref<65536xf32, #tpu.memory_space<vmem_shared>>) offsets(%dma_start3A_160 : memref<128xi32, #tpu.memory_space<vmem>>) semaphore(%arg8 : memref<!tpu.dma_semaphore, #tpu.memory_space<semaphore_mem>>) {add = true}
      %dma_wait3A = arith.constant 0 : i32
      %dma_wait3A_163 = tpu.memref_slice %arg4[%add3A_23, %dma_wait3A] : memref<144x128xi32, #tpu.memory_space<vmem>> -> memref<1x128xi32, #tpu.memory_space<vmem>>
      %dma_wait3A_164 = tpu.memref_squeeze %dma_wait3A_163 : memref<1x128xi32, #tpu.memory_space<vmem>> -> memref<128xi32, #tpu.memory_space<vmem>>
      %dma_wait3A_165 = arith.constant 0 : i32
      %dma_wait3A_166 = tpu.memref_slice %arg7[%dma_wait3A_165] : memref<65536xf32, #tpu.memory_space<vmem_shared>> -> memref<65536xf32, #tpu.memory_space<vmem_shared>>
      tpu.wait_indirect_dma semaphore(%arg8 : memref<!tpu.dma_semaphore, #tpu.memory_space<semaphore_mem>>) src(%arg5 : memref<128xf32, #tpu.memory_space<vmem>>) dst(%dma_wait3A_166 : memref<65536xf32, #tpu.memory_space<vmem_shared>>)
      %dma_wait3A_167 = arith.constant 0 : i32
      %dma_wait3A_168 = tpu.memref_slice %arg4[%add3A_31, %dma_wait3A_167] : memref<144x128xi32, #tpu.memory_space<vmem>> -> memref<1x128xi32, #tpu.memory_space<vmem>>
      %dma_wait3A_169 = tpu.memref_squeeze %dma_wait3A_168 : memref<1x128xi32, #tpu.memory_space<vmem>> -> memref<128xi32, #tpu.memory_space<vmem>>
      %dma_wait3A_170 = arith.constant 0 : i32
      %dma_wait3A_171 = tpu.memref_slice %arg7[%dma_wait3A_170] : memref<65536xf32, #tpu.memory_space<vmem_shared>> -> memref<65536xf32, #tpu.memory_space<vmem_shared>>
      tpu.wait_indirect_dma semaphore(%arg8 : memref<!tpu.dma_semaphore, #tpu.memory_space<semaphore_mem>>) src(%arg5 : memref<128xf32, #tpu.memory_space<vmem>>) dst(%dma_wait3A_171 : memref<65536xf32, #tpu.memory_space<vmem_shared>>)
      %dma_wait3A_172 = arith.constant 0 : i32
      %dma_wait3A_173 = tpu.memref_slice %arg4[%add3A_40, %dma_wait3A_172] : memref<144x128xi32, #tpu.memory_space<vmem>> -> memref<1x128xi32, #tpu.memory_space<vmem>>
      %dma_wait3A_174 = tpu.memref_squeeze %dma_wait3A_173 : memref<1x128xi32, #tpu.memory_space<vmem>> -> memref<128xi32, #tpu.memory_space<vmem>>
      %dma_wait3A_175 = arith.constant 0 : i32
      %dma_wait3A_176 = tpu.memref_slice %arg7[%dma_wait3A_175] : memref<65536xf32, #tpu.memory_space<vmem_shared>> -> memref<65536xf32, #tpu.memory_space<vmem_shared>>
      tpu.wait_indirect_dma semaphore(%arg8 : memref<!tpu.dma_semaphore, #tpu.memory_space<semaphore_mem>>) src(%arg5 : memref<128xf32, #tpu.memory_space<vmem>>) dst(%dma_wait3A_176 : memref<65536xf32, #tpu.memory_space<vmem_shared>>)
      %dma_wait3A_177 = arith.constant 0 : i32
      %dma_wait3A_178 = tpu.memref_slice %arg4[%add3A_49, %dma_wait3A_177] : memref<144x128xi32, #tpu.memory_space<vmem>> -> memref<1x128xi32, #tpu.memory_space<vmem>>
      %dma_wait3A_179 = tpu.memref_squeeze %dma_wait3A_178 : memref<1x128xi32, #tpu.memory_space<vmem>> -> memref<128xi32, #tpu.memory_space<vmem>>
      %dma_wait3A_180 = arith.constant 0 : i32
      %dma_wait3A_181 = tpu.memref_slice %arg7[%dma_wait3A_180] : memref<65536xf32, #tpu.memory_space<vmem_shared>> -> memref<65536xf32, #tpu.memory_space<vmem_shared>>
      tpu.wait_indirect_dma semaphore(%arg8 : memref<!tpu.dma_semaphore, #tpu.memory_space<semaphore_mem>>) src(%arg5 : memref<128xf32, #tpu.memory_space<vmem>>) dst(%dma_wait3A_181 : memref<65536xf32, #tpu.memory_space<vmem_shared>>)
      %dma_wait3A_182 = arith.constant 0 : i32
      %dma_wait3A_183 = tpu.memref_slice %arg4[%add3A_58, %dma_wait3A_182] : memref<144x128xi32, #tpu.memory_space<vmem>> -> memref<1x128xi32, #tpu.memory_space<vmem>>
      %dma_wait3A_184 = tpu.memref_squeeze %dma_wait3A_183 : memref<1x128xi32, #tpu.memory_space<vmem>> -> memref<128xi32, #tpu.memory_space<vmem>>
      %dma_wait3A_185 = arith.constant 0 : i32
      %dma_wait3A_186 = tpu.memref_slice %arg7[%dma_wait3A_185] : memref<65536xf32, #tpu.memory_space<vmem_shared>> -> memref<65536xf32, #tpu.memory_space<vmem_shared>>
      tpu.wait_indirect_dma semaphore(%arg8 : memref<!tpu.dma_semaphore, #tpu.memory_space<semaphore_mem>>) src(%arg5 : memref<128xf32, #tpu.memory_space<vmem>>) dst(%dma_wait3A_186 : memref<65536xf32, #tpu.memory_space<vmem_shared>>)
      %dma_wait3A_187 = arith.constant 0 : i32
      %dma_wait3A_188 = tpu.memref_slice %arg4[%add3A_67, %dma_wait3A_187] : memref<144x128xi32, #tpu.memory_space<vmem>> -> memref<1x128xi32, #tpu.memory_space<vmem>>
      %dma_wait3A_189 = tpu.memref_squeeze %dma_wait3A_188 : memref<1x128xi32, #tpu.memory_space<vmem>> -> memref<128xi32, #tpu.memory_space<vmem>>
      %dma_wait3A_190 = arith.constant 0 : i32
      %dma_wait3A_191 = tpu.memref_slice %arg7[%dma_wait3A_190] : memref<65536xf32, #tpu.memory_space<vmem_shared>> -> memref<65536xf32, #tpu.memory_space<vmem_shared>>
      tpu.wait_indirect_dma semaphore(%arg8 : memref<!tpu.dma_semaphore, #tpu.memory_space<semaphore_mem>>) src(%arg5 : memref<128xf32, #tpu.memory_space<vmem>>) dst(%dma_wait3A_191 : memref<65536xf32, #tpu.memory_space<vmem_shared>>)
      %dma_wait3A_192 = arith.constant 0 : i32
      %dma_wait3A_193 = tpu.memref_slice %arg4[%add3A_76, %dma_wait3A_192] : memref<144x128xi32, #tpu.memory_space<vmem>> -> memref<1x128xi32, #tpu.memory_space<vmem>>
      %dma_wait3A_194 = tpu.memref_squeeze %dma_wait3A_193 : memref<1x128xi32, #tpu.memory_space<vmem>> -> memref<128xi32, #tpu.memory_space<vmem>>
      %dma_wait3A_195 = arith.constant 0 : i32
      %dma_wait3A_196 = tpu.memref_slice %arg7[%dma_wait3A_195] : memref<65536xf32, #tpu.memory_space<vmem_shared>> -> memref<65536xf32, #tpu.memory_space<vmem_shared>>
      tpu.wait_indirect_dma semaphore(%arg8 : memref<!tpu.dma_semaphore, #tpu.memory_space<semaphore_mem>>) src(%arg5 : memref<128xf32, #tpu.memory_space<vmem>>) dst(%dma_wait3A_196 : memref<65536xf32, #tpu.memory_space<vmem_shared>>)
      %dma_wait3A_197 = arith.constant 0 : i32
      %dma_wait3A_198 = tpu.memref_slice %arg4[%add3A_85, %dma_wait3A_197] : memref<144x128xi32, #tpu.memory_space<vmem>> -> memref<1x128xi32, #tpu.memory_space<vmem>>
      %dma_wait3A_199 = tpu.memref_squeeze %dma_wait3A_198 : memref<1x128xi32, #tpu.memory_space<vmem>> -> memref<128xi32, #tpu.memory_space<vmem>>
      %dma_wait3A_200 = arith.constant 0 : i32
      %dma_wait3A_201 = tpu.memref_slice %arg7[%dma_wait3A_200] : memref<65536xf32, #tpu.memory_space<vmem_shared>> -> memref<65536xf32, #tpu.memory_space<vmem_shared>>
      tpu.wait_indirect_dma semaphore(%arg8 : memref<!tpu.dma_semaphore, #tpu.memory_space<semaphore_mem>>) src(%arg5 : memref<128xf32, #tpu.memory_space<vmem>>) dst(%dma_wait3A_201 : memref<65536xf32, #tpu.memory_space<vmem_shared>>)
      %dma_wait3A_202 = arith.constant 0 : i32
      %dma_wait3A_203 = tpu.memref_slice %arg4[%add3A_94, %dma_wait3A_202] : memref<144x128xi32, #tpu.memory_space<vmem>> -> memref<1x128xi32, #tpu.memory_space<vmem>>
      %dma_wait3A_204 = tpu.memref_squeeze %dma_wait3A_203 : memref<1x128xi32, #tpu.memory_space<vmem>> -> memref<128xi32, #tpu.memory_space<vmem>>
      %dma_wait3A_205 = arith.constant 0 : i32
      %dma_wait3A_206 = tpu.memref_slice %arg7[%dma_wait3A_205] : memref<65536xf32, #tpu.memory_space<vmem_shared>> -> memref<65536xf32, #tpu.memory_space<vmem_shared>>
      tpu.wait_indirect_dma semaphore(%arg8 : memref<!tpu.dma_semaphore, #tpu.memory_space<semaphore_mem>>) src(%arg5 : memref<128xf32, #tpu.memory_space<vmem>>) dst(%dma_wait3A_206 : memref<65536xf32, #tpu.memory_space<vmem_shared>>)
      %dma_wait3A_207 = arith.constant 0 : i32
      %dma_wait3A_208 = tpu.memref_slice %arg4[%add3A_103, %dma_wait3A_207] : memref<144x128xi32, #tpu.memory_space<vmem>> -> memref<1x128xi32, #tpu.memory_space<vmem>>
      %dma_wait3A_209 = tpu.memref_squeeze %dma_wait3A_208 : memref<1x128xi32, #tpu.memory_space<vmem>> -> memref<128xi32, #tpu.memory_space<vmem>>
      %dma_wait3A_210 = arith.constant 0 : i32
      %dma_wait3A_211 = tpu.memref_slice %arg7[%dma_wait3A_210] : memref<65536xf32, #tpu.memory_space<vmem_shared>> -> memref<65536xf32, #tpu.memory_space<vmem_shared>>
      tpu.wait_indirect_dma semaphore(%arg8 : memref<!tpu.dma_semaphore, #tpu.memory_space<semaphore_mem>>) src(%arg5 : memref<128xf32, #tpu.memory_space<vmem>>) dst(%dma_wait3A_211 : memref<65536xf32, #tpu.memory_space<vmem_shared>>)
      %dma_wait3A_212 = arith.constant 0 : i32
      %dma_wait3A_213 = tpu.memref_slice %arg4[%add3A_112, %dma_wait3A_212] : memref<144x128xi32, #tpu.memory_space<vmem>> -> memref<1x128xi32, #tpu.memory_space<vmem>>
      %dma_wait3A_214 = tpu.memref_squeeze %dma_wait3A_213 : memref<1x128xi32, #tpu.memory_space<vmem>> -> memref<128xi32, #tpu.memory_space<vmem>>
      %dma_wait3A_215 = arith.constant 0 : i32
      %dma_wait3A_216 = tpu.memref_slice %arg7[%dma_wait3A_215] : memref<65536xf32, #tpu.memory_space<vmem_shared>> -> memref<65536xf32, #tpu.memory_space<vmem_shared>>
      tpu.wait_indirect_dma semaphore(%arg8 : memref<!tpu.dma_semaphore, #tpu.memory_space<semaphore_mem>>) src(%arg5 : memref<128xf32, #tpu.memory_space<vmem>>) dst(%dma_wait3A_216 : memref<65536xf32, #tpu.memory_space<vmem_shared>>)
      %dma_wait3A_217 = arith.constant 0 : i32
      %dma_wait3A_218 = tpu.memref_slice %arg4[%add3A_121, %dma_wait3A_217] : memref<144x128xi32, #tpu.memory_space<vmem>> -> memref<1x128xi32, #tpu.memory_space<vmem>>
      %dma_wait3A_219 = tpu.memref_squeeze %dma_wait3A_218 : memref<1x128xi32, #tpu.memory_space<vmem>> -> memref<128xi32, #tpu.memory_space<vmem>>
      %dma_wait3A_220 = arith.constant 0 : i32
      %dma_wait3A_221 = tpu.memref_slice %arg7[%dma_wait3A_220] : memref<65536xf32, #tpu.memory_space<vmem_shared>> -> memref<65536xf32, #tpu.memory_space<vmem_shared>>
      tpu.wait_indirect_dma semaphore(%arg8 : memref<!tpu.dma_semaphore, #tpu.memory_space<semaphore_mem>>) src(%arg5 : memref<128xf32, #tpu.memory_space<vmem>>) dst(%dma_wait3A_221 : memref<65536xf32, #tpu.memory_space<vmem_shared>>)
      %dma_wait3A_222 = arith.constant 0 : i32
      %dma_wait3A_223 = tpu.memref_slice %arg4[%add3A_130, %dma_wait3A_222] : memref<144x128xi32, #tpu.memory_space<vmem>> -> memref<1x128xi32, #tpu.memory_space<vmem>>
      %dma_wait3A_224 = tpu.memref_squeeze %dma_wait3A_223 : memref<1x128xi32, #tpu.memory_space<vmem>> -> memref<128xi32, #tpu.memory_space<vmem>>
      %dma_wait3A_225 = arith.constant 0 : i32
      %dma_wait3A_226 = tpu.memref_slice %arg7[%dma_wait3A_225] : memref<65536xf32, #tpu.memory_space<vmem_shared>> -> memref<65536xf32, #tpu.memory_space<vmem_shared>>
      tpu.wait_indirect_dma semaphore(%arg8 : memref<!tpu.dma_semaphore, #tpu.memory_space<semaphore_mem>>) src(%arg5 : memref<128xf32, #tpu.memory_space<vmem>>) dst(%dma_wait3A_226 : memref<65536xf32, #tpu.memory_space<vmem_shared>>)
      %dma_wait3A_227 = arith.constant 0 : i32
      %dma_wait3A_228 = tpu.memref_slice %arg4[%add3A_139, %dma_wait3A_227] : memref<144x128xi32, #tpu.memory_space<vmem>> -> memref<1x128xi32, #tpu.memory_space<vmem>>
      %dma_wait3A_229 = tpu.memref_squeeze %dma_wait3A_228 : memref<1x128xi32, #tpu.memory_space<vmem>> -> memref<128xi32, #tpu.memory_space<vmem>>
      %dma_wait3A_230 = arith.constant 0 : i32
      %dma_wait3A_231 = tpu.memref_slice %arg7[%dma_wait3A_230] : memref<65536xf32, #tpu.memory_space<vmem_shared>> -> memref<65536xf32, #tpu.memory_space<vmem_shared>>
      tpu.wait_indirect_dma semaphore(%arg8 : memref<!tpu.dma_semaphore, #tpu.memory_space<semaphore_mem>>) src(%arg5 : memref<128xf32, #tpu.memory_space<vmem>>) dst(%dma_wait3A_231 : memref<65536xf32, #tpu.memory_space<vmem_shared>>)
      %dma_wait3A_232 = arith.constant 0 : i32
      %dma_wait3A_233 = tpu.memref_slice %arg4[%add3A_148, %dma_wait3A_232] : memref<144x128xi32, #tpu.memory_space<vmem>> -> memref<1x128xi32, #tpu.memory_space<vmem>>
      %dma_wait3A_234 = tpu.memref_squeeze %dma_wait3A_233 : memref<1x128xi32, #tpu.memory_space<vmem>> -> memref<128xi32, #tpu.memory_space<vmem>>
      %dma_wait3A_235 = arith.constant 0 : i32
      %dma_wait3A_236 = tpu.memref_slice %arg7[%dma_wait3A_235] : memref<65536xf32, #tpu.memory_space<vmem_shared>> -> memref<65536xf32, #tpu.memory_space<vmem_shared>>
      tpu.wait_indirect_dma semaphore(%arg8 : memref<!tpu.dma_semaphore, #tpu.memory_space<semaphore_mem>>) src(%arg5 : memref<128xf32, #tpu.memory_space<vmem>>) dst(%dma_wait3A_236 : memref<65536xf32, #tpu.memory_space<vmem_shared>>)
      %dma_wait3A_237 = arith.constant 0 : i32
      %dma_wait3A_238 = tpu.memref_slice %arg4[%add3A_157, %dma_wait3A_237] : memref<144x128xi32, #tpu.memory_space<vmem>> -> memref<1x128xi32, #tpu.memory_space<vmem>>
      %dma_wait3A_239 = tpu.memref_squeeze %dma_wait3A_238 : memref<1x128xi32, #tpu.memory_space<vmem>> -> memref<128xi32, #tpu.memory_space<vmem>>
      %dma_wait3A_240 = arith.constant 0 : i32
      %dma_wait3A_241 = tpu.memref_slice %arg7[%dma_wait3A_240] : memref<65536xf32, #tpu.memory_space<vmem_shared>> -> memref<65536xf32, #tpu.memory_space<vmem_shared>>
      tpu.wait_indirect_dma semaphore(%arg8 : memref<!tpu.dma_semaphore, #tpu.memory_space<semaphore_mem>>) src(%arg5 : memref<128xf32, #tpu.memory_space<vmem>>) dst(%dma_wait3A_241 : memref<65536xf32, #tpu.memory_space<vmem_shared>>)
    }
    %scan3A_13 = arith.constant 9 : i32
    %barrier3A_14 = arith.constant 0 : index
    tpu.barrier barrier_id(%barrier3A_14)
    %mul3A_15 = arith.constant 4096 : i32
    %mul3A_16 = arith.muli %arg1, %mul3A_15 : i32
    %mul3A_17 = arith.constant 4096 : i32
    %mul3A_18 = arith.muli %arg1, %mul3A_17 : i32
    "tpu.region"() ({
      %run_scoped3A = tpu.sem_alloc : memref<!tpu.dma_semaphore, #tpu.memory_space<semaphore_mem>>
      %dma_start3A = tpu.memref_slice %arg3[%arg0, %mul3A_18] : memref<2x65536xf32, #tpu.memory_space<hbm>> -> memref<1x4096xf32, #tpu.memory_space<hbm>>
      %dma_start3A_19 = tpu.memref_squeeze %dma_start3A : memref<1x4096xf32, #tpu.memory_space<hbm>> -> memref<4096xf32, #tpu.memory_space<hbm>>
      %dma_start3A_20 = tpu.memref_slice %arg7[%mul3A_16] : memref<65536xf32, #tpu.memory_space<vmem_shared>> -> memref<4096xf32, #tpu.memory_space<vmem_shared>>
      tpu.enqueue_dma source(%dma_start3A_20 : memref<4096xf32, #tpu.memory_space<vmem_shared>>) target(%dma_start3A_19 : memref<4096xf32, #tpu.memory_space<hbm>>) target_semaphore(%run_scoped3A : memref<!tpu.dma_semaphore, #tpu.memory_space<semaphore_mem>>)
      %dma_wait3A = tpu.memref_slice %arg3[%arg0, %mul3A_18] : memref<2x65536xf32, #tpu.memory_space<hbm>> -> memref<1x4096xf32, #tpu.memory_space<hbm>>
      %dma_wait3A_21 = tpu.memref_squeeze %dma_wait3A : memref<1x4096xf32, #tpu.memory_space<hbm>> -> memref<4096xf32, #tpu.memory_space<hbm>>
      %dma_wait3A_22 = tpu.memref_slice %arg7[%mul3A_16] : memref<65536xf32, #tpu.memory_space<vmem_shared>> -> memref<4096xf32, #tpu.memory_space<vmem_shared>>
      tpu.wait_dma2 semaphore(%run_scoped3A : memref<!tpu.dma_semaphore, #tpu.memory_space<semaphore_mem>>) src(%dma_wait3A_22 : memref<4096xf32, #tpu.memory_space<vmem_shared>>) dst(%dma_wait3A_21 : memref<4096xf32, #tpu.memory_space<hbm>>)
      tpu.yield
    }) : () -> ()
    return
  }
}

#map = affine_map<(d0, d1) -> (0, 0)>
#map1 = affine_map<(d0, d1) -> (0)>
module attributes {stable_mosaic.version = 14 : i64} {
  func.func @_gather_body(%arg0: i32, %arg1: i32, %arg2: memref<4608x128xi32, #tpu.memory_space<hbm>>, %arg3: memref<3584x128xi32, #tpu.memory_space<hbm>>, %arg4: memref<65536xf32, #tpu.memory_space<hbm>>, %arg5: memref<8192x128xf32, #tpu.memory_space<hbm>>, %arg6: memref<65536xf32, #tpu.memory_space<vmem>>, %arg7: memref<144x128xi32, #tpu.memory_space<vmem>>, %arg8: memref<144x128xf32, #tpu.memory_space<vmem>>, %arg9: memref<144x128xf32, #tpu.memory_space<vmem>>, %arg10: memref<!tpu.dma_semaphore, #tpu.memory_space<semaphore_mem>>, %arg11: memref<!tpu.dma_semaphore, #tpu.memory_space<semaphore_mem>>, %arg12: memref<!tpu.dma_semaphore, #tpu.memory_space<semaphore_mem>>) attributes {dimension_semantics = [#tpu.dimension_semantics<core_parallel>, #tpu.dimension_semantics<subcore_parallel>], iteration_bounds = array<i64: 2, 16>, scalar_prefetch = 0 : i64, scratch_operands = 7 : i64, tpu.core_type = #tpu.core_type<sc_vector_subcore>, window_params = [{transform_indices = #map}, {transform_indices = #map}, {transform_indices = #map1}, {transform_indices = #map}]} {
    %mul3A = arith.constant 16 : i32
    %mul3A_0 = arith.muli %arg0, %mul3A : i32
    %add3A = arith.addi %mul3A_0, %arg1 : i32
    tpu.enqueue_dma source(%arg4 : memref<65536xf32, #tpu.memory_space<hbm>>) target(%arg6 : memref<65536xf32, #tpu.memory_space<vmem>>) target_semaphore(%arg10 : memref<!tpu.dma_semaphore, #tpu.memory_space<semaphore_mem>>)
    %mul3A_1 = arith.constant 144 : i32
    %mul3A_2 = arith.muli %add3A, %mul3A_1 : i32
    %dma_start3A = arith.constant 0 : i32
    %dma_start3A_3 = arith.constant 0 : i32
    %dma_start3A_4 = tpu.memref_slice %arg7[%dma_start3A, %dma_start3A_3] : memref<144x128xi32, #tpu.memory_space<vmem>> -> memref<144x128xi32, #tpu.memory_space<vmem>>
    %dma_start3A_5 = arith.constant 0 : i32
    %dma_start3A_6 = tpu.memref_slice %arg2[%mul3A_2, %dma_start3A_5] : memref<4608x128xi32, #tpu.memory_space<hbm>> -> memref<144x128xi32, #tpu.memory_space<hbm>>
    %dma_start3A_7 = arith.constant 0 : i32
    %dma_start3A_8 = arith.constant 0 : i32
    %dma_start3A_9 = tpu.memref_slice %arg7[%dma_start3A_7, %dma_start3A_8] : memref<144x128xi32, #tpu.memory_space<vmem>> -> memref<144x128xi32, #tpu.memory_space<vmem>>
    %dma_start3A_10 = arith.constant 0 : i32
    %dma_start3A_11 = tpu.memref_slice %arg2[%mul3A_2, %dma_start3A_10] : memref<4608x128xi32, #tpu.memory_space<hbm>> -> memref<144x128xi32, #tpu.memory_space<hbm>>
    tpu.enqueue_dma source(%dma_start3A_11 : memref<144x128xi32, #tpu.memory_space<hbm>>) target(%dma_start3A_9 : memref<144x128xi32, #tpu.memory_space<vmem>>) target_semaphore(%arg11 : memref<!tpu.dma_semaphore, #tpu.memory_space<semaphore_mem>>)
    tpu.wait_dma2 semaphore(%arg10 : memref<!tpu.dma_semaphore, #tpu.memory_space<semaphore_mem>>) src(%arg4 : memref<65536xf32, #tpu.memory_space<hbm>>) dst(%arg6 : memref<65536xf32, #tpu.memory_space<vmem>>)
    %dma_wait3A = arith.constant 0 : i32
    %dma_wait3A_12 = arith.constant 0 : i32
    %dma_wait3A_13 = tpu.memref_slice %arg7[%dma_wait3A, %dma_wait3A_12] : memref<144x128xi32, #tpu.memory_space<vmem>> -> memref<144x128xi32, #tpu.memory_space<vmem>>
    %dma_wait3A_14 = arith.constant 0 : i32
    %dma_wait3A_15 = tpu.memref_slice %arg2[%mul3A_2, %dma_wait3A_14] : memref<4608x128xi32, #tpu.memory_space<hbm>> -> memref<144x128xi32, #tpu.memory_space<hbm>>
    %dma_wait3A_16 = arith.constant 0 : i32
    %dma_wait3A_17 = arith.constant 0 : i32
    %dma_wait3A_18 = tpu.memref_slice %arg7[%dma_wait3A_16, %dma_wait3A_17] : memref<144x128xi32, #tpu.memory_space<vmem>> -> memref<144x128xi32, #tpu.memory_space<vmem>>
    %dma_wait3A_19 = arith.constant 0 : i32
    %dma_wait3A_20 = tpu.memref_slice %arg2[%mul3A_2, %dma_wait3A_19] : memref<4608x128xi32, #tpu.memory_space<hbm>> -> memref<144x128xi32, #tpu.memory_space<hbm>>
    tpu.wait_dma2 semaphore(%arg11 : memref<!tpu.dma_semaphore, #tpu.memory_space<semaphore_mem>>) src(%dma_wait3A_20 : memref<144x128xi32, #tpu.memory_space<hbm>>) dst(%dma_wait3A_18 : memref<144x128xi32, #tpu.memory_space<vmem>>)
    %mul3A_21 = arith.constant 144 : i32
    %mul3A_22 = arith.muli %add3A, %mul3A_21 : i32
    %parallel_loop3A = arith.constant 0 : i32
    %parallel_loop3A_23 = arith.constant 144 : i32
    %parallel_loop3A_24 = arith.constant 1 : i32
    scf.for %parallel_loop3A_96 = %parallel_loop3A to %parallel_loop3A_23 step %parallel_loop3A_24  : i32 {
      %parallel_loop3A_97 = arith.index_cast %parallel_loop3A_96 : i32 to index
      %parallel_loop3A_98 = arith.constant 0 : index
      %parallel_loop3A_99 = tpu.vector_load %arg7[%parallel_loop3A_97, %parallel_loop3A_98] {strides = array<i32>} : memref<144x128xi32, #tpu.memory_space<vmem>>, vector<16xi32>,
      %parallel_loop3A_100 = tpu.vector_load_idx %arg6[%parallel_loop3A_99] : memref<65536xf32, #tpu.memory_space<vmem>>[vector<16xi32>], vector<16xf32>,
      %parallel_loop3A_101 = arith.index_cast %parallel_loop3A_96 : i32 to index
      %parallel_loop3A_102 = arith.constant 0 : index
      %parallel_loop3A_103 = tpu.vector_load %arg8[%parallel_loop3A_101, %parallel_loop3A_102] {strides = array<i32>} : memref<144x128xf32, #tpu.memory_space<vmem>>, vector<16xf32>,
      tpu.vector_store %arg8[%parallel_loop3A_101, %parallel_loop3A_102], %parallel_loop3A_100 {strides = array<i32>} : memref<144x128xf32, #tpu.memory_space<vmem>>, vector<16xf32>,
      %parallel_loop3A_104 = arith.index_cast %parallel_loop3A_96 : i32 to index
      %parallel_loop3A_105 = arith.constant 16 : index
      %parallel_loop3A_106 = tpu.vector_load %arg7[%parallel_loop3A_104, %parallel_loop3A_105] {strides = array<i32>} : memref<144x128xi32, #tpu.memory_space<vmem>>, vector<16xi32>,
      %parallel_loop3A_107 = tpu.vector_load_idx %arg6[%parallel_loop3A_106] : memref<65536xf32, #tpu.memory_space<vmem>>[vector<16xi32>], vector<16xf32>,
      %parallel_loop3A_108 = arith.index_cast %parallel_loop3A_96 : i32 to index
      %parallel_loop3A_109 = arith.constant 16 : index
      %parallel_loop3A_110 = tpu.vector_load %arg8[%parallel_loop3A_108, %parallel_loop3A_109] {strides = array<i32>} : memref<144x128xf32, #tpu.memory_space<vmem>>, vector<16xf32>,
      tpu.vector_store %arg8[%parallel_loop3A_108, %parallel_loop3A_109], %parallel_loop3A_107 {strides = array<i32>} : memref<144x128xf32, #tpu.memory_space<vmem>>, vector<16xf32>,
      %parallel_loop3A_111 = arith.index_cast %parallel_loop3A_96 : i32 to index
      %parallel_loop3A_112 = arith.constant 32 : index
      %parallel_loop3A_113 = tpu.vector_load %arg7[%parallel_loop3A_111, %parallel_loop3A_112] {strides = array<i32>} : memref<144x128xi32, #tpu.memory_space<vmem>>, vector<16xi32>,
      %parallel_loop3A_114 = tpu.vector_load_idx %arg6[%parallel_loop3A_113] : memref<65536xf32, #tpu.memory_space<vmem>>[vector<16xi32>], vector<16xf32>,
      %parallel_loop3A_115 = arith.index_cast %parallel_loop3A_96 : i32 to index
      %parallel_loop3A_116 = arith.constant 32 : index
      %parallel_loop3A_117 = tpu.vector_load %arg8[%parallel_loop3A_115, %parallel_loop3A_116] {strides = array<i32>} : memref<144x128xf32, #tpu.memory_space<vmem>>, vector<16xf32>,
      tpu.vector_store %arg8[%parallel_loop3A_115, %parallel_loop3A_116], %parallel_loop3A_114 {strides = array<i32>} : memref<144x128xf32, #tpu.memory_space<vmem>>, vector<16xf32>,
      %parallel_loop3A_118 = arith.index_cast %parallel_loop3A_96 : i32 to index
      %parallel_loop3A_119 = arith.constant 48 : index
      %parallel_loop3A_120 = tpu.vector_load %arg7[%parallel_loop3A_118, %parallel_loop3A_119] {strides = array<i32>} : memref<144x128xi32, #tpu.memory_space<vmem>>, vector<16xi32>,
      %parallel_loop3A_121 = tpu.vector_load_idx %arg6[%parallel_loop3A_120] : memref<65536xf32, #tpu.memory_space<vmem>>[vector<16xi32>], vector<16xf32>,
      %parallel_loop3A_122 = arith.index_cast %parallel_loop3A_96 : i32 to index
      %parallel_loop3A_123 = arith.constant 48 : index
      %parallel_loop3A_124 = tpu.vector_load %arg8[%parallel_loop3A_122, %parallel_loop3A_123] {strides = array<i32>} : memref<144x128xf32, #tpu.memory_space<vmem>>, vector<16xf32>,
      tpu.vector_store %arg8[%parallel_loop3A_122, %parallel_loop3A_123], %parallel_loop3A_121 {strides = array<i32>} : memref<144x128xf32, #tpu.memory_space<vmem>>, vector<16xf32>,
      %parallel_loop3A_125 = arith.index_cast %parallel_loop3A_96 : i32 to index
      %parallel_loop3A_126 = arith.constant 64 : index
      %parallel_loop3A_127 = tpu.vector_load %arg7[%parallel_loop3A_125, %parallel_loop3A_126] {strides = array<i32>} : memref<144x128xi32, #tpu.memory_space<vmem>>, vector<16xi32>,
      %parallel_loop3A_128 = tpu.vector_load_idx %arg6[%parallel_loop3A_127] : memref<65536xf32, #tpu.memory_space<vmem>>[vector<16xi32>], vector<16xf32>,
      %parallel_loop3A_129 = arith.index_cast %parallel_loop3A_96 : i32 to index
      %parallel_loop3A_130 = arith.constant 64 : index
      %parallel_loop3A_131 = tpu.vector_load %arg8[%parallel_loop3A_129, %parallel_loop3A_130] {strides = array<i32>} : memref<144x128xf32, #tpu.memory_space<vmem>>, vector<16xf32>,
      tpu.vector_store %arg8[%parallel_loop3A_129, %parallel_loop3A_130], %parallel_loop3A_128 {strides = array<i32>} : memref<144x128xf32, #tpu.memory_space<vmem>>, vector<16xf32>,
      %parallel_loop3A_132 = arith.index_cast %parallel_loop3A_96 : i32 to index
      %parallel_loop3A_133 = arith.constant 80 : index
      %parallel_loop3A_134 = tpu.vector_load %arg7[%parallel_loop3A_132, %parallel_loop3A_133] {strides = array<i32>} : memref<144x128xi32, #tpu.memory_space<vmem>>, vector<16xi32>,
      %parallel_loop3A_135 = tpu.vector_load_idx %arg6[%parallel_loop3A_134] : memref<65536xf32, #tpu.memory_space<vmem>>[vector<16xi32>], vector<16xf32>,
      %parallel_loop3A_136 = arith.index_cast %parallel_loop3A_96 : i32 to index
      %parallel_loop3A_137 = arith.constant 80 : index
      %parallel_loop3A_138 = tpu.vector_load %arg8[%parallel_loop3A_136, %parallel_loop3A_137] {strides = array<i32>} : memref<144x128xf32, #tpu.memory_space<vmem>>, vector<16xf32>,
      tpu.vector_store %arg8[%parallel_loop3A_136, %parallel_loop3A_137], %parallel_loop3A_135 {strides = array<i32>} : memref<144x128xf32, #tpu.memory_space<vmem>>, vector<16xf32>,
      %parallel_loop3A_139 = arith.index_cast %parallel_loop3A_96 : i32 to index
      %parallel_loop3A_140 = arith.constant 96 : index
      %parallel_loop3A_141 = tpu.vector_load %arg7[%parallel_loop3A_139, %parallel_loop3A_140] {strides = array<i32>} : memref<144x128xi32, #tpu.memory_space<vmem>>, vector<16xi32>,
      %parallel_loop3A_142 = tpu.vector_load_idx %arg6[%parallel_loop3A_141] : memref<65536xf32, #tpu.memory_space<vmem>>[vector<16xi32>], vector<16xf32>,
      %parallel_loop3A_143 = arith.index_cast %parallel_loop3A_96 : i32 to index
      %parallel_loop3A_144 = arith.constant 96 : index
      %parallel_loop3A_145 = tpu.vector_load %arg8[%parallel_loop3A_143, %parallel_loop3A_144] {strides = array<i32>} : memref<144x128xf32, #tpu.memory_space<vmem>>, vector<16xf32>,
      tpu.vector_store %arg8[%parallel_loop3A_143, %parallel_loop3A_144], %parallel_loop3A_142 {strides = array<i32>} : memref<144x128xf32, #tpu.memory_space<vmem>>, vector<16xf32>,
      %parallel_loop3A_146 = arith.index_cast %parallel_loop3A_96 : i32 to index
      %parallel_loop3A_147 = arith.constant 112 : index
      %parallel_loop3A_148 = tpu.vector_load %arg7[%parallel_loop3A_146, %parallel_loop3A_147] {strides = array<i32>} : memref<144x128xi32, #tpu.memory_space<vmem>>, vector<16xi32>,
      %parallel_loop3A_149 = tpu.vector_load_idx %arg6[%parallel_loop3A_148] : memref<65536xf32, #tpu.memory_space<vmem>>[vector<16xi32>], vector<16xf32>,
      %parallel_loop3A_150 = arith.index_cast %parallel_loop3A_96 : i32 to index
      %parallel_loop3A_151 = arith.constant 112 : index
      %parallel_loop3A_152 = tpu.vector_load %arg8[%parallel_loop3A_150, %parallel_loop3A_151] {strides = array<i32>} : memref<144x128xf32, #tpu.memory_space<vmem>>, vector<16xf32>,
      tpu.vector_store %arg8[%parallel_loop3A_150, %parallel_loop3A_151], %parallel_loop3A_149 {strides = array<i32>} : memref<144x128xf32, #tpu.memory_space<vmem>>, vector<16xf32>,
    } {sc.loop_unroll_factor = 4 : i64, sc.parallel_access}
    %add3A_25 = arith.constant 0 : i32
    %add3A_26 = arith.addi %add3A_25, %mul3A_22 : i32
    %dma_start3A_27 = arith.constant 0 : i32
    %dma_start3A_28 = arith.constant 0 : i32
    %dma_start3A_29 = tpu.memref_slice %arg8[%dma_start3A_27, %dma_start3A_28] : memref<144x128xf32, #tpu.memory_space<vmem>> -> memref<144x128xf32, #tpu.memory_space<vmem>>
    %dma_start3A_30 = arith.constant 0 : i32
    %dma_start3A_31 = tpu.memref_slice %arg5[%add3A_26, %dma_start3A_30] : memref<8192x128xf32, #tpu.memory_space<hbm>> -> memref<144x128xf32, #tpu.memory_space<hbm>>
    %dma_start3A_32 = arith.constant 0 : i32
    %dma_start3A_33 = tpu.memref_slice %arg5[%add3A_26, %dma_start3A_32] : memref<8192x128xf32, #tpu.memory_space<hbm>> -> memref<144x128xf32, #tpu.memory_space<hbm>>
    %dma_start3A_34 = arith.constant 0 : i32
    %dma_start3A_35 = arith.constant 0 : i32
    %dma_start3A_36 = tpu.memref_slice %arg8[%dma_start3A_34, %dma_start3A_35] : memref<144x128xf32, #tpu.memory_space<vmem>> -> memref<144x128xf32, #tpu.memory_space<vmem>>
    tpu.enqueue_dma source(%dma_start3A_36 : memref<144x128xf32, #tpu.memory_space<vmem>>) target(%dma_start3A_33 : memref<144x128xf32, #tpu.memory_space<hbm>>) target_semaphore(%arg12 : memref<!tpu.dma_semaphore, #tpu.memory_space<semaphore_mem>>)
    %mul3A_37 = arith.constant 112 : i32
    %mul3A_38 = arith.muli %add3A, %mul3A_37 : i32
    %dma_start3A_39 = arith.constant 0 : i32
    %dma_start3A_40 = arith.constant 0 : i32
    %dma_start3A_41 = tpu.memref_slice %arg7[%dma_start3A_39, %dma_start3A_40] : memref<144x128xi32, #tpu.memory_space<vmem>> -> memref<112x128xi32, #tpu.memory_space<vmem>>
    %dma_start3A_42 = arith.constant 0 : i32
    %dma_start3A_43 = tpu.memref_slice %arg3[%mul3A_38, %dma_start3A_42] : memref<3584x128xi32, #tpu.memory_space<hbm>> -> memref<112x128xi32, #tpu.memory_space<hbm>>
    %dma_start3A_44 = arith.constant 0 : i32
    %dma_start3A_45 = arith.constant 0 : i32
    %dma_start3A_46 = tpu.memref_slice %arg7[%dma_start3A_44, %dma_start3A_45] : memref<144x128xi32, #tpu.memory_space<vmem>> -> memref<112x128xi32, #tpu.memory_space<vmem>>
    %dma_start3A_47 = arith.constant 0 : i32
    %dma_start3A_48 = tpu.memref_slice %arg3[%mul3A_38, %dma_start3A_47] : memref<3584x128xi32, #tpu.memory_space<hbm>> -> memref<112x128xi32, #tpu.memory_space<hbm>>
    tpu.enqueue_dma source(%dma_start3A_48 : memref<112x128xi32, #tpu.memory_space<hbm>>) target(%dma_start3A_46 : memref<112x128xi32, #tpu.memory_space<vmem>>) target_semaphore(%arg11 : memref<!tpu.dma_semaphore, #tpu.memory_space<semaphore_mem>>)
    %dma_wait3A_49 = arith.constant 0 : i32
    %dma_wait3A_50 = arith.constant 0 : i32
    %dma_wait3A_51 = tpu.memref_slice %arg7[%dma_wait3A_49, %dma_wait3A_50] : memref<144x128xi32, #tpu.memory_space<vmem>> -> memref<112x128xi32, #tpu.memory_space<vmem>>
    %dma_wait3A_52 = arith.constant 0 : i32
    %dma_wait3A_53 = tpu.memref_slice %arg3[%mul3A_38, %dma_wait3A_52] : memref<3584x128xi32, #tpu.memory_space<hbm>> -> memref<112x128xi32, #tpu.memory_space<hbm>>
    %dma_wait3A_54 = arith.constant 0 : i32
    %dma_wait3A_55 = arith.constant 0 : i32
    %dma_wait3A_56 = tpu.memref_slice %arg7[%dma_wait3A_54, %dma_wait3A_55] : memref<144x128xi32, #tpu.memory_space<vmem>> -> memref<112x128xi32, #tpu.memory_space<vmem>>
    %dma_wait3A_57 = arith.constant 0 : i32
    %dma_wait3A_58 = tpu.memref_slice %arg3[%mul3A_38, %dma_wait3A_57] : memref<3584x128xi32, #tpu.memory_space<hbm>> -> memref<112x128xi32, #tpu.memory_space<hbm>>
    tpu.wait_dma2 semaphore(%arg11 : memref<!tpu.dma_semaphore, #tpu.memory_space<semaphore_mem>>) src(%dma_wait3A_58 : memref<112x128xi32, #tpu.memory_space<hbm>>) dst(%dma_wait3A_56 : memref<112x128xi32, #tpu.memory_space<vmem>>)
    %mul3A_59 = arith.constant 112 : i32
    %mul3A_60 = arith.muli %add3A, %mul3A_59 : i32
    %parallel_loop3A_61 = arith.constant 0 : i32
    %parallel_loop3A_62 = arith.constant 112 : i32
    %parallel_loop3A_63 = arith.constant 1 : i32
    scf.for %parallel_loop3A_96 = %parallel_loop3A_61 to %parallel_loop3A_62 step %parallel_loop3A_63  : i32 {
      %parallel_loop3A_97 = arith.index_cast %parallel_loop3A_96 : i32 to index
      %parallel_loop3A_98 = arith.constant 0 : index
      %parallel_loop3A_99 = tpu.vector_load %arg7[%parallel_loop3A_97, %parallel_loop3A_98] {strides = array<i32>} : memref<144x128xi32, #tpu.memory_space<vmem>>, vector<16xi32>,
      %parallel_loop3A_100 = tpu.vector_load_idx %arg6[%parallel_loop3A_99] : memref<65536xf32, #tpu.memory_space<vmem>>[vector<16xi32>], vector<16xf32>,
      %parallel_loop3A_101 = arith.index_cast %parallel_loop3A_96 : i32 to index
      %parallel_loop3A_102 = arith.constant 0 : index
      %parallel_loop3A_103 = tpu.vector_load %arg9[%parallel_loop3A_101, %parallel_loop3A_102] {strides = array<i32>} : memref<144x128xf32, #tpu.memory_space<vmem>>, vector<16xf32>,
      tpu.vector_store %arg9[%parallel_loop3A_101, %parallel_loop3A_102], %parallel_loop3A_100 {strides = array<i32>} : memref<144x128xf32, #tpu.memory_space<vmem>>, vector<16xf32>,
      %parallel_loop3A_104 = arith.index_cast %parallel_loop3A_96 : i32 to index
      %parallel_loop3A_105 = arith.constant 16 : index
      %parallel_loop3A_106 = tpu.vector_load %arg7[%parallel_loop3A_104, %parallel_loop3A_105] {strides = array<i32>} : memref<144x128xi32, #tpu.memory_space<vmem>>, vector<16xi32>,
      %parallel_loop3A_107 = tpu.vector_load_idx %arg6[%parallel_loop3A_106] : memref<65536xf32, #tpu.memory_space<vmem>>[vector<16xi32>], vector<16xf32>,
      %parallel_loop3A_108 = arith.index_cast %parallel_loop3A_96 : i32 to index
      %parallel_loop3A_109 = arith.constant 16 : index
      %parallel_loop3A_110 = tpu.vector_load %arg9[%parallel_loop3A_108, %parallel_loop3A_109] {strides = array<i32>} : memref<144x128xf32, #tpu.memory_space<vmem>>, vector<16xf32>,
      tpu.vector_store %arg9[%parallel_loop3A_108, %parallel_loop3A_109], %parallel_loop3A_107 {strides = array<i32>} : memref<144x128xf32, #tpu.memory_space<vmem>>, vector<16xf32>,
      %parallel_loop3A_111 = arith.index_cast %parallel_loop3A_96 : i32 to index
      %parallel_loop3A_112 = arith.constant 32 : index
      %parallel_loop3A_113 = tpu.vector_load %arg7[%parallel_loop3A_111, %parallel_loop3A_112] {strides = array<i32>} : memref<144x128xi32, #tpu.memory_space<vmem>>, vector<16xi32>,
      %parallel_loop3A_114 = tpu.vector_load_idx %arg6[%parallel_loop3A_113] : memref<65536xf32, #tpu.memory_space<vmem>>[vector<16xi32>], vector<16xf32>,
      %parallel_loop3A_115 = arith.index_cast %parallel_loop3A_96 : i32 to index
      %parallel_loop3A_116 = arith.constant 32 : index
      %parallel_loop3A_117 = tpu.vector_load %arg9[%parallel_loop3A_115, %parallel_loop3A_116] {strides = array<i32>} : memref<144x128xf32, #tpu.memory_space<vmem>>, vector<16xf32>,
      tpu.vector_store %arg9[%parallel_loop3A_115, %parallel_loop3A_116], %parallel_loop3A_114 {strides = array<i32>} : memref<144x128xf32, #tpu.memory_space<vmem>>, vector<16xf32>,
      %parallel_loop3A_118 = arith.index_cast %parallel_loop3A_96 : i32 to index
      %parallel_loop3A_119 = arith.constant 48 : index
      %parallel_loop3A_120 = tpu.vector_load %arg7[%parallel_loop3A_118, %parallel_loop3A_119] {strides = array<i32>} : memref<144x128xi32, #tpu.memory_space<vmem>>, vector<16xi32>,
      %parallel_loop3A_121 = tpu.vector_load_idx %arg6[%parallel_loop3A_120] : memref<65536xf32, #tpu.memory_space<vmem>>[vector<16xi32>], vector<16xf32>,
      %parallel_loop3A_122 = arith.index_cast %parallel_loop3A_96 : i32 to index
      %parallel_loop3A_123 = arith.constant 48 : index
      %parallel_loop3A_124 = tpu.vector_load %arg9[%parallel_loop3A_122, %parallel_loop3A_123] {strides = array<i32>} : memref<144x128xf32, #tpu.memory_space<vmem>>, vector<16xf32>,
      tpu.vector_store %arg9[%parallel_loop3A_122, %parallel_loop3A_123], %parallel_loop3A_121 {strides = array<i32>} : memref<144x128xf32, #tpu.memory_space<vmem>>, vector<16xf32>,
      %parallel_loop3A_125 = arith.index_cast %parallel_loop3A_96 : i32 to index
      %parallel_loop3A_126 = arith.constant 64 : index
      %parallel_loop3A_127 = tpu.vector_load %arg7[%parallel_loop3A_125, %parallel_loop3A_126] {strides = array<i32>} : memref<144x128xi32, #tpu.memory_space<vmem>>, vector<16xi32>,
      %parallel_loop3A_128 = tpu.vector_load_idx %arg6[%parallel_loop3A_127] : memref<65536xf32, #tpu.memory_space<vmem>>[vector<16xi32>], vector<16xf32>,
      %parallel_loop3A_129 = arith.index_cast %parallel_loop3A_96 : i32 to index
      %parallel_loop3A_130 = arith.constant 64 : index
      %parallel_loop3A_131 = tpu.vector_load %arg9[%parallel_loop3A_129, %parallel_loop3A_130] {strides = array<i32>} : memref<144x128xf32, #tpu.memory_space<vmem>>, vector<16xf32>,
      tpu.vector_store %arg9[%parallel_loop3A_129, %parallel_loop3A_130], %parallel_loop3A_128 {strides = array<i32>} : memref<144x128xf32, #tpu.memory_space<vmem>>, vector<16xf32>,
      %parallel_loop3A_132 = arith.index_cast %parallel_loop3A_96 : i32 to index
      %parallel_loop3A_133 = arith.constant 80 : index
      %parallel_loop3A_134 = tpu.vector_load %arg7[%parallel_loop3A_132, %parallel_loop3A_133] {strides = array<i32>} : memref<144x128xi32, #tpu.memory_space<vmem>>, vector<16xi32>,
      %parallel_loop3A_135 = tpu.vector_load_idx %arg6[%parallel_loop3A_134] : memref<65536xf32, #tpu.memory_space<vmem>>[vector<16xi32>], vector<16xf32>,
      %parallel_loop3A_136 = arith.index_cast %parallel_loop3A_96 : i32 to index
      %parallel_loop3A_137 = arith.constant 80 : index
      %parallel_loop3A_138 = tpu.vector_load %arg9[%parallel_loop3A_136, %parallel_loop3A_137] {strides = array<i32>} : memref<144x128xf32, #tpu.memory_space<vmem>>, vector<16xf32>,
      tpu.vector_store %arg9[%parallel_loop3A_136, %parallel_loop3A_137], %parallel_loop3A_135 {strides = array<i32>} : memref<144x128xf32, #tpu.memory_space<vmem>>, vector<16xf32>,
      %parallel_loop3A_139 = arith.index_cast %parallel_loop3A_96 : i32 to index
      %parallel_loop3A_140 = arith.constant 96 : index
      %parallel_loop3A_141 = tpu.vector_load %arg7[%parallel_loop3A_139, %parallel_loop3A_140] {strides = array<i32>} : memref<144x128xi32, #tpu.memory_space<vmem>>, vector<16xi32>,
      %parallel_loop3A_142 = tpu.vector_load_idx %arg6[%parallel_loop3A_141] : memref<65536xf32, #tpu.memory_space<vmem>>[vector<16xi32>], vector<16xf32>,
      %parallel_loop3A_143 = arith.index_cast %parallel_loop3A_96 : i32 to index
      %parallel_loop3A_144 = arith.constant 96 : index
      %parallel_loop3A_145 = tpu.vector_load %arg9[%parallel_loop3A_143, %parallel_loop3A_144] {strides = array<i32>} : memref<144x128xf32, #tpu.memory_space<vmem>>, vector<16xf32>,
      tpu.vector_store %arg9[%parallel_loop3A_143, %parallel_loop3A_144], %parallel_loop3A_142 {strides = array<i32>} : memref<144x128xf32, #tpu.memory_space<vmem>>, vector<16xf32>,
      %parallel_loop3A_146 = arith.index_cast %parallel_loop3A_96 : i32 to index
      %parallel_loop3A_147 = arith.constant 112 : index
      %parallel_loop3A_148 = tpu.vector_load %arg7[%parallel_loop3A_146, %parallel_loop3A_147] {strides = array<i32>} : memref<144x128xi32, #tpu.memory_space<vmem>>, vector<16xi32>,
      %parallel_loop3A_149 = tpu.vector_load_idx %arg6[%parallel_loop3A_148] : memref<65536xf32, #tpu.memory_space<vmem>>[vector<16xi32>], vector<16xf32>,
      %parallel_loop3A_150 = arith.index_cast %parallel_loop3A_96 : i32 to index
      %parallel_loop3A_151 = arith.constant 112 : index
      %parallel_loop3A_152 = tpu.vector_load %arg9[%parallel_loop3A_150, %parallel_loop3A_151] {strides = array<i32>} : memref<144x128xf32, #tpu.memory_space<vmem>>, vector<16xf32>,
      tpu.vector_store %arg9[%parallel_loop3A_150, %parallel_loop3A_151], %parallel_loop3A_149 {strides = array<i32>} : memref<144x128xf32, #tpu.memory_space<vmem>>, vector<16xf32>,
    } {sc.loop_unroll_factor = 4 : i64, sc.parallel_access}
    %add3A_64 = arith.constant 4608 : i32
    %add3A_65 = arith.addi %add3A_64, %mul3A_60 : i32
    %dma_start3A_66 = arith.constant 0 : i32
    %dma_start3A_67 = arith.constant 0 : i32
    %dma_start3A_68 = tpu.memref_slice %arg9[%dma_start3A_66, %dma_start3A_67] : memref<144x128xf32, #tpu.memory_space<vmem>> -> memref<112x128xf32, #tpu.memory_space<vmem>>
    %dma_start3A_69 = arith.constant 0 : i32
    %dma_start3A_70 = tpu.memref_slice %arg5[%add3A_65, %dma_start3A_69] : memref<8192x128xf32, #tpu.memory_space<hbm>> -> memref<112x128xf32, #tpu.memory_space<hbm>>
    %dma_start3A_71 = arith.constant 0 : i32
    %dma_start3A_72 = tpu.memref_slice %arg5[%add3A_65, %dma_start3A_71] : memref<8192x128xf32, #tpu.memory_space<hbm>> -> memref<112x128xf32, #tpu.memory_space<hbm>>
    %dma_start3A_73 = arith.constant 0 : i32
    %dma_start3A_74 = arith.constant 0 : i32
    %dma_start3A_75 = tpu.memref_slice %arg9[%dma_start3A_73, %dma_start3A_74] : memref<144x128xf32, #tpu.memory_space<vmem>> -> memref<112x128xf32, #tpu.memory_space<vmem>>
    tpu.enqueue_dma source(%dma_start3A_75 : memref<112x128xf32, #tpu.memory_space<vmem>>) target(%dma_start3A_72 : memref<112x128xf32, #tpu.memory_space<hbm>>) target_semaphore(%arg12 : memref<!tpu.dma_semaphore, #tpu.memory_space<semaphore_mem>>)
    %dma_wait3A_76 = arith.constant 0 : i32
    %dma_wait3A_77 = arith.constant 0 : i32
    %dma_wait3A_78 = tpu.memref_slice %arg8[%dma_wait3A_76, %dma_wait3A_77] : memref<144x128xf32, #tpu.memory_space<vmem>> -> memref<144x128xf32, #tpu.memory_space<vmem>>
    %dma_wait3A_79 = arith.constant 0 : i32
    %dma_wait3A_80 = tpu.memref_slice %arg5[%add3A_26, %dma_wait3A_79] : memref<8192x128xf32, #tpu.memory_space<hbm>> -> memref<144x128xf32, #tpu.memory_space<hbm>>
    %dma_wait3A_81 = arith.constant 0 : i32
    %dma_wait3A_82 = tpu.memref_slice %arg5[%add3A_26, %dma_wait3A_81] : memref<8192x128xf32, #tpu.memory_space<hbm>> -> memref<144x128xf32, #tpu.memory_space<hbm>>
    %dma_wait3A_83 = arith.constant 0 : i32
    %dma_wait3A_84 = arith.constant 0 : i32
    %dma_wait3A_85 = tpu.memref_slice %arg8[%dma_wait3A_83, %dma_wait3A_84] : memref<144x128xf32, #tpu.memory_space<vmem>> -> memref<144x128xf32, #tpu.memory_space<vmem>>
    tpu.wait_dma2 semaphore(%arg12 : memref<!tpu.dma_semaphore, #tpu.memory_space<semaphore_mem>>) src(%dma_wait3A_85 : memref<144x128xf32, #tpu.memory_space<vmem>>) dst(%dma_wait3A_82 : memref<144x128xf32, #tpu.memory_space<hbm>>)
    %dma_wait3A_86 = arith.constant 0 : i32
    %dma_wait3A_87 = arith.constant 0 : i32
    %dma_wait3A_88 = tpu.memref_slice %arg9[%dma_wait3A_86, %dma_wait3A_87] : memref<144x128xf32, #tpu.memory_space<vmem>> -> memref<112x128xf32, #tpu.memory_space<vmem>>
    %dma_wait3A_89 = arith.constant 0 : i32
    %dma_wait3A_90 = tpu.memref_slice %arg5[%add3A_65, %dma_wait3A_89] : memref<8192x128xf32, #tpu.memory_space<hbm>> -> memref<112x128xf32, #tpu.memory_space<hbm>>
    %dma_wait3A_91 = arith.constant 0 : i32
    %dma_wait3A_92 = tpu.memref_slice %arg5[%add3A_65, %dma_wait3A_91] : memref<8192x128xf32, #tpu.memory_space<hbm>> -> memref<112x128xf32, #tpu.memory_space<hbm>>
    %dma_wait3A_93 = arith.constant 0 : i32
    %dma_wait3A_94 = arith.constant 0 : i32
    %dma_wait3A_95 = tpu.memref_slice %arg9[%dma_wait3A_93, %dma_wait3A_94] : memref<144x128xf32, #tpu.memory_space<vmem>> -> memref<112x128xf32, #tpu.memory_space<vmem>>
    tpu.wait_dma2 semaphore(%arg12 : memref<!tpu.dma_semaphore, #tpu.memory_space<semaphore_mem>>) src(%dma_wait3A_95 : memref<112x128xf32, #tpu.memory_space<vmem>>) dst(%dma_wait3A_92 : memref<112x128xf32, #tpu.memory_space<hbm>>)
    return
  }
}

#map = affine_map<(d0, d1) -> (0, 0)>
module attributes {stable_mosaic.version = 14 : i64} {
  func.func @_hist_body(%arg0: i32, %arg1: i32, %arg2: memref<3584x128xi32, #tpu.memory_space<hbm>>, %arg3: memref<2x65536xf32, #tpu.memory_space<hbm>>, %arg4: memref<112x128xi32, #tpu.memory_space<vmem>>, %arg5: memref<128xf32, #tpu.memory_space<vmem>>, %arg6: memref<4096xf32, #tpu.memory_space<vmem>>, %arg7: memref<65536xf32, #tpu.memory_space<vmem_shared>>, %arg8: memref<!tpu.dma_semaphore, #tpu.memory_space<semaphore_mem>>) attributes {dimension_semantics = [#tpu.dimension_semantics<core_parallel>, #tpu.dimension_semantics<subcore_parallel>], iteration_bounds = array<i64: 2, 16>, scalar_prefetch = 0 : i64, scratch_operands = 5 : i64, tpu.core_type = #tpu.core_type<sc_vector_subcore>, window_params = [{transform_indices = #map}, {transform_indices = #map}]} {
    %mul3A = arith.constant 16 : i32
    %mul3A_0 = arith.muli %arg0, %mul3A : i32
    %add3A = arith.addi %mul3A_0, %arg1 : i32
    %parallel_loop3A = arith.constant 0 : i32
    %parallel_loop3A_1 = arith.constant 256 : i32
    %parallel_loop3A_2 = arith.constant 1 : i32
    scf.for %parallel_loop3A_19 = %parallel_loop3A to %parallel_loop3A_1 step %parallel_loop3A_2  : i32 {
      %parallel_loop3A_20 = arith.constant 0.000000e+00 : f32
      %parallel_loop3A_21 = vector.broadcast %parallel_loop3A_20 : f32 to vector<16xf32>
      %parallel_loop3A_22 = arith.constant 16 : i32
      %parallel_loop3A_23 = arith.muli %parallel_loop3A_19, %parallel_loop3A_22 : i32
      %parallel_loop3A_24 = arith.index_cast %parallel_loop3A_23 : i32 to index
      %parallel_loop3A_25 = tpu.vector_load %arg6[%parallel_loop3A_24] {strides = array<i32>} : memref<4096xf32, #tpu.memory_space<vmem>>, vector<16xf32>,
      tpu.vector_store %arg6[%parallel_loop3A_24], %parallel_loop3A_21 {strides = array<i32>} : memref<4096xf32, #tpu.memory_space<vmem>>, vector<16xf32>,
    } {sc.loop_unroll_factor = 8 : i64, sc.parallel_access}
    %mul3A_3 = arith.constant 4096 : i32
    %mul3A_4 = arith.muli %arg1, %mul3A_3 : i32
    "tpu.region"() ({
      %run_scoped3A = tpu.sem_alloc : memref<!tpu.dma_semaphore, #tpu.memory_space<semaphore_mem>>
      %dma_start3A = tpu.memref_slice %arg7[%mul3A_4] : memref<65536xf32, #tpu.memory_space<vmem_shared>> -> memref<4096xf32, #tpu.memory_space<vmem_shared>>
      %dma_start3A_19 = tpu.memref_slice %arg7[%mul3A_4] : memref<65536xf32, #tpu.memory_space<vmem_shared>> -> memref<4096xf32, #tpu.memory_space<vmem_shared>>
      tpu.enqueue_dma source(%arg6 : memref<4096xf32, #tpu.memory_space<vmem>>) target(%dma_start3A_19 : memref<4096xf32, #tpu.memory_space<vmem_shared>>) target_semaphore(%run_scoped3A : memref<!tpu.dma_semaphore, #tpu.memory_space<semaphore_mem>>)
      %dma_wait3A = tpu.memref_slice %arg7[%mul3A_4] : memref<65536xf32, #tpu.memory_space<vmem_shared>> -> memref<4096xf32, #tpu.memory_space<vmem_shared>>
      %dma_wait3A_20 = tpu.memref_slice %arg7[%mul3A_4] : memref<65536xf32, #tpu.memory_space<vmem_shared>> -> memref<4096xf32, #tpu.memory_space<vmem_shared>>
      tpu.wait_dma2 semaphore(%run_scoped3A : memref<!tpu.dma_semaphore, #tpu.memory_space<semaphore_mem>>) src(%arg6 : memref<4096xf32, #tpu.memory_space<vmem>>) dst(%dma_wait3A_20 : memref<4096xf32, #tpu.memory_space<vmem_shared>>)
      tpu.yield
    }) : () -> ()
    %parallel_loop3A_5 = arith.constant 0 : i32
    %parallel_loop3A_6 = arith.constant 8 : i32
    %parallel_loop3A_7 = arith.constant 1 : i32
    scf.for %parallel_loop3A_19 = %parallel_loop3A_5 to %parallel_loop3A_6 step %parallel_loop3A_7  : i32 {
      %parallel_loop3A_20 = arith.constant 1.000000e+00 : f32
      %parallel_loop3A_21 = vector.broadcast %parallel_loop3A_20 : f32 to vector<16xf32>
      %parallel_loop3A_22 = arith.constant 16 : i32
      %parallel_loop3A_23 = arith.muli %parallel_loop3A_19, %parallel_loop3A_22 : i32
      %parallel_loop3A_24 = arith.index_cast %parallel_loop3A_23 : i32 to index
      %parallel_loop3A_25 = tpu.vector_load %arg5[%parallel_loop3A_24] {strides = array<i32>} : memref<128xf32, #tpu.memory_space<vmem>>, vector<16xf32>,
      tpu.vector_store %arg5[%parallel_loop3A_24], %parallel_loop3A_21 {strides = array<i32>} : memref<128xf32, #tpu.memory_space<vmem>>, vector<16xf32>,
    } {sc.loop_unroll_factor = 8 : i64, sc.parallel_access}
    %mul3A_8 = arith.constant 112 : i32
    %mul3A_9 = arith.muli %add3A, %mul3A_8 : i32
    "tpu.region"() ({
      %run_scoped3A = tpu.sem_alloc : memref<!tpu.dma_semaphore, #tpu.memory_space<semaphore_mem>>
      %dma_start3A = arith.constant 0 : i32
      %dma_start3A_19 = tpu.memref_slice %arg2[%mul3A_9, %dma_start3A] : memref<3584x128xi32, #tpu.memory_space<hbm>> -> memref<112x128xi32, #tpu.memory_space<hbm>>
      %dma_start3A_20 = arith.constant 0 : i32
      %dma_start3A_21 = tpu.memref_slice %arg2[%mul3A_9, %dma_start3A_20] : memref<3584x128xi32, #tpu.memory_space<hbm>> -> memref<112x128xi32, #tpu.memory_space<hbm>>
      tpu.enqueue_dma source(%dma_start3A_21 : memref<112x128xi32, #tpu.memory_space<hbm>>) target(%arg4 : memref<112x128xi32, #tpu.memory_space<vmem>>) target_semaphore(%run_scoped3A : memref<!tpu.dma_semaphore, #tpu.memory_space<semaphore_mem>>)
      %dma_wait3A = arith.constant 0 : i32
      %dma_wait3A_22 = tpu.memref_slice %arg2[%mul3A_9, %dma_wait3A] : memref<3584x128xi32, #tpu.memory_space<hbm>> -> memref<112x128xi32, #tpu.memory_space<hbm>>
      %dma_wait3A_23 = arith.constant 0 : i32
      %dma_wait3A_24 = tpu.memref_slice %arg2[%mul3A_9, %dma_wait3A_23] : memref<3584x128xi32, #tpu.memory_space<hbm>> -> memref<112x128xi32, #tpu.memory_space<hbm>>
      tpu.wait_dma2 semaphore(%run_scoped3A : memref<!tpu.dma_semaphore, #tpu.memory_space<semaphore_mem>>) src(%dma_wait3A_24 : memref<112x128xi32, #tpu.memory_space<hbm>>) dst(%arg4 : memref<112x128xi32, #tpu.memory_space<vmem>>)
      tpu.yield
    }) : () -> ()
    %barrier3A = arith.constant 0 : index
    tpu.barrier barrier_id(%barrier3A)
    %scan3A = arith.constant 0 : i32
    %scan3A_10 = arith.constant 7 : i32
    %scan3A_11 = arith.addi %scan3A, %scan3A_10 : i32
    %scan3A_12 = arith.constant 1 : i32
    scf.for %scan3A_19 = %scan3A to %scan3A_11 step %scan3A_12  : i32 {
      %mul3A_20 = arith.constant 16 : i32
      %mul3A_21 = arith.muli %scan3A_19, %mul3A_20 : i32
      %add3A_22 = arith.constant 0 : i32
      %add3A_23 = arith.addi %mul3A_21, %add3A_22 : i32
      %dma_start3A = arith.constant 0 : i32
      %dma_start3A_24 = tpu.memref_slice %arg4[%add3A_23, %dma_start3A] : memref<112x128xi32, #tpu.memory_space<vmem>> -> memref<1x128xi32, #tpu.memory_space<vmem>>
      %dma_start3A_25 = tpu.memref_squeeze %dma_start3A_24 : memref<1x128xi32, #tpu.memory_space<vmem>> -> memref<128xi32, #tpu.memory_space<vmem>>
      %dma_start3A_26 = arith.constant 0 : i32
      %dma_start3A_27 = tpu.memref_slice %arg7[%dma_start3A_26] : memref<65536xf32, #tpu.memory_space<vmem_shared>> -> memref<65536xf32, #tpu.memory_space<vmem_shared>>
      tpu.enqueue_indirect_dma source(%arg5 : memref<128xf32, #tpu.memory_space<vmem>>) target(%dma_start3A_27 : memref<65536xf32, #tpu.memory_space<vmem_shared>>) offsets(%dma_start3A_25 : memref<128xi32, #tpu.memory_space<vmem>>) semaphore(%arg8 : memref<!tpu.dma_semaphore, #tpu.memory_space<semaphore_mem>>) {add = true}
      %mul3A_28 = arith.constant 16 : i32
      %mul3A_29 = arith.muli %scan3A_19, %mul3A_28 : i32
      %add3A_30 = arith.constant 1 : i32
      %add3A_31 = arith.addi %mul3A_29, %add3A_30 : i32
      %dma_start3A_32 = arith.constant 0 : i32
      %dma_start3A_33 = tpu.memref_slice %arg4[%add3A_31, %dma_start3A_32] : memref<112x128xi32, #tpu.memory_space<vmem>> -> memref<1x128xi32, #tpu.memory_space<vmem>>
      %dma_start3A_34 = tpu.memref_squeeze %dma_start3A_33 : memref<1x128xi32, #tpu.memory_space<vmem>> -> memref<128xi32, #tpu.memory_space<vmem>>
      %dma_start3A_35 = arith.constant 0 : i32
      %dma_start3A_36 = tpu.memref_slice %arg7[%dma_start3A_35] : memref<65536xf32, #tpu.memory_space<vmem_shared>> -> memref<65536xf32, #tpu.memory_space<vmem_shared>>
      tpu.enqueue_indirect_dma source(%arg5 : memref<128xf32, #tpu.memory_space<vmem>>) target(%dma_start3A_36 : memref<65536xf32, #tpu.memory_space<vmem_shared>>) offsets(%dma_start3A_34 : memref<128xi32, #tpu.memory_space<vmem>>) semaphore(%arg8 : memref<!tpu.dma_semaphore, #tpu.memory_space<semaphore_mem>>) {add = true}
      %mul3A_37 = arith.constant 16 : i32
      %mul3A_38 = arith.muli %scan3A_19, %mul3A_37 : i32
      %add3A_39 = arith.constant 2 : i32
      %add3A_40 = arith.addi %mul3A_38, %add3A_39 : i32
      %dma_start3A_41 = arith.constant 0 : i32
      %dma_start3A_42 = tpu.memref_slice %arg4[%add3A_40, %dma_start3A_41] : memref<112x128xi32, #tpu.memory_space<vmem>> -> memref<1x128xi32, #tpu.memory_space<vmem>>
      %dma_start3A_43 = tpu.memref_squeeze %dma_start3A_42 : memref<1x128xi32, #tpu.memory_space<vmem>> -> memref<128xi32, #tpu.memory_space<vmem>>
      %dma_start3A_44 = arith.constant 0 : i32
      %dma_start3A_45 = tpu.memref_slice %arg7[%dma_start3A_44] : memref<65536xf32, #tpu.memory_space<vmem_shared>> -> memref<65536xf32, #tpu.memory_space<vmem_shared>>
      tpu.enqueue_indirect_dma source(%arg5 : memref<128xf32, #tpu.memory_space<vmem>>) target(%dma_start3A_45 : memref<65536xf32, #tpu.memory_space<vmem_shared>>) offsets(%dma_start3A_43 : memref<128xi32, #tpu.memory_space<vmem>>) semaphore(%arg8 : memref<!tpu.dma_semaphore, #tpu.memory_space<semaphore_mem>>) {add = true}
      %mul3A_46 = arith.constant 16 : i32
      %mul3A_47 = arith.muli %scan3A_19, %mul3A_46 : i32
      %add3A_48 = arith.constant 3 : i32
      %add3A_49 = arith.addi %mul3A_47, %add3A_48 : i32
      %dma_start3A_50 = arith.constant 0 : i32
      %dma_start3A_51 = tpu.memref_slice %arg4[%add3A_49, %dma_start3A_50] : memref<112x128xi32, #tpu.memory_space<vmem>> -> memref<1x128xi32, #tpu.memory_space<vmem>>
      %dma_start3A_52 = tpu.memref_squeeze %dma_start3A_51 : memref<1x128xi32, #tpu.memory_space<vmem>> -> memref<128xi32, #tpu.memory_space<vmem>>
      %dma_start3A_53 = arith.constant 0 : i32
      %dma_start3A_54 = tpu.memref_slice %arg7[%dma_start3A_53] : memref<65536xf32, #tpu.memory_space<vmem_shared>> -> memref<65536xf32, #tpu.memory_space<vmem_shared>>
      tpu.enqueue_indirect_dma source(%arg5 : memref<128xf32, #tpu.memory_space<vmem>>) target(%dma_start3A_54 : memref<65536xf32, #tpu.memory_space<vmem_shared>>) offsets(%dma_start3A_52 : memref<128xi32, #tpu.memory_space<vmem>>) semaphore(%arg8 : memref<!tpu.dma_semaphore, #tpu.memory_space<semaphore_mem>>) {add = true}
      %mul3A_55 = arith.constant 16 : i32
      %mul3A_56 = arith.muli %scan3A_19, %mul3A_55 : i32
      %add3A_57 = arith.constant 4 : i32
      %add3A_58 = arith.addi %mul3A_56, %add3A_57 : i32
      %dma_start3A_59 = arith.constant 0 : i32
      %dma_start3A_60 = tpu.memref_slice %arg4[%add3A_58, %dma_start3A_59] : memref<112x128xi32, #tpu.memory_space<vmem>> -> memref<1x128xi32, #tpu.memory_space<vmem>>
      %dma_start3A_61 = tpu.memref_squeeze %dma_start3A_60 : memref<1x128xi32, #tpu.memory_space<vmem>> -> memref<128xi32, #tpu.memory_space<vmem>>
      %dma_start3A_62 = arith.constant 0 : i32
      %dma_start3A_63 = tpu.memref_slice %arg7[%dma_start3A_62] : memref<65536xf32, #tpu.memory_space<vmem_shared>> -> memref<65536xf32, #tpu.memory_space<vmem_shared>>
      tpu.enqueue_indirect_dma source(%arg5 : memref<128xf32, #tpu.memory_space<vmem>>) target(%dma_start3A_63 : memref<65536xf32, #tpu.memory_space<vmem_shared>>) offsets(%dma_start3A_61 : memref<128xi32, #tpu.memory_space<vmem>>) semaphore(%arg8 : memref<!tpu.dma_semaphore, #tpu.memory_space<semaphore_mem>>) {add = true}
      %mul3A_64 = arith.constant 16 : i32
      %mul3A_65 = arith.muli %scan3A_19, %mul3A_64 : i32
      %add3A_66 = arith.constant 5 : i32
      %add3A_67 = arith.addi %mul3A_65, %add3A_66 : i32
      %dma_start3A_68 = arith.constant 0 : i32
      %dma_start3A_69 = tpu.memref_slice %arg4[%add3A_67, %dma_start3A_68] : memref<112x128xi32, #tpu.memory_space<vmem>> -> memref<1x128xi32, #tpu.memory_space<vmem>>
      %dma_start3A_70 = tpu.memref_squeeze %dma_start3A_69 : memref<1x128xi32, #tpu.memory_space<vmem>> -> memref<128xi32, #tpu.memory_space<vmem>>
      %dma_start3A_71 = arith.constant 0 : i32
      %dma_start3A_72 = tpu.memref_slice %arg7[%dma_start3A_71] : memref<65536xf32, #tpu.memory_space<vmem_shared>> -> memref<65536xf32, #tpu.memory_space<vmem_shared>>
      tpu.enqueue_indirect_dma source(%arg5 : memref<128xf32, #tpu.memory_space<vmem>>) target(%dma_start3A_72 : memref<65536xf32, #tpu.memory_space<vmem_shared>>) offsets(%dma_start3A_70 : memref<128xi32, #tpu.memory_space<vmem>>) semaphore(%arg8 : memref<!tpu.dma_semaphore, #tpu.memory_space<semaphore_mem>>) {add = true}
      %mul3A_73 = arith.constant 16 : i32
      %mul3A_74 = arith.muli %scan3A_19, %mul3A_73 : i32
      %add3A_75 = arith.constant 6 : i32
      %add3A_76 = arith.addi %mul3A_74, %add3A_75 : i32
      %dma_start3A_77 = arith.constant 0 : i32
      %dma_start3A_78 = tpu.memref_slice %arg4[%add3A_76, %dma_start3A_77] : memref<112x128xi32, #tpu.memory_space<vmem>> -> memref<1x128xi32, #tpu.memory_space<vmem>>
      %dma_start3A_79 = tpu.memref_squeeze %dma_start3A_78 : memref<1x128xi32, #tpu.memory_space<vmem>> -> memref<128xi32, #tpu.memory_space<vmem>>
      %dma_start3A_80 = arith.constant 0 : i32
      %dma_start3A_81 = tpu.memref_slice %arg7[%dma_start3A_80] : memref<65536xf32, #tpu.memory_space<vmem_shared>> -> memref<65536xf32, #tpu.memory_space<vmem_shared>>
      tpu.enqueue_indirect_dma source(%arg5 : memref<128xf32, #tpu.memory_space<vmem>>) target(%dma_start3A_81 : memref<65536xf32, #tpu.memory_space<vmem_shared>>) offsets(%dma_start3A_79 : memref<128xi32, #tpu.memory_space<vmem>>) semaphore(%arg8 : memref<!tpu.dma_semaphore, #tpu.memory_space<semaphore_mem>>) {add = true}
      %mul3A_82 = arith.constant 16 : i32
      %mul3A_83 = arith.muli %scan3A_19, %mul3A_82 : i32
      %add3A_84 = arith.constant 7 : i32
      %add3A_85 = arith.addi %mul3A_83, %add3A_84 : i32
      %dma_start3A_86 = arith.constant 0 : i32
      %dma_start3A_87 = tpu.memref_slice %arg4[%add3A_85, %dma_start3A_86] : memref<112x128xi32, #tpu.memory_space<vmem>> -> memref<1x128xi32, #tpu.memory_space<vmem>>
      %dma_start3A_88 = tpu.memref_squeeze %dma_start3A_87 : memref<1x128xi32, #tpu.memory_space<vmem>> -> memref<128xi32, #tpu.memory_space<vmem>>
      %dma_start3A_89 = arith.constant 0 : i32
      %dma_start3A_90 = tpu.memref_slice %arg7[%dma_start3A_89] : memref<65536xf32, #tpu.memory_space<vmem_shared>> -> memref<65536xf32, #tpu.memory_space<vmem_shared>>
      tpu.enqueue_indirect_dma source(%arg5 : memref<128xf32, #tpu.memory_space<vmem>>) target(%dma_start3A_90 : memref<65536xf32, #tpu.memory_space<vmem_shared>>) offsets(%dma_start3A_88 : memref<128xi32, #tpu.memory_space<vmem>>) semaphore(%arg8 : memref<!tpu.dma_semaphore, #tpu.memory_space<semaphore_mem>>) {add = true}
      %mul3A_91 = arith.constant 16 : i32
      %mul3A_92 = arith.muli %scan3A_19, %mul3A_91 : i32
      %add3A_93 = arith.constant 8 : i32
      %add3A_94 = arith.addi %mul3A_92, %add3A_93 : i32
      %dma_start3A_95 = arith.constant 0 : i32
      %dma_start3A_96 = tpu.memref_slice %arg4[%add3A_94, %dma_start3A_95] : memref<112x128xi32, #tpu.memory_space<vmem>> -> memref<1x128xi32, #tpu.memory_space<vmem>>
      %dma_start3A_97 = tpu.memref_squeeze %dma_start3A_96 : memref<1x128xi32, #tpu.memory_space<vmem>> -> memref<128xi32, #tpu.memory_space<vmem>>
      %dma_start3A_98 = arith.constant 0 : i32
      %dma_start3A_99 = tpu.memref_slice %arg7[%dma_start3A_98] : memref<65536xf32, #tpu.memory_space<vmem_shared>> -> memref<65536xf32, #tpu.memory_space<vmem_shared>>
      tpu.enqueue_indirect_dma source(%arg5 : memref<128xf32, #tpu.memory_space<vmem>>) target(%dma_start3A_99 : memref<65536xf32, #tpu.memory_space<vmem_shared>>) offsets(%dma_start3A_97 : memref<128xi32, #tpu.memory_space<vmem>>) semaphore(%arg8 : memref<!tpu.dma_semaphore, #tpu.memory_space<semaphore_mem>>) {add = true}
      %mul3A_100 = arith.constant 16 : i32
      %mul3A_101 = arith.muli %scan3A_19, %mul3A_100 : i32
      %add3A_102 = arith.constant 9 : i32
      %add3A_103 = arith.addi %mul3A_101, %add3A_102 : i32
      %dma_start3A_104 = arith.constant 0 : i32
      %dma_start3A_105 = tpu.memref_slice %arg4[%add3A_103, %dma_start3A_104] : memref<112x128xi32, #tpu.memory_space<vmem>> -> memref<1x128xi32, #tpu.memory_space<vmem>>
      %dma_start3A_106 = tpu.memref_squeeze %dma_start3A_105 : memref<1x128xi32, #tpu.memory_space<vmem>> -> memref<128xi32, #tpu.memory_space<vmem>>
      %dma_start3A_107 = arith.constant 0 : i32
      %dma_start3A_108 = tpu.memref_slice %arg7[%dma_start3A_107] : memref<65536xf32, #tpu.memory_space<vmem_shared>> -> memref<65536xf32, #tpu.memory_space<vmem_shared>>
      tpu.enqueue_indirect_dma source(%arg5 : memref<128xf32, #tpu.memory_space<vmem>>) target(%dma_start3A_108 : memref<65536xf32, #tpu.memory_space<vmem_shared>>) offsets(%dma_start3A_106 : memref<128xi32, #tpu.memory_space<vmem>>) semaphore(%arg8 : memref<!tpu.dma_semaphore, #tpu.memory_space<semaphore_mem>>) {add = true}
      %mul3A_109 = arith.constant 16 : i32
      %mul3A_110 = arith.muli %scan3A_19, %mul3A_109 : i32
      %add3A_111 = arith.constant 10 : i32
      %add3A_112 = arith.addi %mul3A_110, %add3A_111 : i32
      %dma_start3A_113 = arith.constant 0 : i32
      %dma_start3A_114 = tpu.memref_slice %arg4[%add3A_112, %dma_start3A_113] : memref<112x128xi32, #tpu.memory_space<vmem>> -> memref<1x128xi32, #tpu.memory_space<vmem>>
      %dma_start3A_115 = tpu.memref_squeeze %dma_start3A_114 : memref<1x128xi32, #tpu.memory_space<vmem>> -> memref<128xi32, #tpu.memory_space<vmem>>
      %dma_start3A_116 = arith.constant 0 : i32
      %dma_start3A_117 = tpu.memref_slice %arg7[%dma_start3A_116] : memref<65536xf32, #tpu.memory_space<vmem_shared>> -> memref<65536xf32, #tpu.memory_space<vmem_shared>>
      tpu.enqueue_indirect_dma source(%arg5 : memref<128xf32, #tpu.memory_space<vmem>>) target(%dma_start3A_117 : memref<65536xf32, #tpu.memory_space<vmem_shared>>) offsets(%dma_start3A_115 : memref<128xi32, #tpu.memory_space<vmem>>) semaphore(%arg8 : memref<!tpu.dma_semaphore, #tpu.memory_space<semaphore_mem>>) {add = true}
      %mul3A_118 = arith.constant 16 : i32
      %mul3A_119 = arith.muli %scan3A_19, %mul3A_118 : i32
      %add3A_120 = arith.constant 11 : i32
      %add3A_121 = arith.addi %mul3A_119, %add3A_120 : i32
      %dma_start3A_122 = arith.constant 0 : i32
      %dma_start3A_123 = tpu.memref_slice %arg4[%add3A_121, %dma_start3A_122] : memref<112x128xi32, #tpu.memory_space<vmem>> -> memref<1x128xi32, #tpu.memory_space<vmem>>
      %dma_start3A_124 = tpu.memref_squeeze %dma_start3A_123 : memref<1x128xi32, #tpu.memory_space<vmem>> -> memref<128xi32, #tpu.memory_space<vmem>>
      %dma_start3A_125 = arith.constant 0 : i32
      %dma_start3A_126 = tpu.memref_slice %arg7[%dma_start3A_125] : memref<65536xf32, #tpu.memory_space<vmem_shared>> -> memref<65536xf32, #tpu.memory_space<vmem_shared>>
      tpu.enqueue_indirect_dma source(%arg5 : memref<128xf32, #tpu.memory_space<vmem>>) target(%dma_start3A_126 : memref<65536xf32, #tpu.memory_space<vmem_shared>>) offsets(%dma_start3A_124 : memref<128xi32, #tpu.memory_space<vmem>>) semaphore(%arg8 : memref<!tpu.dma_semaphore, #tpu.memory_space<semaphore_mem>>) {add = true}
      %mul3A_127 = arith.constant 16 : i32
      %mul3A_128 = arith.muli %scan3A_19, %mul3A_127 : i32
      %add3A_129 = arith.constant 12 : i32
      %add3A_130 = arith.addi %mul3A_128, %add3A_129 : i32
      %dma_start3A_131 = arith.constant 0 : i32
      %dma_start3A_132 = tpu.memref_slice %arg4[%add3A_130, %dma_start3A_131] : memref<112x128xi32, #tpu.memory_space<vmem>> -> memref<1x128xi32, #tpu.memory_space<vmem>>
      %dma_start3A_133 = tpu.memref_squeeze %dma_start3A_132 : memref<1x128xi32, #tpu.memory_space<vmem>> -> memref<128xi32, #tpu.memory_space<vmem>>
      %dma_start3A_134 = arith.constant 0 : i32
      %dma_start3A_135 = tpu.memref_slice %arg7[%dma_start3A_134] : memref<65536xf32, #tpu.memory_space<vmem_shared>> -> memref<65536xf32, #tpu.memory_space<vmem_shared>>
      tpu.enqueue_indirect_dma source(%arg5 : memref<128xf32, #tpu.memory_space<vmem>>) target(%dma_start3A_135 : memref<65536xf32, #tpu.memory_space<vmem_shared>>) offsets(%dma_start3A_133 : memref<128xi32, #tpu.memory_space<vmem>>) semaphore(%arg8 : memref<!tpu.dma_semaphore, #tpu.memory_space<semaphore_mem>>) {add = true}
      %mul3A_136 = arith.constant 16 : i32
      %mul3A_137 = arith.muli %scan3A_19, %mul3A_136 : i32
      %add3A_138 = arith.constant 13 : i32
      %add3A_139 = arith.addi %mul3A_137, %add3A_138 : i32
      %dma_start3A_140 = arith.constant 0 : i32
      %dma_start3A_141 = tpu.memref_slice %arg4[%add3A_139, %dma_start3A_140] : memref<112x128xi32, #tpu.memory_space<vmem>> -> memref<1x128xi32, #tpu.memory_space<vmem>>
      %dma_start3A_142 = tpu.memref_squeeze %dma_start3A_141 : memref<1x128xi32, #tpu.memory_space<vmem>> -> memref<128xi32, #tpu.memory_space<vmem>>
      %dma_start3A_143 = arith.constant 0 : i32
      %dma_start3A_144 = tpu.memref_slice %arg7[%dma_start3A_143] : memref<65536xf32, #tpu.memory_space<vmem_shared>> -> memref<65536xf32, #tpu.memory_space<vmem_shared>>
      tpu.enqueue_indirect_dma source(%arg5 : memref<128xf32, #tpu.memory_space<vmem>>) target(%dma_start3A_144 : memref<65536xf32, #tpu.memory_space<vmem_shared>>) offsets(%dma_start3A_142 : memref<128xi32, #tpu.memory_space<vmem>>) semaphore(%arg8 : memref<!tpu.dma_semaphore, #tpu.memory_space<semaphore_mem>>) {add = true}
      %mul3A_145 = arith.constant 16 : i32
      %mul3A_146 = arith.muli %scan3A_19, %mul3A_145 : i32
      %add3A_147 = arith.constant 14 : i32
      %add3A_148 = arith.addi %mul3A_146, %add3A_147 : i32
      %dma_start3A_149 = arith.constant 0 : i32
      %dma_start3A_150 = tpu.memref_slice %arg4[%add3A_148, %dma_start3A_149] : memref<112x128xi32, #tpu.memory_space<vmem>> -> memref<1x128xi32, #tpu.memory_space<vmem>>
      %dma_start3A_151 = tpu.memref_squeeze %dma_start3A_150 : memref<1x128xi32, #tpu.memory_space<vmem>> -> memref<128xi32, #tpu.memory_space<vmem>>
      %dma_start3A_152 = arith.constant 0 : i32
      %dma_start3A_153 = tpu.memref_slice %arg7[%dma_start3A_152] : memref<65536xf32, #tpu.memory_space<vmem_shared>> -> memref<65536xf32, #tpu.memory_space<vmem_shared>>
      tpu.enqueue_indirect_dma source(%arg5 : memref<128xf32, #tpu.memory_space<vmem>>) target(%dma_start3A_153 : memref<65536xf32, #tpu.memory_space<vmem_shared>>) offsets(%dma_start3A_151 : memref<128xi32, #tpu.memory_space<vmem>>) semaphore(%arg8 : memref<!tpu.dma_semaphore, #tpu.memory_space<semaphore_mem>>) {add = true}
      %mul3A_154 = arith.constant 16 : i32
      %mul3A_155 = arith.muli %scan3A_19, %mul3A_154 : i32
      %add3A_156 = arith.constant 15 : i32
      %add3A_157 = arith.addi %mul3A_155, %add3A_156 : i32
      %dma_start3A_158 = arith.constant 0 : i32
      %dma_start3A_159 = tpu.memref_slice %arg4[%add3A_157, %dma_start3A_158] : memref<112x128xi32, #tpu.memory_space<vmem>> -> memref<1x128xi32, #tpu.memory_space<vmem>>
      %dma_start3A_160 = tpu.memref_squeeze %dma_start3A_159 : memref<1x128xi32, #tpu.memory_space<vmem>> -> memref<128xi32, #tpu.memory_space<vmem>>
      %dma_start3A_161 = arith.constant 0 : i32
      %dma_start3A_162 = tpu.memref_slice %arg7[%dma_start3A_161] : memref<65536xf32, #tpu.memory_space<vmem_shared>> -> memref<65536xf32, #tpu.memory_space<vmem_shared>>
      tpu.enqueue_indirect_dma source(%arg5 : memref<128xf32, #tpu.memory_space<vmem>>) target(%dma_start3A_162 : memref<65536xf32, #tpu.memory_space<vmem_shared>>) offsets(%dma_start3A_160 : memref<128xi32, #tpu.memory_space<vmem>>) semaphore(%arg8 : memref<!tpu.dma_semaphore, #tpu.memory_space<semaphore_mem>>) {add = true}
      %dma_wait3A = arith.constant 0 : i32
      %dma_wait3A_163 = tpu.memref_slice %arg4[%add3A_23, %dma_wait3A] : memref<112x128xi32, #tpu.memory_space<vmem>> -> memref<1x128xi32, #tpu.memory_space<vmem>>
      %dma_wait3A_164 = tpu.memref_squeeze %dma_wait3A_163 : memref<1x128xi32, #tpu.memory_space<vmem>> -> memref<128xi32, #tpu.memory_space<vmem>>
      %dma_wait3A_165 = arith.constant 0 : i32
      %dma_wait3A_166 = tpu.memref_slice %arg7[%dma_wait3A_165] : memref<65536xf32, #tpu.memory_space<vmem_shared>> -> memref<65536xf32, #tpu.memory_space<vmem_shared>>
      tpu.wait_indirect_dma semaphore(%arg8 : memref<!tpu.dma_semaphore, #tpu.memory_space<semaphore_mem>>) src(%arg5 : memref<128xf32, #tpu.memory_space<vmem>>) dst(%dma_wait3A_166 : memref<65536xf32, #tpu.memory_space<vmem_shared>>)
      %dma_wait3A_167 = arith.constant 0 : i32
      %dma_wait3A_168 = tpu.memref_slice %arg4[%add3A_31, %dma_wait3A_167] : memref<112x128xi32, #tpu.memory_space<vmem>> -> memref<1x128xi32, #tpu.memory_space<vmem>>
      %dma_wait3A_169 = tpu.memref_squeeze %dma_wait3A_168 : memref<1x128xi32, #tpu.memory_space<vmem>> -> memref<128xi32, #tpu.memory_space<vmem>>
      %dma_wait3A_170 = arith.constant 0 : i32
      %dma_wait3A_171 = tpu.memref_slice %arg7[%dma_wait3A_170] : memref<65536xf32, #tpu.memory_space<vmem_shared>> -> memref<65536xf32, #tpu.memory_space<vmem_shared>>
      tpu.wait_indirect_dma semaphore(%arg8 : memref<!tpu.dma_semaphore, #tpu.memory_space<semaphore_mem>>) src(%arg5 : memref<128xf32, #tpu.memory_space<vmem>>) dst(%dma_wait3A_171 : memref<65536xf32, #tpu.memory_space<vmem_shared>>)
      %dma_wait3A_172 = arith.constant 0 : i32
      %dma_wait3A_173 = tpu.memref_slice %arg4[%add3A_40, %dma_wait3A_172] : memref<112x128xi32, #tpu.memory_space<vmem>> -> memref<1x128xi32, #tpu.memory_space<vmem>>
      %dma_wait3A_174 = tpu.memref_squeeze %dma_wait3A_173 : memref<1x128xi32, #tpu.memory_space<vmem>> -> memref<128xi32, #tpu.memory_space<vmem>>
      %dma_wait3A_175 = arith.constant 0 : i32
      %dma_wait3A_176 = tpu.memref_slice %arg7[%dma_wait3A_175] : memref<65536xf32, #tpu.memory_space<vmem_shared>> -> memref<65536xf32, #tpu.memory_space<vmem_shared>>
      tpu.wait_indirect_dma semaphore(%arg8 : memref<!tpu.dma_semaphore, #tpu.memory_space<semaphore_mem>>) src(%arg5 : memref<128xf32, #tpu.memory_space<vmem>>) dst(%dma_wait3A_176 : memref<65536xf32, #tpu.memory_space<vmem_shared>>)
      %dma_wait3A_177 = arith.constant 0 : i32
      %dma_wait3A_178 = tpu.memref_slice %arg4[%add3A_49, %dma_wait3A_177] : memref<112x128xi32, #tpu.memory_space<vmem>> -> memref<1x128xi32, #tpu.memory_space<vmem>>
      %dma_wait3A_179 = tpu.memref_squeeze %dma_wait3A_178 : memref<1x128xi32, #tpu.memory_space<vmem>> -> memref<128xi32, #tpu.memory_space<vmem>>
      %dma_wait3A_180 = arith.constant 0 : i32
      %dma_wait3A_181 = tpu.memref_slice %arg7[%dma_wait3A_180] : memref<65536xf32, #tpu.memory_space<vmem_shared>> -> memref<65536xf32, #tpu.memory_space<vmem_shared>>
      tpu.wait_indirect_dma semaphore(%arg8 : memref<!tpu.dma_semaphore, #tpu.memory_space<semaphore_mem>>) src(%arg5 : memref<128xf32, #tpu.memory_space<vmem>>) dst(%dma_wait3A_181 : memref<65536xf32, #tpu.memory_space<vmem_shared>>)
      %dma_wait3A_182 = arith.constant 0 : i32
      %dma_wait3A_183 = tpu.memref_slice %arg4[%add3A_58, %dma_wait3A_182] : memref<112x128xi32, #tpu.memory_space<vmem>> -> memref<1x128xi32, #tpu.memory_space<vmem>>
      %dma_wait3A_184 = tpu.memref_squeeze %dma_wait3A_183 : memref<1x128xi32, #tpu.memory_space<vmem>> -> memref<128xi32, #tpu.memory_space<vmem>>
      %dma_wait3A_185 = arith.constant 0 : i32
      %dma_wait3A_186 = tpu.memref_slice %arg7[%dma_wait3A_185] : memref<65536xf32, #tpu.memory_space<vmem_shared>> -> memref<65536xf32, #tpu.memory_space<vmem_shared>>
      tpu.wait_indirect_dma semaphore(%arg8 : memref<!tpu.dma_semaphore, #tpu.memory_space<semaphore_mem>>) src(%arg5 : memref<128xf32, #tpu.memory_space<vmem>>) dst(%dma_wait3A_186 : memref<65536xf32, #tpu.memory_space<vmem_shared>>)
      %dma_wait3A_187 = arith.constant 0 : i32
      %dma_wait3A_188 = tpu.memref_slice %arg4[%add3A_67, %dma_wait3A_187] : memref<112x128xi32, #tpu.memory_space<vmem>> -> memref<1x128xi32, #tpu.memory_space<vmem>>
      %dma_wait3A_189 = tpu.memref_squeeze %dma_wait3A_188 : memref<1x128xi32, #tpu.memory_space<vmem>> -> memref<128xi32, #tpu.memory_space<vmem>>
      %dma_wait3A_190 = arith.constant 0 : i32
      %dma_wait3A_191 = tpu.memref_slice %arg7[%dma_wait3A_190] : memref<65536xf32, #tpu.memory_space<vmem_shared>> -> memref<65536xf32, #tpu.memory_space<vmem_shared>>
      tpu.wait_indirect_dma semaphore(%arg8 : memref<!tpu.dma_semaphore, #tpu.memory_space<semaphore_mem>>) src(%arg5 : memref<128xf32, #tpu.memory_space<vmem>>) dst(%dma_wait3A_191 : memref<65536xf32, #tpu.memory_space<vmem_shared>>)
      %dma_wait3A_192 = arith.constant 0 : i32
      %dma_wait3A_193 = tpu.memref_slice %arg4[%add3A_76, %dma_wait3A_192] : memref<112x128xi32, #tpu.memory_space<vmem>> -> memref<1x128xi32, #tpu.memory_space<vmem>>
      %dma_wait3A_194 = tpu.memref_squeeze %dma_wait3A_193 : memref<1x128xi32, #tpu.memory_space<vmem>> -> memref<128xi32, #tpu.memory_space<vmem>>
      %dma_wait3A_195 = arith.constant 0 : i32
      %dma_wait3A_196 = tpu.memref_slice %arg7[%dma_wait3A_195] : memref<65536xf32, #tpu.memory_space<vmem_shared>> -> memref<65536xf32, #tpu.memory_space<vmem_shared>>
      tpu.wait_indirect_dma semaphore(%arg8 : memref<!tpu.dma_semaphore, #tpu.memory_space<semaphore_mem>>) src(%arg5 : memref<128xf32, #tpu.memory_space<vmem>>) dst(%dma_wait3A_196 : memref<65536xf32, #tpu.memory_space<vmem_shared>>)
      %dma_wait3A_197 = arith.constant 0 : i32
      %dma_wait3A_198 = tpu.memref_slice %arg4[%add3A_85, %dma_wait3A_197] : memref<112x128xi32, #tpu.memory_space<vmem>> -> memref<1x128xi32, #tpu.memory_space<vmem>>
      %dma_wait3A_199 = tpu.memref_squeeze %dma_wait3A_198 : memref<1x128xi32, #tpu.memory_space<vmem>> -> memref<128xi32, #tpu.memory_space<vmem>>
      %dma_wait3A_200 = arith.constant 0 : i32
      %dma_wait3A_201 = tpu.memref_slice %arg7[%dma_wait3A_200] : memref<65536xf32, #tpu.memory_space<vmem_shared>> -> memref<65536xf32, #tpu.memory_space<vmem_shared>>
      tpu.wait_indirect_dma semaphore(%arg8 : memref<!tpu.dma_semaphore, #tpu.memory_space<semaphore_mem>>) src(%arg5 : memref<128xf32, #tpu.memory_space<vmem>>) dst(%dma_wait3A_201 : memref<65536xf32, #tpu.memory_space<vmem_shared>>)
      %dma_wait3A_202 = arith.constant 0 : i32
      %dma_wait3A_203 = tpu.memref_slice %arg4[%add3A_94, %dma_wait3A_202] : memref<112x128xi32, #tpu.memory_space<vmem>> -> memref<1x128xi32, #tpu.memory_space<vmem>>
      %dma_wait3A_204 = tpu.memref_squeeze %dma_wait3A_203 : memref<1x128xi32, #tpu.memory_space<vmem>> -> memref<128xi32, #tpu.memory_space<vmem>>
      %dma_wait3A_205 = arith.constant 0 : i32
      %dma_wait3A_206 = tpu.memref_slice %arg7[%dma_wait3A_205] : memref<65536xf32, #tpu.memory_space<vmem_shared>> -> memref<65536xf32, #tpu.memory_space<vmem_shared>>
      tpu.wait_indirect_dma semaphore(%arg8 : memref<!tpu.dma_semaphore, #tpu.memory_space<semaphore_mem>>) src(%arg5 : memref<128xf32, #tpu.memory_space<vmem>>) dst(%dma_wait3A_206 : memref<65536xf32, #tpu.memory_space<vmem_shared>>)
      %dma_wait3A_207 = arith.constant 0 : i32
      %dma_wait3A_208 = tpu.memref_slice %arg4[%add3A_103, %dma_wait3A_207] : memref<112x128xi32, #tpu.memory_space<vmem>> -> memref<1x128xi32, #tpu.memory_space<vmem>>
      %dma_wait3A_209 = tpu.memref_squeeze %dma_wait3A_208 : memref<1x128xi32, #tpu.memory_space<vmem>> -> memref<128xi32, #tpu.memory_space<vmem>>
      %dma_wait3A_210 = arith.constant 0 : i32
      %dma_wait3A_211 = tpu.memref_slice %arg7[%dma_wait3A_210] : memref<65536xf32, #tpu.memory_space<vmem_shared>> -> memref<65536xf32, #tpu.memory_space<vmem_shared>>
      tpu.wait_indirect_dma semaphore(%arg8 : memref<!tpu.dma_semaphore, #tpu.memory_space<semaphore_mem>>) src(%arg5 : memref<128xf32, #tpu.memory_space<vmem>>) dst(%dma_wait3A_211 : memref<65536xf32, #tpu.memory_space<vmem_shared>>)
      %dma_wait3A_212 = arith.constant 0 : i32
      %dma_wait3A_213 = tpu.memref_slice %arg4[%add3A_112, %dma_wait3A_212] : memref<112x128xi32, #tpu.memory_space<vmem>> -> memref<1x128xi32, #tpu.memory_space<vmem>>
      %dma_wait3A_214 = tpu.memref_squeeze %dma_wait3A_213 : memref<1x128xi32, #tpu.memory_space<vmem>> -> memref<128xi32, #tpu.memory_space<vmem>>
      %dma_wait3A_215 = arith.constant 0 : i32
      %dma_wait3A_216 = tpu.memref_slice %arg7[%dma_wait3A_215] : memref<65536xf32, #tpu.memory_space<vmem_shared>> -> memref<65536xf32, #tpu.memory_space<vmem_shared>>
      tpu.wait_indirect_dma semaphore(%arg8 : memref<!tpu.dma_semaphore, #tpu.memory_space<semaphore_mem>>) src(%arg5 : memref<128xf32, #tpu.memory_space<vmem>>) dst(%dma_wait3A_216 : memref<65536xf32, #tpu.memory_space<vmem_shared>>)
      %dma_wait3A_217 = arith.constant 0 : i32
      %dma_wait3A_218 = tpu.memref_slice %arg4[%add3A_121, %dma_wait3A_217] : memref<112x128xi32, #tpu.memory_space<vmem>> -> memref<1x128xi32, #tpu.memory_space<vmem>>
      %dma_wait3A_219 = tpu.memref_squeeze %dma_wait3A_218 : memref<1x128xi32, #tpu.memory_space<vmem>> -> memref<128xi32, #tpu.memory_space<vmem>>
      %dma_wait3A_220 = arith.constant 0 : i32
      %dma_wait3A_221 = tpu.memref_slice %arg7[%dma_wait3A_220] : memref<65536xf32, #tpu.memory_space<vmem_shared>> -> memref<65536xf32, #tpu.memory_space<vmem_shared>>
      tpu.wait_indirect_dma semaphore(%arg8 : memref<!tpu.dma_semaphore, #tpu.memory_space<semaphore_mem>>) src(%arg5 : memref<128xf32, #tpu.memory_space<vmem>>) dst(%dma_wait3A_221 : memref<65536xf32, #tpu.memory_space<vmem_shared>>)
      %dma_wait3A_222 = arith.constant 0 : i32
      %dma_wait3A_223 = tpu.memref_slice %arg4[%add3A_130, %dma_wait3A_222] : memref<112x128xi32, #tpu.memory_space<vmem>> -> memref<1x128xi32, #tpu.memory_space<vmem>>
      %dma_wait3A_224 = tpu.memref_squeeze %dma_wait3A_223 : memref<1x128xi32, #tpu.memory_space<vmem>> -> memref<128xi32, #tpu.memory_space<vmem>>
      %dma_wait3A_225 = arith.constant 0 : i32
      %dma_wait3A_226 = tpu.memref_slice %arg7[%dma_wait3A_225] : memref<65536xf32, #tpu.memory_space<vmem_shared>> -> memref<65536xf32, #tpu.memory_space<vmem_shared>>
      tpu.wait_indirect_dma semaphore(%arg8 : memref<!tpu.dma_semaphore, #tpu.memory_space<semaphore_mem>>) src(%arg5 : memref<128xf32, #tpu.memory_space<vmem>>) dst(%dma_wait3A_226 : memref<65536xf32, #tpu.memory_space<vmem_shared>>)
      %dma_wait3A_227 = arith.constant 0 : i32
      %dma_wait3A_228 = tpu.memref_slice %arg4[%add3A_139, %dma_wait3A_227] : memref<112x128xi32, #tpu.memory_space<vmem>> -> memref<1x128xi32, #tpu.memory_space<vmem>>
      %dma_wait3A_229 = tpu.memref_squeeze %dma_wait3A_228 : memref<1x128xi32, #tpu.memory_space<vmem>> -> memref<128xi32, #tpu.memory_space<vmem>>
      %dma_wait3A_230 = arith.constant 0 : i32
      %dma_wait3A_231 = tpu.memref_slice %arg7[%dma_wait3A_230] : memref<65536xf32, #tpu.memory_space<vmem_shared>> -> memref<65536xf32, #tpu.memory_space<vmem_shared>>
      tpu.wait_indirect_dma semaphore(%arg8 : memref<!tpu.dma_semaphore, #tpu.memory_space<semaphore_mem>>) src(%arg5 : memref<128xf32, #tpu.memory_space<vmem>>) dst(%dma_wait3A_231 : memref<65536xf32, #tpu.memory_space<vmem_shared>>)
      %dma_wait3A_232 = arith.constant 0 : i32
      %dma_wait3A_233 = tpu.memref_slice %arg4[%add3A_148, %dma_wait3A_232] : memref<112x128xi32, #tpu.memory_space<vmem>> -> memref<1x128xi32, #tpu.memory_space<vmem>>
      %dma_wait3A_234 = tpu.memref_squeeze %dma_wait3A_233 : memref<1x128xi32, #tpu.memory_space<vmem>> -> memref<128xi32, #tpu.memory_space<vmem>>
      %dma_wait3A_235 = arith.constant 0 : i32
      %dma_wait3A_236 = tpu.memref_slice %arg7[%dma_wait3A_235] : memref<65536xf32, #tpu.memory_space<vmem_shared>> -> memref<65536xf32, #tpu.memory_space<vmem_shared>>
      tpu.wait_indirect_dma semaphore(%arg8 : memref<!tpu.dma_semaphore, #tpu.memory_space<semaphore_mem>>) src(%arg5 : memref<128xf32, #tpu.memory_space<vmem>>) dst(%dma_wait3A_236 : memref<65536xf32, #tpu.memory_space<vmem_shared>>)
      %dma_wait3A_237 = arith.constant 0 : i32
      %dma_wait3A_238 = tpu.memref_slice %arg4[%add3A_157, %dma_wait3A_237] : memref<112x128xi32, #tpu.memory_space<vmem>> -> memref<1x128xi32, #tpu.memory_space<vmem>>
      %dma_wait3A_239 = tpu.memref_squeeze %dma_wait3A_238 : memref<1x128xi32, #tpu.memory_space<vmem>> -> memref<128xi32, #tpu.memory_space<vmem>>
      %dma_wait3A_240 = arith.constant 0 : i32
      %dma_wait3A_241 = tpu.memref_slice %arg7[%dma_wait3A_240] : memref<65536xf32, #tpu.memory_space<vmem_shared>> -> memref<65536xf32, #tpu.memory_space<vmem_shared>>
      tpu.wait_indirect_dma semaphore(%arg8 : memref<!tpu.dma_semaphore, #tpu.memory_space<semaphore_mem>>) src(%arg5 : memref<128xf32, #tpu.memory_space<vmem>>) dst(%dma_wait3A_241 : memref<65536xf32, #tpu.memory_space<vmem_shared>>)
    }
    %scan3A_13 = arith.constant 7 : i32
    %barrier3A_14 = arith.constant 0 : index
    tpu.barrier barrier_id(%barrier3A_14)
    %mul3A_15 = arith.constant 4096 : i32
    %mul3A_16 = arith.muli %arg1, %mul3A_15 : i32
    %mul3A_17 = arith.constant 4096 : i32
    %mul3A_18 = arith.muli %arg1, %mul3A_17 : i32
    "tpu.region"() ({
      %run_scoped3A = tpu.sem_alloc : memref<!tpu.dma_semaphore, #tpu.memory_space<semaphore_mem>>
      %dma_start3A = tpu.memref_slice %arg3[%arg0, %mul3A_18] : memref<2x65536xf32, #tpu.memory_space<hbm>> -> memref<1x4096xf32, #tpu.memory_space<hbm>>
      %dma_start3A_19 = tpu.memref_squeeze %dma_start3A : memref<1x4096xf32, #tpu.memory_space<hbm>> -> memref<4096xf32, #tpu.memory_space<hbm>>
      %dma_start3A_20 = tpu.memref_slice %arg7[%mul3A_16] : memref<65536xf32, #tpu.memory_space<vmem_shared>> -> memref<4096xf32, #tpu.memory_space<vmem_shared>>
      tpu.enqueue_dma source(%dma_start3A_20 : memref<4096xf32, #tpu.memory_space<vmem_shared>>) target(%dma_start3A_19 : memref<4096xf32, #tpu.memory_space<hbm>>) target_semaphore(%run_scoped3A : memref<!tpu.dma_semaphore, #tpu.memory_space<semaphore_mem>>)
      %dma_wait3A = tpu.memref_slice %arg3[%arg0, %mul3A_18] : memref<2x65536xf32, #tpu.memory_space<hbm>> -> memref<1x4096xf32, #tpu.memory_space<hbm>>
      %dma_wait3A_21 = tpu.memref_squeeze %dma_wait3A : memref<1x4096xf32, #tpu.memory_space<hbm>> -> memref<4096xf32, #tpu.memory_space<hbm>>
      %dma_wait3A_22 = tpu.memref_slice %arg7[%mul3A_16] : memref<65536xf32, #tpu.memory_space<vmem_shared>> -> memref<4096xf32, #tpu.memory_space<vmem_shared>>
      tpu.wait_dma2 semaphore(%run_scoped3A : memref<!tpu.dma_semaphore, #tpu.memory_space<semaphore_mem>>) src(%dma_wait3A_22 : memref<4096xf32, #tpu.memory_space<vmem_shared>>) dst(%dma_wait3A_21 : memref<4096xf32, #tpu.memory_space<hbm>>)
      tpu.yield
    }) : () -> ()
    return
  }
}

module attributes {stable_mosaic.version = 14 : i64} {
  func.func @_ids_body(%arg0: i32, %arg1: memref<16x65536xf32, #tpu.memory_space<vmem>>, %arg2: memref<512x128xi32, #tpu.memory_space<vmem>>) attributes {dimension_semantics = [#tpu.dimension_semantics<arbitrary>], iteration_bounds = array<i64: 9>, scalar_prefetch = 0 : i64, scratch_operands = 0 : i64, tpu.core_type = #tpu.core_type<tc>, window_params = [{transform_indices = @transform_0, window_bounds = array<i64: 16, 65536>}, {transform_indices = @transform_1, window_bounds = array<i64: 512, 128>}]} {
    %iota3A = tpu.iota {dimensions = array<i32: 0>} : vector<16x1xi32>
    %get3A = arith.constant 0 : index
    %get3A_0 = arith.constant 0 : index
    %get3A_1 = vector.load %arg1[%get3A, %get3A_0] : memref<16x65536xf32, #tpu.memory_space<vmem>>, vector<16x65536xf32>
    %bitcast_convert_type3A = tpu.bitcast %get3A_1 : vector<16x65536xf32> -> vector<16x65536xi32>
    %shift_right_logical3A = arith.constant 29 : i32
    %shift_right_logical3A_2 = vector.broadcast %shift_right_logical3A : i32 to vector<16x65536xi32>
    %shift_right_logical3A_3 = arith.shrui %bitcast_convert_type3A, %shift_right_logical3A_2 : vector<16x65536xi32>
    %and3A = arith.constant 1 : i32
    %and3A_4 = vector.broadcast %and3A : i32 to vector<16x65536xi32>
    %and3A_5 = arith.andi %shift_right_logical3A_3, %and3A_4 : vector<16x65536xi32>
    %shift_left3A = vector.broadcast %iota3A : vector<16x1xi32> to vector<16x65536xi32>
    %shift_left3A_6 = arith.shli %and3A_5, %shift_left3A : vector<16x65536xi32>
    %reduce_sum3A = arith.constant dense<0> : vector<65536xi32>
    %reduce_sum3A_7 = vector.multi_reduction <add>, %shift_left3A_6, %reduce_sum3A [0] : vector<16x65536xi32> to vector<65536xi32>
    %reshape3A = vector.shape_cast %reduce_sum3A_7 : vector<65536xi32> to vector<512x128xi32>
    %swap3A = arith.constant 0 : index
    %swap3A_8 = arith.constant 0 : index
    %swap3A_9 = vector.load %arg2[%swap3A, %swap3A_8] : memref<512x128xi32, #tpu.memory_space<vmem>>, vector<512x128xi32>
    tpu.vector_store %arg2[%swap3A, %swap3A_8], %reshape3A {strides = array<i32>} : memref<512x128xi32, #tpu.memory_space<vmem>>, vector<512x128xi32>,
    return
  }
  func.func @transform_0(%arg0: i32) -> (i32, i32) {
    %add3A = arith.constant 0 : i32
    %add3A_0 = arith.addi %arg0, %add3A : i32
    %c0_i32 = arith.constant 0 : i32
    %c0_i32_1 = arith.constant 0 : i32
    return %c0_i32, %add3A_0 : i32, i32
  }
  func.func @transform_1(%arg0: i32) -> (i32, i32) {
    %c0_i32 = arith.constant 0 : i32
    %c0_i32_0 = arith.constant 0 : i32
    return %arg0, %c0_i32 : i32, i32
  }
}

module attributes {stable_mosaic.version = 14 : i64} {
  func.func @_tab_body(%arg0: memref<2x65536xf32, #tpu.memory_space<vmem>>, %arg1: memref<2x65536xf32, #tpu.memory_space<vmem>>, %arg2: memref<65536xf32, #tpu.memory_space<vmem>>, %arg3: memref<65536xf32, #tpu.memory_space<vmem>>) attributes {dimension_semantics = [], scalar_prefetch = 0 : i64, scratch_operands = 0 : i64, tpu.core_type = #tpu.core_type<tc>} {
    %get3A = arith.constant 0 : index
    %get3A_0 = vector.load %arg2[%get3A] : memref<65536xf32, #tpu.memory_space<vmem>>, vector<65536xf32>
    %get3A_1 = arith.constant 0 : index
    %get3A_2 = arith.constant 0 : index
    %get3A_3 = vector.load %arg0[%get3A_1, %get3A_2] : memref<2x65536xf32, #tpu.memory_space<vmem>>, vector<1x65536xf32>
    %get3A_4 = vector.shape_cast %get3A_3 : vector<1x65536xf32> to vector<65536xf32>
    %add3A = arith.addf %get3A_0, %get3A_4 : vector<65536xf32>
    %get3A_5 = arith.constant 1 : index
    %get3A_6 = arith.constant 0 : index
    %get3A_7 = vector.load %arg0[%get3A_5, %get3A_6] : memref<2x65536xf32, #tpu.memory_space<vmem>>, vector<1x65536xf32>
    %get3A_8 = vector.shape_cast %get3A_7 : vector<1x65536xf32> to vector<65536xf32>
    %add3A_9 = arith.addf %add3A, %get3A_8 : vector<65536xf32>
    %get3A_10 = arith.constant 0 : index
    %get3A_11 = arith.constant 0 : index
    %get3A_12 = vector.load %arg1[%get3A_10, %get3A_11] : memref<2x65536xf32, #tpu.memory_space<vmem>>, vector<1x65536xf32>
    %get3A_13 = vector.shape_cast %get3A_12 : vector<1x65536xf32> to vector<65536xf32>
    %add3A_14 = arith.addf %add3A_9, %get3A_13 : vector<65536xf32>
    %get3A_15 = arith.constant 1 : index
    %get3A_16 = arith.constant 0 : index
    %get3A_17 = vector.load %arg1[%get3A_15, %get3A_16] : memref<2x65536xf32, #tpu.memory_space<vmem>>, vector<1x65536xf32>
    %get3A_18 = vector.shape_cast %get3A_17 : vector<1x65536xf32> to vector<65536xf32>
    %add3A_19 = arith.addf %add3A_14, %get3A_18 : vector<65536xf32>
    %max3A = arith.constant 1.000000e+00 : f32
    %max3A_20 = vector.broadcast %max3A : f32 to vector<65536xf32>
    %max3A_21 = arith.maximumf %add3A_19, %max3A_20 : vector<65536xf32>
    %rsqrt3A = math.rsqrt %max3A_21 : vector<65536xf32>
    %swap3A = arith.constant 0 : index
    %swap3A_22 = vector.load %arg3[%swap3A] : memref<65536xf32, #tpu.memory_space<vmem>>, vector<65536xf32>
    tpu.vector_store %arg3[%swap3A], %rsqrt3A {strides = array<i32>} : memref<65536xf32, #tpu.memory_space<vmem>>, vector<65536xf32>,
    return
  }
}

module attributes {stable_mosaic.version = 14 : i64} {
  func.func @_ids_body(%arg0: i32, %arg1: memref<16x65536xf32, #tpu.memory_space<vmem>>, %arg2: memref<512x128xi32, #tpu.memory_space<vmem>>) attributes {dimension_semantics = [#tpu.dimension_semantics<arbitrary>], iteration_bounds = array<i64: 7>, scalar_prefetch = 0 : i64, scratch_operands = 0 : i64, tpu.core_type = #tpu.core_type<tc>, window_params = [{transform_indices = @transform_0, window_bounds = array<i64: 16, 65536>}, {transform_indices = @transform_1, window_bounds = array<i64: 512, 128>}]} {
    %iota3A = tpu.iota {dimensions = array<i32: 0>} : vector<16x1xi32>
    %get3A = arith.constant 0 : index
    %get3A_0 = arith.constant 0 : index
    %get3A_1 = vector.load %arg1[%get3A, %get3A_0] : memref<16x65536xf32, #tpu.memory_space<vmem>>, vector<16x65536xf32>
    %bitcast_convert_type3A = tpu.bitcast %get3A_1 : vector<16x65536xf32> -> vector<16x65536xi32>
    %shift_right_logical3A = arith.constant 29 : i32
    %shift_right_logical3A_2 = vector.broadcast %shift_right_logical3A : i32 to vector<16x65536xi32>
    %shift_right_logical3A_3 = arith.shrui %bitcast_convert_type3A, %shift_right_logical3A_2 : vector<16x65536xi32>
    %and3A = arith.constant 1 : i32
    %and3A_4 = vector.broadcast %and3A : i32 to vector<16x65536xi32>
    %and3A_5 = arith.andi %shift_right_logical3A_3, %and3A_4 : vector<16x65536xi32>
    %shift_left3A = vector.broadcast %iota3A : vector<16x1xi32> to vector<16x65536xi32>
    %shift_left3A_6 = arith.shli %and3A_5, %shift_left3A : vector<16x65536xi32>
    %reduce_sum3A = arith.constant dense<0> : vector<65536xi32>
    %reduce_sum3A_7 = vector.multi_reduction <add>, %shift_left3A_6, %reduce_sum3A [0] : vector<16x65536xi32> to vector<65536xi32>
    %reshape3A = vector.shape_cast %reduce_sum3A_7 : vector<65536xi32> to vector<512x128xi32>
    %swap3A = arith.constant 0 : index
    %swap3A_8 = arith.constant 0 : index
    %swap3A_9 = vector.load %arg2[%swap3A, %swap3A_8] : memref<512x128xi32, #tpu.memory_space<vmem>>, vector<512x128xi32>
    tpu.vector_store %arg2[%swap3A, %swap3A_8], %reshape3A {strides = array<i32>} : memref<512x128xi32, #tpu.memory_space<vmem>>, vector<512x128xi32>,
    return
  }
  func.func @transform_0(%arg0: i32) -> (i32, i32) {
    %add3A = arith.constant 9 : i32
    %add3A_0 = arith.addi %arg0, %add3A : i32
    %c0_i32 = arith.constant 0 : i32
    %c0_i32_1 = arith.constant 0 : i32
    return %c0_i32, %add3A_0 : i32, i32
  }
  func.func @transform_1(%arg0: i32) -> (i32, i32) {
    %c0_i32 = arith.constant 0 : i32
    %c0_i32_0 = arith.constant 0 : i32
    return %arg0, %c0_i32 : i32, i32
  }
}

</mosaic_0001>

<sc_bundles>
// kernel: kernel.11.cloned.1.call-start
scs
__scs_entry_jumppad:
0x0: {  	(pc) =	sbr.rel $0x88, $3  }
0x1: {  	(tag) =	ssettag $0x0;
	lr =	simm.s32 $0x1  }
0x2: {  	[smem:$0x3F9F] =	sst lr;
	_ =	strace $0xD0000000  }
0x3: {  	_ = 	snop  }
0x4: {  	_ = 	snop  }
0x5: {  	_ = 	snop  }
0x6: {  	_ = 	snop  }
0x7: {  	_ = 	snop  }
__scs_overlays_trampoline_lowered:
0x8: {  	[smem:$0x3FAE] =	sst s0  }
0x9: {  	[smem:$0x3FAF] =	sst s1  }
0xa: {  	[smem:$0x3FB0] =	sst s2  }
0xb: {  	[smem:$0x3FB1] =	sst s3  }
0xc: {  	[smem:$0x3FB2] =	sst s4  }
0xd: {  	[smem:$0x3FB3] =	sst s5  }
0xe: {  	[smem:$0x3FB4] =	sst s6  }
0xf: {  	[smem:$0x3FB5] =	sst s7  }
0x10: {  	[smem:$0x3FB6] =	sst s8  }
0x11: {  	[smem:$0x3FB7] =	sst s9;
	s0 =	simm.s32 @!p0 $0x0  }
0x12: {  	s1 =	sld [smem:$0x3F9D];
	s0 =	simm.s32 @p0 $0x1  }
0x13: {  	[smem:$0x3FB8] =	sst s0;
	s0 =	simm.s32 @!p1 $0x0  }
0x14: {  	s2 =	sld [smem:$0x3F9C];
	s0 =	simm.s32 @p1 $0x1  }
0x15: {  	[smem:$0x3FB9] =	sst s0;
	s0 =	simm.s32 @!p2 $0x0  }
0x16: {  	s3 =	sld [smem:$0x3FDB];
	s0 =	simm.s32 @p2 $0x1  }
0x17: {  	s4 =	simm.s32 $0x1BF5;
	[smem:$0x3FBB] =	sst s0  }
0x18: {  	s0 =	sld [smem:$0x3F9E];
	_ =	swait.ge [sflag:s4], $0x0  }
0x19: {  	s7 =	sld [smem:$0x3F9F]  }
0x1a: {  	s8 =	sadd.s32 $0xFFFFE003, lr  }
0x1b: {  	s9 =	sadd.s32 $0xFFFFFEF7, lr;
	s5 =	simm.s32 $0xFFFFFFFF;
	p2 =	slt.u32 s8, $0xFFFFF086  }
0x1c: {  	p1 =	slt.u32 s9, $0xF7A;
	s5 =	simm.s32 @!p2 $0x0  }
0x1d: {  	s5 =	simm.s32 @p1 $0x1;
	p0 =	seq.s32 s7, s2  }
0x1e: {  	s7 =	smul.u32 @!p0 $0xF7A, s2;
	p2 =	seq.s32 @!p0 s5, $0x0  }
0x1f: {  	s9 =	smul.u32 $0xF7A, s1;
	s8 =	simm.s32 @!p0 $0x1BF5;
	p2 =	por !p2, p0  }
0x20: {  	[sflag:s8] =	ssyncset.s32 @!p0 $0xFFFFF086;
	s6 =	sadd.s32 @!p0 s3, s7;
	s7 =	simm.s32 @!p0 $0x108  }
0x21: {  	s3 =	sadd.s32 s3, s9;
	s6 =	sadd.s32 @!p0 $0x88, s6;
	s7 =	simm.s32 @p2 $0x1082  }
0x22: {  	[simem:s7], [sflag:s8] =	dma.local @!p0 [hbm:s6], $0xF7A  }
0x23: {  	s9 =	sor.u32 $0xD0000000, s2;
	s6 =	simm.s32 $0x108;
	_ =	swait.ge @!p0 [sflag:s8], $0x0  }
0x24: {  	s3 =	sadd.s32 $0x88, s3;
	s6 =	simm.s32 @!p1 $0x1082;
	[sflag:s4] =	ssyncset.s32 $0xFFFFF086  }
0x25: {  	[simem:s6], [sflag:s4] =	dma.local [hbm:s3], $0xF7A  }
0x26: {  	[smem:$0x3F9F] =	sst s1;
	(tag) =	ssettag s2;
	_ =	strace s9  }
0x27: {  	s1 =	sld [smem:$0x3FAF]  }
0x28: {  	s2 =	sld [smem:$0x3FB0]  }
0x29: {  	s4 =	sld [smem:$0x3FB2]  }
0x2a: {  	p0 =	seq.s32 s5, $0x0;
	s5 =	sld [smem:$0x3FB3]  }
0x2b: {  	s6 =	sld [smem:$0x3FB4]  }
0x2c: {  	s7 =	sld [smem:$0x3FB5]  }
0x2d: {  	s3 =	simm.s32 $0x108;
	s8 =	sld [smem:$0x3FB6]  }
0x2e: {  	s3 =	simm.s32 @!p0 $0x1082;
	s9 =	sld [smem:$0x3FB7]  }
0x2f: {  	lr =	sadd.s32 s0, s3;
	s0 =	sld [smem:$0x3FAE]  }
0x30: {  	s3 =	sld [smem:$0x3FB1]  }
0x31: {  	[smem:$0x3FBA] =	sst s10  }
0x32: {  	s10 =	sld [smem:$0x3FB8];
	_ =	sdelay $0x3  }
0x33: {  	p0 =	seq.s32 s10, $0x1;
	s10 =	sld [smem:$0x3FBA];
	_ =	sdelay $0x3  }
0x34: {  	[smem:$0x3FBA] =	sst s10  }
0x35: {  	s10 =	sld [smem:$0x3FB9];
	_ =	sdelay $0x3  }
0x36: {  	p1 =	seq.s32 s10, $0x1;
	s10 =	sld [smem:$0x3FBA];
	_ =	sdelay $0x3  }
0x37: {  	[smem:$0x3FBA] =	sst s10  }
0x38: {  	s10 =	sld [smem:$0x3FBB]  }
0x39: {  	_ = 	snop;
	(pc) =	sbr.ind lr, $3  }
0x3a: {  	_ = 	snop  }
0x3b: {  	_ = 	snop  }
0x3c: {  	p2 =	seq.s32 s10, $0x1;
	s10 =	sld [smem:$0x3FBA]  }
0x3d: {  	_ =	shalt  }
0x3e: {  	_ =	shalt  }
0x3f: {  	_ =	shalt  }
0x40: {  	_ =	shalt  }
0x41: {  	_ =	shalt  }
0x42: {  	_ =	shalt  }
0x43: {  	_ =	shalt  }
0x44: {  	_ =	shalt  }
0x45: {  	_ =	shalt  }
0x46: {  	_ =	shalt  }
0x47: {  	_ =	shalt  }
0x48: {  	_ =	shalt  }
0x49: {  	_ =	shalt  }
0x4a: {  	_ =	shalt  }
0x4b: {  	_ =	shalt  }
0x4c: {  	_ =	shalt  }
0x4d: {  	_ =	shalt  }
0x4e: {  	_ =	shalt  }
0x4f: {  	_ =	shalt  }
0x50: {  	_ =	shalt  }
0x51: {  	_ =	shalt  }
0x52: {  	_ =	shalt  }
0x53: {  	_ =	shalt  }
0x54: {  	_ =	shalt  }
0x55: {  	_ =	shalt  }
0x56: {  	_ =	shalt  }
0x57: {  	_ =	shalt  }
0x58: {  	_ =	shalt  }
0x59: {  	_ =	shalt  }
0x5a: {  	_ =	shalt  }
0x5b: {  	_ =	shalt  }
0x5c: {  	_ =	shalt  }
0x5d: {  	_ =	shalt  }
0x5e: {  	_ =	shalt  }
0x5f: {  	_ =	shalt  }
0x60: {  	_ =	shalt  }
0x61: {  	_ =	shalt  }
0x62: {  	_ =	shalt  }
0x63: {  	_ =	shalt  }
0x64: {  	_ =	shalt  }
0x65: {  	_ =	shalt  }
0x66: {  	_ =	shalt  }
0x67: {  	_ =	shalt  }
0x68: {  	_ =	shalt  }
0x69: {  	_ =	shalt  }
0x6a: {  	_ =	shalt  }
0x6b: {  	_ =	shalt  }
0x6c: {  	_ =	shalt  }
0x6d: {  	_ =	shalt  }
0x6e: {  	_ =	shalt  }
0x6f: {  	_ =	shalt  }
0x70: {  	_ =	shalt  }
0x71: {  	_ =	shalt  }
0x72: {  	_ =	shalt  }
0x73: {  	_ =	shalt  }
0x74: {  	_ =	shalt  }
0x75: {  	_ =	shalt  }
0x76: {  	_ =	shalt  }
0x77: {  	_ =	shalt  }
0x78: {  	_ =	shalt  }
0x79: {  	_ =	shalt  }
0x7a: {  	_ =	shalt  }
0x7b: {  	_ =	shalt  }
0x7c: {  	_ =	shalt  }
0x7d: {  	_ =	shalt  }
0x7e: {  	_ =	shalt  }
0x7f: {  	_ =	shalt  }
0x80: {  	_ =	shalt  }
0x81: {  	_ =	shalt  }
0x82: {  	_ =	shalt  }
0x83: {  	_ =	shalt  }
0x84: {  	_ =	shalt  }
0x85: {  	_ =	shalt  }
0x86: {  	_ =	shalt  }
0x87: {  	_ =	shalt  }
.Lfunc_end0:
.L_simem_size_0:
called_computation.1_lowered:
.L_overlay_start_0:
0x88: {  	s2 =	sld [smem:$0x3FD9]  }
0x89: {  	s3 =	sld [smem:$0x3FFE];
	_ =	sdelay $0x1  }
0x8a: {  	s1 =	srdreg.scid  }
0x8b: {  	s0 =	sand.u32 $0x1, s1  }
0x8c: {  	s16 =	sshll.u32 s0, $0xA;
	s2 =	sadd.s32 s3, s2  }
0x8d: {  	s2 =	sadd.s32 s2, s16  }
0x8e: {  	[smem:$0x3FC6] =	sst s2  }
0x8f: {  	_ = 	snop  }
0x90: {  	(tm) =	ssettm $0x1  }
0x91: {  	s17 =	sld [smem:$0x3FFB];
	_ =	sdelay $0x3  }
0x92: {  	_ =	strace s17  }
0x93: {  	s2 =	sld [smem:$0x3FFC];
	_ =	sdelay $0x3  }
0x94: {  	_ =	strace s2  }
0x95: {  	s2 =	sld [smem:$0x3FFD];
	_ =	sdelay $0x3  }
0x96: {  	_ =	strace s2  }
0x97: {  	_ =	strace $0x8FFFFFFF  }
0x98: {  	s18 =	sld [smem:$0x3FDB];
	_ =	sdelay $0x1  }
0x99: {  	s19 =	simm.s32 $_scs_section_size  }
0x9a: {  	s4 =	simm.s32 $_size__tile_overlayer_lowered;
	s5 =	simm.s32 $_tile_overlayer_lowered  }
0x9b: {  	s22 =	simm.s32 $0x1BFF;
	s21 =	sshll.u32 s5, $0x1;
	s2 =	sadd.s32 s19, s18  }
0x9c: {  	s6 =	simm.s32 $0x0;
	s20 =	sshll.u32 s4, $0x1;
	s4 =	sadd.s32 s21, s2  }
0x9d: {  	[timem:s6], [sflag:s22] =	dma.local [hbm:s4], s20  }
0x9e: {  	_ =	swait.ge [sflag:s22], s20  }
0x9f: {  	s3 =	ssub.s32 $0x0, s20;
	[sflag:s22] =	ssyncset.done $0x0  }
0xa0: {  	[sflag:s22] =	ssyncadd.s32 s3;
	_ =	sdelay $0x1  }
0xa1: {  	s23 =	simm.s32 $0x1B8B  }
0xa2: {  	_ =	swait.ge [sflag:s23], $0x1  }
0xa3: {  	[sflag:s23] =	ssyncset.done $0x0  }
0xa4: {  	s25 =	simm.s32 $0x1B8E;
	s24 =	sld [smem:$0x3FFE];
	[sflag:s23] =	ssyncadd.s32 $0xFFFFFFFF  }
0xa5: {  	s26 =	simm.s32 $execute0_lowered;
	[smem:$0x3FD2] =	sst s25  }
0xa6: {  	s4 =	sshll.u32 s26, $0x1;
	_ =	strace $0x80000046;
	[dreg:$0x1] =	wrdreg $0xFFFFFFFF  }
0xa7: {  	s28 =	simm.s32 $_size_execute0_lowered;
	s2 =	sadd.s32 s2, s4;
	[dreg:$0x0] =	wrdreg $0x0  }
0xa8: {  	s4 =	sshll.u32 s28, $0x1;
	[dreg:$0x2] =	wrdreg s2  }
0xa9: {  	[dreg:$0x3] =	wrdreg s4  }
0xaa: {  	[dreg:$0x4] =	wrdreg $0xC0  }
0xab: {  	_ =	task [dreg:s6], $0x5FFFF  }
0xac: {  	[dreg:$0x1] =	wrdreg $0xFFFFFFFF  }
0xad: {  	[dreg:$0x0] =	wrdreg $0x60  }
0xae: {  	[dreg:$0x2] =	wrdreg s24  }
0xaf: {  	[dreg:$0x3] =	wrdreg $0x48800  }
0xb0: {  	[dreg:$0x4] =	wrdreg $0xA  }
0xb1: {  	_ =	task.clear_ibuf [dreg:s6], $0x5FFFF;
	_ =	strace $0x90000046  }
0xb2: {  	s29 =	simm.s32 $0xA;
	_ =	strace $0x80000048  }
0xb3: {  	_ =	swait.ge [sflag:s29], $0x1  }
0xb4: {  	[sflag:s29] =	ssyncadd.s32 $0xFFFFFFFF  }
0xb5: {  	_ =	strace $0x90000048  }
0xb6: {  	_ =	sfence  }
0xb7: {  	s30 =	sld [smem:$0x0];
	_ =	sdelay $0x2  }
0xb8: {  	s31 =	sshll.u32 s1, $0xD;
	s1 =	sshrl.u32 s1, $0x2  }
0xb9: {  	s3 =	sand.u32 $0x4000, s31;
	s1 =	sadd.s32 s1, s30  }
0xba: {  	s0 =	sor.u32 s3, s0;
	s1 =	sshll.u32 s1, $0x11  }
0xbb: {  	s0 =	sor.u32 s1, s0  }
0xbc: {  	s0 =	sadd.s32 $0x8F2B, s0  }
0xbd: {  	[sflag:s0] =	ssyncadd.remote.s32 $0x1  }
0xbe: {  	_ =	sfence.sel $0xFFFF  }
0xbf: {  	[dreg:$0x0] =	wrdreg $0xFFFFFFFF;
	(pc) =	sbr.abs _section_cstart, $3  }
0xc0: {  	[dreg:$0x1] =	wrdreg $0xFFFFFFFF  }
0xc1: {  	_ =	task.clear_ibuf [dreg:s6], $0x2FFFF;
	_ =	strace $0x9FFFFFFF  }
0xc2: {  	(tm) =	ssettm $0x7FFFFFFF  }
0xc3: {  	_ =	shalt  }
tec
execute0_lowered:
.L_overlay_start_1:
0x0: {  	(tag) =	ssettag $0x1  }
0x1: {  	s0 =	srdreg.scid;
	s4 =	rddreg [dreg:$0x0]  }
0x2: {  	s2 =	rddreg [dreg:$0x1];
	s1 =	stileid.u32  }
0x3: {  	s3 =	simm.s32 $0x0;
	s10 =	simm.s32 $0x80;
	s11 =	simm.s32 $0x3800  }
0x4: {  	s12 =	simm.s32 $0x1;
	s5 =	sand.u32 $0x1, s0;
	s0 =	rddreg [dreg:$0x2]  }
0x5: {  	s15 =	simm.s32 $0x20;
	s16 =	simm.s32 $0x10;
	[smem:$0x7FF] =	sst s3  }
0x6: {  	s9 =	sshll.u32 s1, $0xA;
	s31 =	sshll.u32 s1, $0xC;
	s6 =	sshll.u32 s5, $0x4  }
0x7: {  	s13 =	sshll.u32 s1, $0x6;
	s5 =	ssub.s32 $0x2, s5;
	s7 =	sor.u32 s1, s6  }
0x8: {  	_ =	strace $0x80000047;
	s30 =	sshrl.u32 s5, $0x1;
	s7 =	smul.u32 $0x700, s7  }
0x9: {  	s13 =	sor.u32 $0x1C02, s13;
	s6 =	sadd.s32 s6, s4;
	s8 =	ssub.s32 s5, s30  }
0xa: {  	s6 =	sadd.s32 s9, s6;
	s9 =	simm.s32 $0x2;
	s7 =	sadd.s32 s7, s4  }
0xb: {  	s6 =	sadd.s32 $0xF800, s6;
	s4 =	sadd.s32 s31, s2;
	s5 =	sadd.s32 $0x1800, s7  }
0xc: {  	v0 =	vimm.f32 $0.0e+00;
	v1 =	vimm.f32 $1.000000000e+00;
	s7 =	smax.u32 s8, $0x1;
	s8 =	simm.s32 $0x3880;
	s14 =	sshrl.u32 s4, $0x3  }
.LBB2_1:
0xd: {  	s17 =	simm.s32 $0x38C0  }
0xe: {  	[tilespmem:s17+$0xFFFFFFC0] =	vst v0  }
0xf: {  	[tilespmem:s17+$0x30] =	vst v0  }
0x10: {  	[tilespmem:s17+$0x20] =	vst v0  }
0x11: {  	[tilespmem:s17+$0x10] =	vst v0  }
0x12: {  	[tilespmem:s17+$0x0] =	vst v0  }
0x13: {  	[tilespmem:s17+$0xFFFFFFF0] =	vst v0  }
0x14: {  	s18 =	simm.s32 $0x0;
	[tilespmem:s17+$0xFFFFFFE0] =	vst v0  }
.LBB2_2:
0x15: {  	s18 =	sadd.s32 $0x8, s18;
	[tilespmem:s17+$0xFFFFFFD0] =	vst v0;
	s17 =	sadd.s32 $0x80, s17  }
0x16: {  	[tilespmem:s17+$0xFFFFFFC0] =	vst v0;
	p0 =	slt.u32 s18, $0xF8  }
0x17: {  	[tilespmem:s17+$0x30] =	vst v0  }
.Ltmp0:
0x18: {  	[tilespmem:s17+$0x20] =	vst v0;
	(pc) =	sbr.rel @p0 .LBB2_2-.Ltmp0, $4  }
0x19: {  	[tilespmem:s17+$0x10] =	vst v0  }
0x1a: {  	[tilespmem:s17+$0x0] =	vst v0  }
0x1b: {  	[tilespmem:s17+$0xFFFFFFF0] =	vst v0  }
0x1c: {  	[tilespmem:s17+$0xFFFFFFE0] =	vst v0  }
0x1d: {  	[tilespmem:s17+$0xFFFFFFD0] =	vst v0  }
0x1e: {  	[spmem:s4] =	stream.linear.scatter [tilespmem:s8], [sflag:$0x2], $0x1000, $0x38;
	[tilespmem:$0x5880] =	vst v63  }
0x1f: {  	_ =	swait.ge [sflag:s9], $0x1000  }
0x20: {  	[sflag:s9] =	ssyncset.done $0x0  }
0x21: {  	[sflag:s9] =	ssyncadd.s32 $0xFFFFF000  }
0x22: {  	[tilespmem:$0x3800] =	vst v1  }
0x23: {  	[tilespmem:$0x3810] =	vst v1  }
0x24: {  	[tilespmem:$0x3820] =	vst v1  }
0x25: {  	[tilespmem:$0x3830] =	vst v1  }
0x26: {  	[tilespmem:$0x3840] =	vst v1  }
0x27: {  	[tilespmem:$0x3850] =	vst v1  }
0x28: {  	[tilespmem:$0x3860] =	vst v1  }
0x29: {  	s28 =	simm.s32 $0x0;
	[tilespmem:$0x3870] =	vst v1  }
0x2a: {  	[tilespmem:s28], [sflag:$0x2] =	stream.linear.gather [hbm4b:s5+s28], $0x3800, $0x38;
	[tilespmem:$0x5880] =	vst v63  }
0x2b: {  	_ =	swait.ge [sflag:s9], $0x3800  }
0x2c: {  	[sflag:s9] =	ssyncset.done $0x0  }
0x2d: {  	[sflag:s9] =	ssyncadd.s32 $0xFFFFC800  }
0x2e: {  	s29 =	simm.s32 $0x0;
	[bflag:$0x0] =	sbarrier.arrive $0xFFFF  }
0x2f: {  	[spmem:s2] =	stream.indirect.scatter.add.f32 [tilespmem:s11], [sflag:$0x1], $0x1, s29, s10, $0xb8;
	[tilespmem:$0x5880] =	vst v63  }
0x30: {  	s30 =	simm.s32 $0x80  }
0x31: {  	[spmem:s2] =	stream.indirect.scatter.add.f32 [tilespmem:s11], [sflag:$0x1], $0x1, s30, s10, $0xb8;
	[tilespmem:$0x5880] =	vst v63  }
0x32: {  	s31 =	simm.s32 $0x100  }
0x33: {  	[spmem:s2] =	stream.indirect.scatter.add.f32 [tilespmem:s11], [sflag:$0x1], $0x1, s31, s10, $0xb8;
	[tilespmem:$0x5880] =	vst v63  }
0x34: {  	s18 =	simm.s32 $0x180  }
0x35: {  	[spmem:s2] =	stream.indirect.scatter.add.f32 [tilespmem:s11], [sflag:$0x1], $0x1, s18, s10, $0xb8;
	[tilespmem:$0x5880] =	vst v63  }
0x36: {  	s19 =	simm.s32 $0x200  }
0x37: {  	[spmem:s2] =	stream.indirect.scatter.add.f32 [tilespmem:s11], [sflag:$0x1], $0x1, s19, s10, $0xb8;
	[tilespmem:$0x5880] =	vst v63  }
0x38: {  	s20 =	simm.s32 $0x280  }
0x39: {  	[spmem:s2] =	stream.indirect.scatter.add.f32 [tilespmem:s11], [sflag:$0x1], $0x1, s20, s10, $0xb8;
	[tilespmem:$0x5880] =	vst v63  }
0x3a: {  	s21 =	simm.s32 $0x300  }
0x3b: {  	[spmem:s2] =	stream.indirect.scatter.add.f32 [tilespmem:s11], [sflag:$0x1], $0x1, s21, s10, $0xb8;
	[tilespmem:$0x5880] =	vst v63  }
0x3c: {  	s22 =	simm.s32 $0x380  }
0x3d: {  	[spmem:s2] =	stream.indirect.scatter.add.f32 [tilespmem:s11], [sflag:$0x1], $0x1, s22, s10, $0xb8;
	[tilespmem:$0x5880] =	vst v63  }
0x3e: {  	s23 =	simm.s32 $0x400  }
0x3f: {  	[spmem:s2] =	stream.indirect.scatter.add.f32 [tilespmem:s11], [sflag:$0x1], $0x1, s23, s10, $0xb8;
	[tilespmem:$0x5880] =	vst v63  }
0x40: {  	s24 =	simm.s32 $0x480  }
0x41: {  	[spmem:s2] =	stream.indirect.scatter.add.f32 [tilespmem:s11], [sflag:$0x1], $0x1, s24, s10, $0xb8;
	[tilespmem:$0x5880] =	vst v63  }
0x42: {  	s25 =	simm.s32 $0x500  }
0x43: {  	[spmem:s2] =	stream.indirect.scatter.add.f32 [tilespmem:s11], [sflag:$0x1], $0x1, s25, s10, $0xb8;
	[tilespmem:$0x5880] =	vst v63  }
0x44: {  	s26 =	simm.s32 $0x580  }
0x45: {  	[spmem:s2] =	stream.indirect.scatter.add.f32 [tilespmem:s11], [sflag:$0x1], $0x1, s26, s10, $0xb8;
	[tilespmem:$0x5880] =	vst v63  }
0x46: {  	s28 =	simm.s32 $0x600  }
0x47: {  	[spmem:s2] =	stream.indirect.scatter.add.f32 [tilespmem:s11], [sflag:$0x1], $0x1, s28, s10, $0xb8;
	[tilespmem:$0x5880] =	vst v63  }
0x48: {  	s29 =	simm.s32 $0x680  }
0x49: {  	[spmem:s2] =	stream.indirect.scatter.add.f32 [tilespmem:s11], [sflag:$0x1], $0x1, s29, s10, $0xb8;
	[tilespmem:$0x5880] =	vst v63  }
0x4a: {  	s30 =	simm.s32 $0x700  }
0x4b: {  	[spmem:s2] =	stream.indirect.scatter.add.f32 [tilespmem:s11], [sflag:$0x1], $0x1, s30, s10, $0xb8;
	[tilespmem:$0x5880] =	vst v63  }
0x4c: {  	s31 =	simm.s32 $0x780  }
0x4d: {  	[spmem:s2] =	stream.indirect.scatter.add.f32 [tilespmem:s11], [sflag:$0x1], $0x1, s31, s10, $0xb8;
	[tilespmem:$0x5880] =	vst v63  }
0x4e: {  	_ =	swait.ge [sflag:s12], $0x80  }
0x4f: {  	[sflag:s12] =	ssyncset.done $0x0  }
0x50: {  	[sflag:s12] =	ssyncadd.s32 $0xFFFFFF80  }
0x51: {  	_ =	swait.ge [sflag:s12], $0x80  }
0x52: {  	[sflag:s12] =	ssyncset.done $0x0  }
0x53: {  	[sflag:s12] =	ssyncadd.s32 $0xFFFFFF80  }
0x54: {  	_ =	swait.ge [sflag:s12], $0x80  }
0x55: {  	[sflag:s12] =	ssyncset.done $0x0  }
0x56: {  	[sflag:s12] =	ssyncadd.s32 $0xFFFFFF80  }
0x57: {  	_ =	swait.ge [sflag:s12], $0x80  }
0x58: {  	[sflag:s12] =	ssyncset.done $0x0  }
0x59: {  	[sflag:s12] =	ssyncadd.s32 $0xFFFFFF80  }
0x5a: {  	_ =	swait.ge [sflag:s12], $0x80  }
0x5b: {  	[sflag:s12] =	ssyncset.done $0x0  }
0x5c: {  	[sflag:s12] =	ssyncadd.s32 $0xFFFFFF80  }
0x5d: {  	_ =	swait.ge [sflag:s12], $0x80  }
0x5e: {  	[sflag:s12] =	ssyncset.done $0x0  }
0x5f: {  	[sflag:s12] =	ssyncadd.s32 $0xFFFFFF80  }
0x60: {  	_ =	swait.ge [sflag:s12], $0x80  }
0x61: {  	[sflag:s12] =	ssyncset.done $0x0  }
0x62: {  	[sflag:s12] =	ssyncadd.s32 $0xFFFFFF80  }
0x63: {  	_ =	swait.ge [sflag:s12], $0x80  }
0x64: {  	[sflag:s12] =	ssyncset.done $0x0  }
0x65: {  	[sflag:s12] =	ssyncadd.s32 $0xFFFFFF80  }
0x66: {  	_ =	swait.ge [sflag:s12], $0x80  }
0x67: {  	[sflag:s12] =	ssyncset.done $0x0  }
0x68: {  	[sflag:s12] =	ssyncadd.s32 $0xFFFFFF80  }
0x69: {  	_ =	swait.ge [sflag:s12], $0x80  }
0x6a: {  	[sflag:s12] =	ssyncset.done $0x0  }
0x6b: {  	[sflag:s12] =	ssyncadd.s32 $0xFFFFFF80  }
0x6c: {  	_ =	swait.ge [sflag:s12], $0x80  }
0x6d: {  	[sflag:s12] =	ssyncset.done $0x0  }
0x6e: {  	[sflag:s12] =	ssyncadd.s32 $0xFFFFFF80  }
0x6f: {  	_ =	swait.ge [sflag:s12], $0x80  }
0x70: {  	[sflag:s12] =	ssyncset.done $0x0  }
0x71: {  	[sflag:s12] =	ssyncadd.s32 $0xFFFFFF80  }
0x72: {  	_ =	swait.ge [sflag:s12], $0x80  }
0x73: {  	[sflag:s12] =	ssyncset.done $0x0  }
0x74: {  	[sflag:s12] =	ssyncadd.s32 $0xFFFFFF80  }
0x75: {  	_ =	swait.ge [sflag:s12], $0x80  }
0x76: {  	[sflag:s12] =	ssyncset.done $0x0  }
0x77: {  	[sflag:s12] =	ssyncadd.s32 $0xFFFFFF80  }
0x78: {  	_ =	swait.ge [sflag:s12], $0x80  }
0x79: {  	[sflag:s12] =	ssyncset.done $0x0  }
0x7a: {  	[sflag:s12] =	ssyncadd.s32 $0xFFFFFF80  }
0x7b: {  	_ =	swait.ge [sflag:s12], $0x80  }
0x7c: {  	s17 =	simm.s32 $0x2000;
	s20 =	simm.s32 $0x4000;
	[sflag:s12] =	ssyncset.done $0x0  }
.LBB2_4:
0x7d: {  	s19 =	sshra.s32 s17, $0x2  }
0x7e: {  	[sflag:s12] =	ssyncadd.s32 $0xFFFFFF80;
	s17 =	smov.u32 s20;
	s18 =	sadd.s32 $0x2000, s20  }
0x7f: {  	[spmem:s2] =	stream.indirect.scatter.add.f32 [tilespmem:s11], [sflag:$0x1], $0x1, s19, s10, $0xb8;
	[tilespmem:$0x5880] =	vst v63  }
0x80: {  	p0 =	sne.s32 s20, $0xC000;
	s20 =	sadd.s32 $0x80, s19  }
0x81: {  	[spmem:s2] =	stream.indirect.scatter.add.f32 [tilespmem:s11], [sflag:$0x1], $0x1, s20, s10, $0xb8;
	[tilespmem:$0x5880] =	vst v63  }
0x82: {  	s20 =	sadd.s32 $0x100, s19  }
0x83: {  	[spmem:s2] =	stream.indirect.scatter.add.f32 [tilespmem:s11], [sflag:$0x1], $0x1, s20, s10, $0xb8;
	[tilespmem:$0x5880] =	vst v63  }
0x84: {  	s20 =	sadd.s32 $0x180, s19  }
0x85: {  	[spmem:s2] =	stream.indirect.scatter.add.f32 [tilespmem:s11], [sflag:$0x1], $0x1, s20, s10, $0xb8;
	[tilespmem:$0x5880] =	vst v63  }
0x86: {  	s20 =	sadd.s32 $0x200, s19  }
0x87: {  	[spmem:s2] =	stream.indirect.scatter.add.f32 [tilespmem:s11], [sflag:$0x1], $0x1, s20, s10, $0xb8;
	[tilespmem:$0x5880] =	vst v63  }
0x88: {  	s20 =	sadd.s32 $0x280, s19  }
0x89: {  	[spmem:s2] =	stream.indirect.scatter.add.f32 [tilespmem:s11], [sflag:$0x1], $0x1, s20, s10, $0xb8;
	[tilespmem:$0x5880] =	vst v63  }
0x8a: {  	s20 =	sadd.s32 $0x300, s19  }
0x8b: {  	[spmem:s2] =	stream.indirect.scatter.add.f32 [tilespmem:s11], [sflag:$0x1], $0x1, s20, s10, $0xb8;
	[tilespmem:$0x5880] =	vst v63  }
0x8c: {  	s20 =	sadd.s32 $0x380, s19  }
0x8d: {  	[spmem:s2] =	stream.indirect.scatter.add.f32 [tilespmem:s11], [sflag:$0x1], $0x1, s20, s10, $0xb8;
	[tilespmem:$0x5880] =	vst v63  }
0x8e: {  	s20 =	sadd.s32 $0x400, s19  }
0x8f: {  	[spmem:s2] =	stream.indirect.scatter.add.f32 [tilespmem:s11], [sflag:$0x1], $0x1, s20, s10, $0xb8;
	[tilespmem:$0x5880] =	vst v63  }
0x90: {  	s20 =	sadd.s32 $0x480, s19  }
0x91: {  	[spmem:s2] =	stream.indirect.scatter.add.f32 [tilespmem:s11], [sflag:$0x1], $0x1, s20, s10, $0xb8;
	[tilespmem:$0x5880] =	vst v63  }
0x92: {  	s20 =	sadd.s32 $0x500, s19  }
0x93: {  	[spmem:s2] =	stream.indirect.scatter.add.f32 [tilespmem:s11], [sflag:$0x1], $0x1, s20, s10, $0xb8;
	[tilespmem:$0x5880] =	vst v63  }
0x94: {  	s20 =	sadd.s32 $0x580, s19  }
0x95: {  	[spmem:s2] =	stream.indirect.scatter.add.f32 [tilespmem:s11], [sflag:$0x1], $0x1, s20, s10, $0xb8;
	[tilespmem:$0x5880] =	vst v63  }
0x96: {  	s20 =	sadd.s32 $0x600, s19  }
0x97: {  	[spmem:s2] =	stream.indirect.scatter.add.f32 [tilespmem:s11], [sflag:$0x1], $0x1, s20, s10, $0xb8;
	[tilespmem:$0x5880] =	vst v63  }
0x98: {  	s20 =	sadd.s32 $0x680, s19  }
0x99: {  	[spmem:s2] =	stream.indirect.scatter.add.f32 [tilespmem:s11], [sflag:$0x1], $0x1, s20, s10, $0xb8;
	[tilespmem:$0x5880] =	vst v63  }
0x9a: {  	s20 =	sadd.s32 $0x700, s19  }
0x9b: {  	[spmem:s2] =	stream.indirect.scatter.add.f32 [tilespmem:s11], [sflag:$0x1], $0x1, s20, s10, $0xb8;
	[tilespmem:$0x5880] =	vst v63  }
0x9c: {  	s19 =	sadd.s32 $0x780, s19  }
0x9d: {  	[spmem:s2] =	stream.indirect.scatter.add.f32 [tilespmem:s11], [sflag:$0x1], $0x1, s19, s10, $0xb8;
	[tilespmem:$0x5880] =	vst v63  }
0x9e: {  	_ =	swait.ge [sflag:s12], $0x80  }
0x9f: {  	[sflag:s12] =	ssyncset.done $0x0  }
0xa0: {  	[sflag:s12] =	ssyncadd.s32 $0xFFFFFF80  }
0xa1: {  	_ =	swait.ge [sflag:s12], $0x80  }
0xa2: {  	[sflag:s12] =	ssyncset.done $0x0  }
0xa3: {  	[sflag:s12] =	ssyncadd.s32 $0xFFFFFF80  }
0xa4: {  	_ =	swait.ge [sflag:s12], $0x80  }
0xa5: {  	[sflag:s12] =	ssyncset.done $0x0  }
0xa6: {  	[sflag:s12] =	ssyncadd.s32 $0xFFFFFF80  }
0xa7: {  	_ =	swait.ge [sflag:s12], $0x80  }
0xa8: {  	[sflag:s12] =	ssyncset.done $0x0  }
0xa9: {  	[sflag:s12] =	ssyncadd.s32 $0xFFFFFF80  }
0xaa: {  	_ =	swait.ge [sflag:s12], $0x80  }
0xab: {  	[sflag:s12] =	ssyncset.done $0x0  }
0xac: {  	[sflag:s12] =	ssyncadd.s32 $0xFFFFFF80  }
0xad: {  	_ =	swait.ge [sflag:s12], $0x80  }
0xae: {  	[sflag:s12] =	ssyncset.done $0x0  }
0xaf: {  	[sflag:s12] =	ssyncadd.s32 $0xFFFFFF80  }
0xb0: {  	_ =	swait.ge [sflag:s12], $0x80  }
0xb1: {  	[sflag:s12] =	ssyncset.done $0x0  }
0xb2: {  	[sflag:s12] =	ssyncadd.s32 $0xFFFFFF80  }
0xb3: {  	_ =	swait.ge [sflag:s12], $0x80  }
0xb4: {  	[sflag:s12] =	ssyncset.done $0x0  }
0xb5: {  	[sflag:s12] =	ssyncadd.s32 $0xFFFFFF80  }
0xb6: {  	_ =	swait.ge [sflag:s12], $0x80  }
0xb7: {  	[sflag:s12] =	ssyncset.done $0x0  }
0xb8: {  	[sflag:s12] =	ssyncadd.s32 $0xFFFFFF80  }
0xb9: {  	_ =	swait.ge [sflag:s12], $0x80  }
0xba: {  	[sflag:s12] =	ssyncset.done $0x0  }
0xbb: {  	[sflag:s12] =	ssyncadd.s32 $0xFFFFFF80  }
0xbc: {  	_ =	swait.ge [sflag:s12], $0x80  }
0xbd: {  	[sflag:s12] =	ssyncset.done $0x0  }
0xbe: {  	[sflag:s12] =	ssyncadd.s32 $0xFFFFFF80  }
0xbf: {  	_ =	swait.ge [sflag:s12], $0x80  }
0xc0: {  	[sflag:s12] =	ssyncset.done $0x0  }
0xc1: {  	[sflag:s12] =	ssyncadd.s32 $0xFFFFFF80  }
0xc2: {  	_ =	swait.ge [sflag:s12], $0x80  }
0xc3: {  	[sflag:s12] =	ssyncset.done $0x0  }
0xc4: {  	[sflag:s12] =	ssyncadd.s32 $0xFFFFFF80  }
0xc5: {  	_ =	swait.ge [sflag:s12], $0x80  }
0xc6: {  	[sflag:s12] =	ssyncset.done $0x0  }
0xc7: {  	[sflag:s12] =	ssyncadd.s32 $0xFFFFFF80  }
.Ltmp1:
0xc8: {  	_ =	swait.ge [sflag:s12], $0x80;
	(pc) =	sbr.rel @p0 .LBB2_4-.Ltmp1, $4  }
0xc9: {  	[sflag:s12] =	ssyncset.done $0x0  }
0xca: {  	[sflag:s12] =	ssyncadd.s32 $0xFFFFFF80  }
0xcb: {  	_ =	swait.ge [sflag:s12], $0x80  }
0xcc: {  	s20 =	smov.u32 s18;
	[sflag:s12] =	ssyncset.done $0x0  }
0xcd: {  	s17 =	sshra.s32 s17, $0x2;
	[sflag:s12] =	ssyncadd.s32 $0xFFFFFF80  }
0xce: {  	[spmem:s2] =	stream.indirect.scatter.add.f32 [tilespmem:s11], [sflag:$0x1], $0x1, s17, s10, $0xb8;
	[tilespmem:$0x5880] =	vst v63  }
0xcf: {  	s18 =	sadd.s32 $0x80, s17  }
0xd0: {  	[spmem:s2] =	stream.indirect.scatter.add.f32 [tilespmem:s11], [sflag:$0x1], $0x1, s18, s10, $0xb8;
	[tilespmem:$0x5880] =	vst v63  }
0xd1: {  	s31 =	sadd.s32 $0x100, s17  }
0xd2: {  	[spmem:s2] =	stream.indirect.scatter.add.f32 [tilespmem:s11], [sflag:$0x1], $0x1, s31, s10, $0xb8;
	[tilespmem:$0x5880] =	vst v63  }
0xd3: {  	s19 =	sadd.s32 $0x180, s17  }
0xd4: {  	[spmem:s2] =	stream.indirect.scatter.add.f32 [tilespmem:s11], [sflag:$0x1], $0x1, s19, s10, $0xb8;
	[tilespmem:$0x5880] =	vst v63  }
0xd5: {  	s20 =	sadd.s32 $0x200, s17  }
0xd6: {  	[spmem:s2] =	stream.indirect.scatter.add.f32 [tilespmem:s11], [sflag:$0x1], $0x1, s20, s10, $0xb8;
	[tilespmem:$0x5880] =	vst v63  }
0xd7: {  	s21 =	sadd.s32 $0x280, s17  }
0xd8: {  	[spmem:s2] =	stream.indirect.scatter.add.f32 [tilespmem:s11], [sflag:$0x1], $0x1, s21, s10, $0xb8;
	[tilespmem:$0x5880] =	vst v63  }
0xd9: {  	s22 =	sadd.s32 $0x300, s17  }
0xda: {  	[spmem:s2] =	stream.indirect.scatter.add.f32 [tilespmem:s11], [sflag:$0x1], $0x1, s22, s10, $0xb8;
	[tilespmem:$0x5880] =	vst v63  }
0xdb: {  	s23 =	sadd.s32 $0x380, s17  }
0xdc: {  	[spmem:s2] =	stream.indirect.scatter.add.f32 [tilespmem:s11], [sflag:$0x1], $0x1, s23, s10, $0xb8;
	[tilespmem:$0x5880] =	vst v63  }
0xdd: {  	s24 =	sadd.s32 $0x400, s17  }
0xde: {  	[spmem:s2] =	stream.indirect.scatter.add.f32 [tilespmem:s11], [sflag:$0x1], $0x1, s24, s10, $0xb8;
	[tilespmem:$0x5880] =	vst v63  }
0xdf: {  	s25 =	sadd.s32 $0x480, s17  }
0xe0: {  	[spmem:s2] =	stream.indirect.scatter.add.f32 [tilespmem:s11], [sflag:$0x1], $0x1, s25, s10, $0xb8;
	[tilespmem:$0x5880] =	vst v63  }
0xe1: {  	s26 =	sadd.s32 $0x500, s17  }
0xe2: {  	[spmem:s2] =	stream.indirect.scatter.add.f32 [tilespmem:s11], [sflag:$0x1], $0x1, s26, s10, $0xb8;
	[tilespmem:$0x5880] =	vst v63  }
0xe3: {  	s28 =	sadd.s32 $0x580, s17  }
0xe4: {  	[spmem:s2] =	stream.indirect.scatter.add.f32 [tilespmem:s11], [sflag:$0x1], $0x1, s28, s10, $0xb8;
	[tilespmem:$0x5880] =	vst v63  }
0xe5: {  	s29 =	sadd.s32 $0x600, s17  }
0xe6: {  	[spmem:s2] =	stream.indirect.scatter.add.f32 [tilespmem:s11], [sflag:$0x1], $0x1, s29, s10, $0xb8;
	[tilespmem:$0x5880] =	vst v63  }
0xe7: {  	s30 =	sadd.s32 $0x680, s17  }
0xe8: {  	[spmem:s2] =	stream.indirect.scatter.add.f32 [tilespmem:s11], [sflag:$0x1], $0x1, s30, s10, $0xb8;
	[tilespmem:$0x5880] =	vst v63  }
0xe9: {  	s31 =	sadd.s32 $0x700, s17  }
0xea: {  	[spmem:s2] =	stream.indirect.scatter.add.f32 [tilespmem:s11], [sflag:$0x1], $0x1, s31, s10, $0xb8;
	[tilespmem:$0x5880] =	vst v63  }
0xeb: {  	s17 =	sadd.s32 $0x780, s17  }
0xec: {  	[spmem:s2] =	stream.indirect.scatter.add.f32 [tilespmem:s11], [sflag:$0x1], $0x1, s17, s10, $0xb8;
	[tilespmem:$0x5880] =	vst v63  }
0xed: {  	_ =	swait.ge [sflag:s12], $0x80  }
0xee: {  	[sflag:s12] =	ssyncset.done $0x0  }
0xef: {  	[sflag:s12] =	ssyncadd.s32 $0xFFFFFF80  }
0xf0: {  	_ =	swait.ge [sflag:s12], $0x80  }
0xf1: {  	[sflag:s12] =	ssyncset.done $0x0  }
0xf2: {  	[sflag:s12] =	ssyncadd.s32 $0xFFFFFF80  }
0xf3: {  	_ =	swait.ge [sflag:s12], $0x80  }
0xf4: {  	[sflag:s12] =	ssyncset.done $0x0  }
0xf5: {  	[sflag:s12] =	ssyncadd.s32 $0xFFFFFF80  }
0xf6: {  	_ =	swait.ge [sflag:s12], $0x80  }
0xf7: {  	[sflag:s12] =	ssyncset.done $0x0  }
0xf8: {  	[sflag:s12] =	ssyncadd.s32 $0xFFFFFF80  }
0xf9: {  	_ =	swait.ge [sflag:s12], $0x80  }
0xfa: {  	[sflag:s12] =	ssyncset.done $0x0  }
0xfb: {  	[sflag:s12] =	ssyncadd.s32 $0xFFFFFF80  }
0xfc: {  	_ =	swait.ge [sflag:s12], $0x80  }
0xfd: {  	[sflag:s12] =	ssyncset.done $0x0  }
0xfe: {  	[sflag:s12] =	ssyncadd.s32 $0xFFFFFF80  }
0xff: {  	_ =	swait.ge [sflag:s12], $0x80  }
0x100: {  	[sflag:s12] =	ssyncset.done $0x0  }
0x101: {  	[sflag:s12] =	ssyncadd.s32 $0xFFFFFF80  }
0x102: {  	_ =	swait.ge [sflag:s12], $0x80  }
0x103: {  	[sflag:s12] =	ssyncset.done $0x0  }
0x104: {  	[sflag:s12] =	ssyncadd.s32 $0xFFFFFF80  }
0x105: {  	_ =	swait.ge [sflag:s12], $0x80  }
0x106: {  	[sflag:s12] =	ssyncset.done $0x0  }
0x107: {  	[sflag:s12] =	ssyncadd.s32 $0xFFFFFF80  }
0x108: {  	_ =	swait.ge [sflag:s12], $0x80  }
0x109: {  	[sflag:s12] =	ssyncset.done $0x0  }
0x10a: {  	[sflag:s12] =	ssyncadd.s32 $0xFFFFFF80  }
0x10b: {  	_ =	swait.ge [sflag:s12], $0x80  }
0x10c: {  	[sflag:s12] =	ssyncset.done $0x0  }
0x10d: {  	[sflag:s12] =	ssyncadd.s32 $0xFFFFFF80  }
0x10e: {  	_ =	swait.ge [sflag:s12], $0x80  }
0x10f: {  	[sflag:s12] =	ssyncset.done $0x0  }
0x110: {  	[sflag:s12] =	ssyncadd.s32 $0xFFFFFF80  }
0x111: {  	_ =	swait.ge [sflag:s12], $0x80  }
0x112: {  	[sflag:s12] =	ssyncset.done $0x0  }
0x113: {  	[sflag:s12] =	ssyncadd.s32 $0xFFFFFF80  }
0x114: {  	_ =	swait.ge [sflag:s12], $0x80  }
0x115: {  	[sflag:s12] =	ssyncset.done $0x0  }
0x116: {  	[sflag:s12] =	ssyncadd.s32 $0xFFFFFF80  }
0x117: {  	_ =	swait.ge [sflag:s12], $0x80  }
0x118: {  	[sflag:s12] =	ssyncset.done $0x0  }
0x119: {  	[sflag:s12] =	ssyncadd.s32 $0xFFFFFF80  }
0x11a: {  	_ =	swait.ge [sflag:s12], $0x80  }
0x11b: {  	s3 =	sadd.s32 $0x1, s3;
	[sflag:s12] =	ssyncset.done $0x0  }
0x11c: {  	p0 =	sne.s32 s3, s7;
	[sflag:s12] =	ssyncadd.s32 $0xFFFFFF80  }
.Ltmp2:
0x11d: {  	[bflag:$0x0] =	sbarrier.arrive $0xFFFF;
	(pc) =	sbr.rel @p0 .LBB2_1-.Ltmp2, $4  }
0x11e: {  	[hbm:s6@s15], [sflag:s13] =	dma.strided [spmem:s14@s16], $0x200, s12, $0x10   }
0x11f: {  	_ =	swait.ge [sflag:s9], $0x200  }
0x120: {  	[sflag:s9] =	ssyncset.done $0x0  }
0x121: {  	[sflag:s9] =	ssyncadd.s32 $0xFFFFFE00  }
0x122: {  	_ =	sfence.sel $0x180000  }
0x123: {  	[bflag:$0x0] =	sbarrier.arrive $0xFFFF  }
0x124: {  	p0 =	sne.s32 s1, $0x0;
	_ =	strace $0x90000047  }
0x125: {  	s0 =	sadd.s32 @!p0 $0x100000, s0;
	[bflag:$0x2] =	sbarrier.arrive $0xFFFF  }
0x126: {  	[sflag:s0] =	ssyncadd.tile.s32 @!p0 $0x1;
	_ =	shalt  }
.Lfunc_end2:
_tile_overlayer_lowered:
.L_overlay_start_2:
0x127: {  	(tag) =	ssettag $0x2  }
0x128: {  	s0 =	rddreg [dreg:$0x0];
	s2 =	stileid.u32  }
0x129: {  	s1 =	rddreg [dreg:$0x1];
	p0 =	sne.s32 s2, $0x0  }
0x12a: {  	s3 =	rddreg [dreg:$0x2];
	[bflag:$0x3] =	sbarrier.arrive $0xFFFF;
	s2 =	simm.s32 @!p0 $0x1C02  }
0x12b: {  	[timem:s3], [sflag:s2] =	dma.local @!p0 [hbm:s0], s1  }
0x12c: {  	s0 =	simm.s32 @!p0 $0x2  }
0x12d: {  	_ =	swait.ge @!p0 [sflag:s0], s1  }
0x12e: {  	s1 =	ssub.s32 @!p0 $0x0, s1;
	[sflag:s0] =	ssyncset.done @!p0 $0x0  }
0x12f: {  	[sflag:s0] =	ssyncadd.s32 @!p0 s1  }
0x130: {  	[bflag:$0x3] =	sbarrier.arrive $0xFFFF  }
0x131: {  	_ =	shalt  }

// kernel: kernel.14.cloned.1.call-start
scs
__scs_entry_jumppad:
0x0: {  	(pc) =	sbr.rel $0x88, $3  }
0x1: {  	(tag) =	ssettag $0x0;
	lr =	simm.s32 $0x1  }
0x2: {  	[smem:$0x3F9F] =	sst lr;
	_ =	strace $0xD0000000  }
0x3: {  	_ = 	snop  }
0x4: {  	_ = 	snop  }
0x5: {  	_ = 	snop  }
0x6: {  	_ = 	snop  }
0x7: {  	_ = 	snop  }
__scs_overlays_trampoline_lowered:
0x8: {  	[smem:$0x3FAE] =	sst s0  }
0x9: {  	[smem:$0x3FAF] =	sst s1  }
0xa: {  	[smem:$0x3FB0] =	sst s2  }
0xb: {  	[smem:$0x3FB1] =	sst s3  }
0xc: {  	[smem:$0x3FB2] =	sst s4  }
0xd: {  	[smem:$0x3FB3] =	sst s5  }
0xe: {  	[smem:$0x3FB4] =	sst s6  }
0xf: {  	[smem:$0x3FB5] =	sst s7  }
0x10: {  	[smem:$0x3FB6] =	sst s8  }
0x11: {  	[smem:$0x3FB7] =	sst s9;
	s0 =	simm.s32 @!p0 $0x0  }
0x12: {  	s1 =	sld [smem:$0x3F9D];
	s0 =	simm.s32 @p0 $0x1  }
0x13: {  	[smem:$0x3FB8] =	sst s0;
	s0 =	simm.s32 @!p1 $0x0  }
0x14: {  	s2 =	sld [smem:$0x3F9C];
	s0 =	simm.s32 @p1 $0x1  }
0x15: {  	[smem:$0x3FB9] =	sst s0;
	s0 =	simm.s32 @!p2 $0x0  }
0x16: {  	s3 =	sld [smem:$0x3FDB];
	s0 =	simm.s32 @p2 $0x1  }
0x17: {  	s4 =	simm.s32 $0x1BF5;
	[smem:$0x3FBB] =	sst s0  }
0x18: {  	s0 =	sld [smem:$0x3F9E];
	_ =	swait.ge [sflag:s4], $0x0  }
0x19: {  	s7 =	sld [smem:$0x3F9F]  }
0x1a: {  	s8 =	sadd.s32 $0xFFFFE003, lr  }
0x1b: {  	s9 =	sadd.s32 $0xFFFFFEF7, lr;
	s5 =	simm.s32 $0xFFFFFFFF;
	p2 =	slt.u32 s8, $0xFFFFF086  }
0x1c: {  	p1 =	slt.u32 s9, $0xF7A;
	s5 =	simm.s32 @!p2 $0x0  }
0x1d: {  	s5 =	simm.s32 @p1 $0x1;
	p0 =	seq.s32 s7, s2  }
0x1e: {  	s7 =	smul.u32 @!p0 $0xF7A, s2;
	p2 =	seq.s32 @!p0 s5, $0x0  }
0x1f: {  	s9 =	smul.u32 $0xF7A, s1;
	s8 =	simm.s32 @!p0 $0x1BF5;
	p2 =	por !p2, p0  }
0x20: {  	[sflag:s8] =	ssyncset.s32 @!p0 $0xFFFFF086;
	s6 =	sadd.s32 @!p0 s3, s7;
	s7 =	simm.s32 @!p0 $0x108  }
0x21: {  	s3 =	sadd.s32 s3, s9;
	s6 =	sadd.s32 @!p0 $0x88, s6;
	s7 =	simm.s32 @p2 $0x1082  }
0x22: {  	[simem:s7], [sflag:s8] =	dma.local @!p0 [hbm:s6], $0xF7A  }
0x23: {  	s9 =	sor.u32 $0xD0000000, s2;
	s6 =	simm.s32 $0x108;
	_ =	swait.ge @!p0 [sflag:s8], $0x0  }
0x24: {  	s3 =	sadd.s32 $0x88, s3;
	s6 =	simm.s32 @!p1 $0x1082;
	[sflag:s4] =	ssyncset.s32 $0xFFFFF086  }
0x25: {  	[simem:s6], [sflag:s4] =	dma.local [hbm:s3], $0xF7A  }
0x26: {  	[smem:$0x3F9F] =	sst s1;
	(tag) =	ssettag s2;
	_ =	strace s9  }
0x27: {  	s1 =	sld [smem:$0x3FAF]  }
0x28: {  	s2 =	sld [smem:$0x3FB0]  }
0x29: {  	s4 =	sld [smem:$0x3FB2]  }
0x2a: {  	p0 =	seq.s32 s5, $0x0;
	s5 =	sld [smem:$0x3FB3]  }
0x2b: {  	s6 =	sld [smem:$0x3FB4]  }
0x2c: {  	s7 =	sld [smem:$0x3FB5]  }
0x2d: {  	s3 =	simm.s32 $0x108;
	s8 =	sld [smem:$0x3FB6]  }
0x2e: {  	s3 =	simm.s32 @!p0 $0x1082;
	s9 =	sld [smem:$0x3FB7]  }
0x2f: {  	lr =	sadd.s32 s0, s3;
	s0 =	sld [smem:$0x3FAE]  }
0x30: {  	s3 =	sld [smem:$0x3FB1]  }
0x31: {  	[smem:$0x3FBA] =	sst s10  }
0x32: {  	s10 =	sld [smem:$0x3FB8];
	_ =	sdelay $0x3  }
0x33: {  	p0 =	seq.s32 s10, $0x1;
	s10 =	sld [smem:$0x3FBA];
	_ =	sdelay $0x3  }
0x34: {  	[smem:$0x3FBA] =	sst s10  }
0x35: {  	s10 =	sld [smem:$0x3FB9];
	_ =	sdelay $0x3  }
0x36: {  	p1 =	seq.s32 s10, $0x1;
	s10 =	sld [smem:$0x3FBA];
	_ =	sdelay $0x3  }
0x37: {  	[smem:$0x3FBA] =	sst s10  }
0x38: {  	s10 =	sld [smem:$0x3FBB]  }
0x39: {  	_ = 	snop;
	(pc) =	sbr.ind lr, $3  }
0x3a: {  	_ = 	snop  }
0x3b: {  	_ = 	snop  }
0x3c: {  	p2 =	seq.s32 s10, $0x1;
	s10 =	sld [smem:$0x3FBA]  }
0x3d: {  	_ =	shalt  }
0x3e: {  	_ =	shalt  }
0x3f: {  	_ =	shalt  }
0x40: {  	_ =	shalt  }
0x41: {  	_ =	shalt  }
0x42: {  	_ =	shalt  }
0x43: {  	_ =	shalt  }
0x44: {  	_ =	shalt  }
0x45: {  	_ =	shalt  }
0x46: {  	_ =	shalt  }
0x47: {  	_ =	shalt  }
0x48: {  	_ =	shalt  }
0x49: {  	_ =	shalt  }
0x4a: {  	_ =	shalt  }
0x4b: {  	_ =	shalt  }
0x4c: {  	_ =	shalt  }
0x4d: {  	_ =	shalt  }
0x4e: {  	_ =	shalt  }
0x4f: {  	_ =	shalt  }
0x50: {  	_ =	shalt  }
0x51: {  	_ =	shalt  }
0x52: {  	_ =	shalt  }
0x53: {  	_ =	shalt  }
0x54: {  	_ =	shalt  }
0x55: {  	_ =	shalt  }
0x56: {  	_ =	shalt  }
0x57: {  	_ =	shalt  }
0x58: {  	_ =	shalt  }
0x59: {  	_ =	shalt  }
0x5a: {  	_ =	shalt  }
0x5b: {  	_ =	shalt  }
0x5c: {  	_ =	shalt  }
0x5d: {  	_ =	shalt  }
0x5e: {  	_ =	shalt  }
0x5f: {  	_ =	shalt  }
0x60: {  	_ =	shalt  }
0x61: {  	_ =	shalt  }
0x62: {  	_ =	shalt  }
0x63: {  	_ =	shalt  }
0x64: {  	_ =	shalt  }
0x65: {  	_ =	shalt  }
0x66: {  	_ =	shalt  }
0x67: {  	_ =	shalt  }
0x68: {  	_ =	shalt  }
0x69: {  	_ =	shalt  }
0x6a: {  	_ =	shalt  }
0x6b: {  	_ =	shalt  }
0x6c: {  	_ =	shalt  }
0x6d: {  	_ =	shalt  }
0x6e: {  	_ =	shalt  }
0x6f: {  	_ =	shalt  }
0x70: {  	_ =	shalt  }
0x71: {  	_ =	shalt  }
0x72: {  	_ =	shalt  }
0x73: {  	_ =	shalt  }
0x74: {  	_ =	shalt  }
0x75: {  	_ =	shalt  }
0x76: {  	_ =	shalt  }
0x77: {  	_ =	shalt  }
0x78: {  	_ =	shalt  }
0x79: {  	_ =	shalt  }
0x7a: {  	_ =	shalt  }
0x7b: {  	_ =	shalt  }
0x7c: {  	_ =	shalt  }
0x7d: {  	_ =	shalt  }
0x7e: {  	_ =	shalt  }
0x7f: {  	_ =	shalt  }
0x80: {  	_ =	shalt  }
0x81: {  	_ =	shalt  }
0x82: {  	_ =	shalt  }
0x83: {  	_ =	shalt  }
0x84: {  	_ =	shalt  }
0x85: {  	_ =	shalt  }
0x86: {  	_ =	shalt  }
0x87: {  	_ =	shalt  }
.Lfunc_end0:
.L_simem_size_0:
called_computation.2_lowered:
.L_overlay_start_0:
0x88: {  	s2 =	sld [smem:$0x3FD9]  }
0x89: {  	s3 =	sld [smem:$0x3FFE];
	_ =	sdelay $0x1  }
0x8a: {  	s1 =	srdreg.scid  }
0x8b: {  	s0 =	sand.u32 $0x1, s1  }
0x8c: {  	s17 =	sshll.u32 s0, $0xA;
	s2 =	sadd.s32 s3, s2  }
0x8d: {  	s2 =	sadd.s32 s2, s17  }
0x8e: {  	[smem:$0x3FC6] =	sst s2  }
0x8f: {  	_ = 	snop  }
0x90: {  	s2 =	sld [smem:$0x3FD0];
	(tm) =	ssettm $0x1  }
0x91: {  	s18 =	sld [smem:$0x3FFB];
	_ =	sdelay $0x3  }
0x92: {  	_ =	strace s18  }
0x93: {  	s3 =	sld [smem:$0x3FFC];
	_ =	sdelay $0x3  }
0x94: {  	_ =	strace s3  }
0x95: {  	s3 =	sld [smem:$0x3FFD];
	_ =	sdelay $0x3  }
0x96: {  	_ =	strace s3  }
0x97: {  	_ =	strace $0x8FFFFFFF  }
0x98: {  	s19 =	sld [smem:$0x3FDB];
	_ =	sdelay $0x1  }
0x99: {  	s4 =	simm.s32 $_scs_section_size  }
0x9a: {  	s5 =	simm.s32 $_size__tile_overlayer_lowered;
	s6 =	simm.s32 $_tile_overlayer_lowered  }
0x9b: {  	s22 =	simm.s32 $0x1BFF;
	s21 =	sshll.u32 s6, $0x1;
	s3 =	sadd.s32 s4, s19  }
0x9c: {  	s7 =	simm.s32 $0x0;
	s20 =	sshll.u32 s5, $0x1;
	s5 =	sadd.s32 s21, s3  }
0x9d: {  	[timem:s7], [sflag:s22] =	dma.local [hbm:s5], s20  }
0x9e: {  	_ =	swait.ge [sflag:s22], s20  }
0x9f: {  	s4 =	ssub.s32 $0x0, s20;
	[sflag:s22] =	ssyncset.done $0x0  }
0xa0: {  	[sflag:s22] =	ssyncadd.s32 s4;
	_ =	sdelay $0x1  }
0xa1: {  	s23 =	simm.s32 $0x1B8B  }
0xa2: {  	_ =	swait.ge [sflag:s23], $0x1  }
0xa3: {  	[sflag:s23] =	ssyncset.done $0x0  }
0xa4: {  	s25 =	simm.s32 $0x1B8E;
	s24 =	sld [smem:$0x3FFE];
	[sflag:s23] =	ssyncadd.s32 $0xFFFFFFFF  }
0xa5: {  	s26 =	simm.s32 $execute0_lowered;
	[smem:$0x3FD2] =	sst s25  }
0xa6: {  	s5 =	sshll.u32 s26, $0x1;
	_ =	strace $0x8000004C;
	[dreg:$0x1] =	wrdreg $0xFFFFFFFF  }
0xa7: {  	s28 =	simm.s32 $_size_execute0_lowered;
	s3 =	sadd.s32 s3, s5;
	[dreg:$0x0] =	wrdreg $0x0  }
0xa8: {  	s5 =	sshll.u32 s28, $0x1;
	[dreg:$0x2] =	wrdreg s3  }
0xa9: {  	[dreg:$0x3] =	wrdreg s5  }
0xaa: {  	[dreg:$0x4] =	wrdreg $0xC0  }
0xab: {  	_ =	task [dreg:s7], $0x5FFFF  }
0xac: {  	[dreg:$0x1] =	wrdreg $0xFFFFFFFF  }
0xad: {  	[dreg:$0x0] =	wrdreg $0x60  }
0xae: {  	[dreg:$0x2] =	wrdreg s24  }
0xaf: {  	[dreg:$0x3] =	wrdreg s2  }
0xb0: {  	[dreg:$0x4] =	wrdreg $0x9  }
0xb1: {  	_ =	task.clear_ibuf [dreg:s7], $0x5FFFF;
	_ =	strace $0x9000004C  }
0xb2: {  	s29 =	simm.s32 $0x9;
	_ =	strace $0x8000004E  }
0xb3: {  	_ =	swait.ge [sflag:s29], $0x1  }
0xb4: {  	[sflag:s29] =	ssyncadd.s32 $0xFFFFFFFF  }
0xb5: {  	_ =	strace $0x9000004E  }
0xb6: {  	_ =	sfence  }
0xb7: {  	s30 =	sld [smem:$0x0];
	_ =	sdelay $0x2  }
0xb8: {  	s31 =	sshll.u32 s1, $0xD;
	s1 =	sshrl.u32 s1, $0x2  }
0xb9: {  	s3 =	sand.u32 $0x4000, s31;
	s1 =	sadd.s32 s1, s30  }
0xba: {  	s0 =	sor.u32 s3, s0;
	s1 =	sshll.u32 s1, $0x11  }
0xbb: {  	s0 =	sor.u32 s1, s0  }
0xbc: {  	s0 =	sadd.s32 $0x8F2B, s0  }
0xbd: {  	[sflag:s0] =	ssyncadd.remote.s32 $0x1  }
0xbe: {  	_ =	sfence.sel $0xFFFF  }
0xbf: {  	[dreg:$0x0] =	wrdreg $0xFFFFFFFF;
	(pc) =	sbr.abs _section_cstart, $3  }
0xc0: {  	[dreg:$0x1] =	wrdreg $0xFFFFFFFF  }
0xc1: {  	_ =	task.clear_ibuf [dreg:s7], $0x2FFFF;
	_ =	strace $0x9FFFFFFF  }
0xc2: {  	(tm) =	ssettm $0x7FFFFFFF  }
0xc3: {  	_ =	shalt  }
tec
execute0_lowered:
.L_overlay_start_1:
0x0: {  	(tag) =	ssettag $0x1  }
0x1: {  	s0 =	srdreg.scid;
	s3 =	rddreg [dreg:$0x0]  }
0x2: {  	s7 =	rddreg [dreg:$0x1];
	s1 =	stileid.u32  }
0x3: {  	s2 =	simm.s32 $0x0;
	s11 =	simm.s32 $0x2;
	s4 =	sand.u32 $0x1, s0  }
0x4: {  	s12 =	simm.s32 $0x14800;
	s13 =	simm.s32 $0x19000;
	s5 =	sshll.u32 s4, $0x4  }
0x5: {  	s14 =	simm.s32 $0x3;
	s15 =	simm.s32 $0x0;
	s5 =	sor.u32 s1, s5  }
0x6: {  	s0 =	rddreg [dreg:$0x2];
	s4 =	ssub.s32 $0x2, s4;
	s6 =	smul.u32 $0x900, s5  }
0x7: {  	[smem:$0x7FF] =	sst s2;
	s10 =	sshrl.u32 s4, $0x1;
	s8 =	smul.u32 $0x700, s5  }
0x8: {  	_ =	strace $0x8000004D;
	s5 =	smul.u32 $0x3800, s5;
	s10 =	ssub.s32 s4, s10  }
0x9: {  	s9 =	sadd.s32 s6, s3;
	s8 =	sadd.s32 s8, s3;
	s3 =	sadd.s32 $0xF800, s3  }
0xa: {  	s31 =	sshrl.u32 s5, $0x3;
	s5 =	sadd.s32 s7, s6;
	s4 =	sadd.s32 $0x13800, s9  }
0xb: {  	s6 =	sadd.s32 $0x1800, s8;
	s7 =	sadd.s32 s7, s31;
	s8 =	smax.u32 s10, $0x1  }
0xc: {  	s9 =	simm.s32 $0x10000;
	s10 =	simm.s32 $0x1;
	s7 =	sadd.s32 $0x12000, s7  }
.LBB2_1:
0xd: {  	[tilespmem:s2], [sflag:$0x1] =	stream.linear.gather [hbm4b:s3+s2], $0x10000, $0x38;
	[tilespmem:$0x1D800] =	vst v63  }
0xe: {  	_ = 	snop  }
0xf: {  	[tilespmem:s9], [sflag:$0x2] =	stream.linear.gather [hbm4b:s4+s2], $0x4800, $0x38;
	[tilespmem:$0x1D800] =	vst v63  }
0x10: {  	_ =	swait.ge [sflag:s10], $0x10000  }
0x11: {  	[sflag:s10] =	ssyncset.done $0x0  }
0x12: {  	[sflag:s10] =	ssyncadd.s32 $0xFFFF0000  }
0x13: {  	_ =	swait.ge [sflag:s11], $0x4800  }
0x14: {  	[sflag:s11] =	ssyncset.done $0x0  }
0x15: {  	s19 =	simm.s32 $0x10100;
	[sflag:s11] =	ssyncadd.s32 $0xFFFFB800  }
0x16: {  	v0 =	vld [tilespmem:s19+$0x80]  }
0x17: {  	v1 =	vld [tilespmem:s19+$0xFFFFFF80]  }
0x18: {  	v2 =	vld [tilespmem:s19+$0x0];
	_ =	sdelay $0x2  }
0x19: {  	v3 =	vld [tilespmem:s19+$0xFFFFFF00];
	_ =	sdelay $0x2  }
0x1a: {  	v0 =	vld.idx.msk [tilespmem:v0+s2+$0x0], $0xffff  }
0x1b: {  	v1 =	vld.idx.msk [tilespmem:v1+s2+$0x0], $0xffff  }
0x1c: {  	v2 =	vld.idx.msk [tilespmem:v2+s2+$0x0], $0xffff;
	_ =	sdelay $0x1  }
0x1d: {  	s16 =	simm.s32 $0x14900  }
0x1e: {  	v3 =	vld.idx.msk [tilespmem:v3+s2+$0x0], $0xffff;
	[tilespmem:s16+$0x80] =	vst v0  }
0x1f: {  	[tilespmem:s16+$0xFFFFFF80] =	vst v1;
	v0 =	vld [tilespmem:s19+$0x90]  }
0x20: {  	[tilespmem:s16+$0x0] =	vst v2;
	v1 =	vld [tilespmem:s19+$0xFFFFFF90]  }
0x21: {  	v2 =	vld [tilespmem:s19+$0x10];
	_ =	sdelay $0x1  }
0x22: {  	[tilespmem:s16+$0xFFFFFF00] =	vst v3  }
0x23: {  	v3 =	vld [tilespmem:s19+$0xFFFFFF10];
	_ =	sdelay $0x2  }
0x24: {  	v0 =	vld.idx.msk [tilespmem:v0+s2+$0x0], $0xffff  }
0x25: {  	v1 =	vld.idx.msk [tilespmem:v1+s2+$0x0], $0xffff  }
0x26: {  	v2 =	vld.idx.msk [tilespmem:v2+s2+$0x0], $0xffff;
	_ =	sdelay $0x2  }
0x27: {  	v3 =	vld.idx.msk [tilespmem:v3+s2+$0x0], $0xffff;
	[tilespmem:s16+$0x90] =	vst v0  }
0x28: {  	[tilespmem:s16+$0xFFFFFF90] =	vst v1;
	v0 =	vld [tilespmem:s19+$0xA0]  }
0x29: {  	[tilespmem:s16+$0x10] =	vst v2;
	v1 =	vld [tilespmem:s19+$0xFFFFFFA0]  }
0x2a: {  	v2 =	vld [tilespmem:s19+$0x20];
	_ =	sdelay $0x1  }
0x2b: {  	[tilespmem:s16+$0xFFFFFF10] =	vst v3  }
0x2c: {  	v3 =	vld [tilespmem:s19+$0xFFFFFF20]  }
0x2d: {  	s17 =	simm.s32 $0x10300  }
0x2e: {  	v4 =	vld [tilespmem:s17+$0x80]  }
0x2f: {  	v0 =	vld.idx.msk [tilespmem:v0+s2+$0x0], $0xffff  }
0x30: {  	v1 =	vld.idx.msk [tilespmem:v1+s2+$0x0], $0xffff  }
0x31: {  	v2 =	vld.idx.msk [tilespmem:v2+s2+$0x0], $0xffff;
	_ =	sdelay $0x1  }
0x32: {  	v5 =	vld [tilespmem:s17+$0xFFFFFF80]  }
0x33: {  	v3 =	vld.idx.msk [tilespmem:v3+s2+$0x0], $0xffff;
	[tilespmem:s16+$0xA0] =	vst v0  }
0x34: {  	[tilespmem:s16+$0xFFFFFFA0] =	vst v1;
	v0 =	vld [tilespmem:s19+$0xB0]  }
0x35: {  	[tilespmem:s16+$0x20] =	vst v2;
	v1 =	vld [tilespmem:s19+$0xFFFFFFB0]  }
0x36: {  	v2 =	vld [tilespmem:s19+$0x30];
	_ =	sdelay $0x1  }
0x37: {  	v4 =	vld.idx.msk [tilespmem:v4+s2+$0x0], $0xffff;
	[tilespmem:s16+$0xFFFFFF20] =	vst v3  }
0x38: {  	v3 =	vld [tilespmem:s19+$0xFFFFFF30]  }
0x39: {  	v5 =	vld.idx.msk [tilespmem:v5+s2+$0x0], $0xffff  }
0x3a: {  	v6 =	vld [tilespmem:s17+$0x0]  }
0x3b: {  	v0 =	vld.idx.msk [tilespmem:v0+s2+$0x0], $0xffff  }
0x3c: {  	s18 =	simm.s32 $0x14B00;
	v1 =	vld.idx.msk [tilespmem:v1+s2+$0x0], $0xffff  }
0x3d: {  	[tilespmem:s18+$0x80] =	vst v4;
	v2 =	vld.idx.msk [tilespmem:v2+s2+$0x0], $0xffff  }
0x3e: {  	[tilespmem:s18+$0xFFFFFF80] =	vst v5;
	v4 =	vld [tilespmem:s17+$0x90]  }
0x3f: {  	v5 =	vld [tilespmem:s17+$0xFFFFFF90]  }
0x40: {  	v3 =	vld.idx.msk [tilespmem:v3+s2+$0x0], $0xffff;
	[tilespmem:s16+$0xB0] =	vst v0  }
0x41: {  	[tilespmem:s16+$0xFFFFFFB0] =	vst v1;
	v0 =	vld [tilespmem:s19+$0xC0]  }
0x42: {  	[tilespmem:s16+$0x30] =	vst v2;
	v1 =	vld [tilespmem:s19+$0xFFFFFFC0]  }
0x43: {  	v2 =	vld [tilespmem:s19+$0x40]  }
0x44: {  	v7 =	vld [tilespmem:s17+$0xFFFFFF00]  }
0x45: {  	v6 =	vld.idx.msk [tilespmem:v6+s2+$0x0], $0xffff  }
0x46: {  	v4 =	vld.idx.msk [tilespmem:v4+s2+$0x0], $0xffff;
	[tilespmem:s16+$0xFFFFFF30] =	vst v3  }
0x47: {  	v3 =	vld [tilespmem:s19+$0xFFFFFF40]  }
0x48: {  	v5 =	vld.idx.msk [tilespmem:v5+s2+$0x0], $0xffff  }
0x49: {  	v0 =	vld.idx.msk [tilespmem:v0+s2+$0x0], $0xffff  }
0x4a: {  	v1 =	vld.idx.msk [tilespmem:v1+s2+$0x0], $0xffff  }
0x4b: {  	[tilespmem:s18+$0x0] =	vst v6;
	v2 =	vld.idx.msk [tilespmem:v2+s2+$0x0], $0xffff  }
0x4c: {  	[tilespmem:s18+$0x90] =	vst v4  }
0x4d: {  	v7 =	vld.idx.msk [tilespmem:v7+s2+$0x0], $0xffff;
	[tilespmem:s18+$0xFFFFFF90] =	vst v5  }
0x4e: {  	v5 =	vld [tilespmem:s17+$0xA0];
	[tilespmem:s16+$0xC0] =	vst v0  }
0x4f: {  	[tilespmem:s16+$0xFFFFFFC0] =	vst v1;
	v1 =	vld.idx.msk [tilespmem:v3+s2+$0x0], $0xffff  }
0x50: {  	[tilespmem:s16+$0x40] =	vst v2;
	v2 =	vld [tilespmem:s17+$0x10]  }
0x51: {  	v0 =	vld [tilespmem:s19+$0xD0]  }
0x52: {  	v3 =	vld [tilespmem:s19+$0xFFFFFFD0]  }
0x53: {  	[tilespmem:s18+$0xFFFFFF00] =	vst v7;
	v6 =	vld [tilespmem:s19+$0x50]  }
0x54: {  	[tilespmem:s16+$0xFFFFFF40] =	vst v1;
	v1 =	vld [tilespmem:s17+$0xFFFFFF10]  }
0x55: {  	v7 =	vld [tilespmem:s19+$0xFFFFFF50];
	_ =	sdelay $0x1  }
0x56: {  	v5 =	vld.idx.msk [tilespmem:v5+s2+$0x0], $0xffff  }
0x57: {  	v2 =	vld.idx.msk [tilespmem:v2+s2+$0x0], $0xffff  }
0x58: {  	v0 =	vld.idx.msk [tilespmem:v0+s2+$0x0], $0xffff  }
0x59: {  	v3 =	vld.idx.msk [tilespmem:v3+s2+$0x0], $0xffff  }
0x5a: {  	v6 =	vld.idx.msk [tilespmem:v6+s2+$0x0], $0xffff  }
0x5b: {  	v1 =	vld.idx.msk [tilespmem:v1+s2+$0x0], $0xffff  }
0x5c: {  	v4 =	vld.idx.msk [tilespmem:v7+s2+$0x0], $0xffff  }
0x5d: {  	[tilespmem:s18+$0x10] =	vst v2;
	v7 =	vld [tilespmem:s17+$0xFFFFFFA0]  }
0x5e: {  	[tilespmem:s16+$0xD0] =	vst v0;
	v2 =	vld [tilespmem:s17+$0x20]  }
0x5f: {  	[tilespmem:s16+$0xFFFFFFD0] =	vst v3;
	v0 =	vld [tilespmem:s19+$0xE0]  }
0x60: {  	v3 =	vld [tilespmem:s19+$0xFFFFFFE0];
	[tilespmem:s18+$0xFFFFFF10] =	vst v1  }
0x61: {  	v1 =	vld [tilespmem:s17+$0xFFFFFF20];
	[tilespmem:s16+$0xFFFFFF50] =	vst v4  }
0x62: {  	[tilespmem:s18+$0xA0] =	vst v5;
	v4 =	vld [tilespmem:s19+$0xFFFFFF60]  }
0x63: {  	v5 =	vld [tilespmem:s17+$0xB0];
	[tilespmem:s16+$0x50] =	vst v6  }
0x64: {  	v6 =	vld [tilespmem:s19+$0x60]  }
0x65: {  	v7 =	vld.idx.msk [tilespmem:v7+s2+$0x0], $0xffff  }
0x66: {  	v2 =	vld.idx.msk [tilespmem:v2+s2+$0x0], $0xffff  }
0x67: {  	v0 =	vld.idx.msk [tilespmem:v0+s2+$0x0], $0xffff  }
0x68: {  	v3 =	vld.idx.msk [tilespmem:v3+s2+$0x0], $0xffff  }
0x69: {  	v1 =	vld.idx.msk [tilespmem:v1+s2+$0x0], $0xffff  }
0x6a: {  	[tilespmem:s18+$0xFFFFFFA0] =	vst v7;
	v4 =	vld.idx.msk [tilespmem:v4+s2+$0x0], $0xffff  }
0x6b: {  	[tilespmem:s18+$0x20] =	vst v2;
	v7 =	vld [tilespmem:s17+$0xFFFFFFB0]  }
0x6c: {  	[tilespmem:s16+$0xE0] =	vst v0;
	v2 =	vld [tilespmem:s17+$0x30]  }
0x6d: {  	v0 =	vld [tilespmem:s19+$0xF0]  }
0x6e: {  	v6 =	vld.idx.msk [tilespmem:v6+s2+$0x0], $0xffff;
	[tilespmem:s18+$0xFFFFFF20] =	vst v1  }
0x6f: {  	[tilespmem:s16+$0xFFFFFFE0] =	vst v3;
	v1 =	vld [tilespmem:s17+$0xFFFFFF30]  }
0x70: {  	v3 =	vld.idx.msk [tilespmem:v5+s2+$0x0], $0xffff;
	[tilespmem:s16+$0xFFFFFF60] =	vst v4  }
0x71: {  	v4 =	vld [tilespmem:s19+$0xFFFFFF70]  }
0x72: {  	v9 =	vld [tilespmem:s19+$0xFFFFFFF0]  }
0x73: {  	v5 =	vld.idx.msk [tilespmem:v7+s2+$0x0], $0xffff  }
0x74: {  	v2 =	vld.idx.msk [tilespmem:v2+s2+$0x0], $0xffff  }
0x75: {  	[tilespmem:s16+$0x60] =	vst v6;
	v8 =	vld.idx.msk [tilespmem:v0+s2+$0x0], $0xffff  }
0x76: {  	v0 =	vld [tilespmem:s19+$0x70]  }
0x77: {  	[tilespmem:s18+$0xB0] =	vst v3;
	v6 =	vld.idx.msk [tilespmem:v1+s2+$0x0], $0xffff  }
0x78: {  	[tilespmem:s18+$0xFFFFFFB0] =	vst v5;
	v5 =	vld [tilespmem:s17+$0xC0]  }
0x79: {  	v1 =	vld.idx.msk [tilespmem:v4+s2+$0x0], $0xffff  }
0x7a: {  	[tilespmem:s18+$0x30] =	vst v2;
	v2 =	vld.idx.msk [tilespmem:v9+s2+$0x0], $0xffff  }
0x7b: {  	v3 =	vld [tilespmem:s17+$0xFFFFFFC0]  }
0x7c: {  	s20 =	simm.s32 $0x4;
	s21 =	simm.s32 $0x10500;
	s19 =	simm.s32 $0x14B00;
	v4 =	vld [tilespmem:s17+$0x40];
	[tilespmem:s16+$0xF0] =	vst v8  }
.LBB2_2:
0x7d: {  	v7 =	vld [tilespmem:s21+$0x80];
	s20 =	sadd.s32 $0x4, s20;
	[tilespmem:s18+$0xFFFFFF30] =	vst v6  }
0x7e: {  	v6 =	vld [tilespmem:s21+$0xFFFFFF80];
	p0 =	slt.u32 s20, $0x8C;
	[tilespmem:s16+$0xFFFFFF70] =	vst v1  }
0x7f: {  	v1 =	vld [tilespmem:s21+$0x0]  }
0x80: {  	v8 =	vld [tilespmem:s21+$0xFFFFFF00]  }
0x81: {  	v5 =	vld.idx.msk [tilespmem:v5+s2+$0x0], $0xffff  }
0x82: {  	v9 =	vld [tilespmem:s17+$0xFFFFFF40];
	[tilespmem:s16+$0xFFFFFFF0] =	vst v2  }
0x83: {  	v2 =	vld.idx.msk [tilespmem:v3+s2+$0x0], $0xffff  }
0x84: {  	v3 =	vld.idx.msk [tilespmem:v4+s2+$0x0], $0xffff  }
0x85: {  	v4 =	vld.idx.msk [tilespmem:v7+s2+$0x0], $0xffff  }
0x86: {  	v6 =	vld.idx.msk [tilespmem:v6+s2+$0x0], $0xffff  }
0x87: {  	v1 =	vld.idx.msk [tilespmem:v1+s2+$0x0], $0xffff;
	[tilespmem:s18+$0xC0] =	vst v5  }
0x88: {  	v5 =	vld [tilespmem:s17+$0xD0]  }
0x89: {  	v7 =	vld.idx.msk [tilespmem:v8+s2+$0x0], $0xffff;
	[tilespmem:s18+$0xFFFFFFC0] =	vst v2  }
0x8a: {  	s18 =	sadd.s32 $0x200, s18;
	v2 =	vld.idx.msk [tilespmem:v9+s2+$0x0], $0xffff;
	[tilespmem:s19+$0x40] =	vst v3  }
0x8b: {  	[tilespmem:s18+$0x80] =	vst v4;
	v3 =	vld [tilespmem:s17+$0xFFFFFFD0]  }
0x8c: {  	[tilespmem:s18+$0xFFFFFF80] =	vst v6;
	v4 =	vld [tilespmem:s21+$0x90]  }
0x8d: {  	v6 =	vld [tilespmem:s21+$0xFFFFFF90];
	[tilespmem:s18+$0x0] =	vst v1  }
0x8e: {  	v1 =	vld [tilespmem:s21+$0x10]  }
0x8f: {  	[tilespmem:s18+$0xFFFFFF00] =	vst v7;
	v7 =	vld [tilespmem:s17+$0x50]  }
0x90: {  	[tilespmem:s19+$0xFFFFFF40] =	vst v2;
	v2 =	vld.idx.msk [tilespmem:v5+s2+$0x0], $0xffff  }
0x91: {  	v5 =	vld [tilespmem:s21+$0xFFFFFF10]  }
0x92: {  	v8 =	vld [tilespmem:s17+$0xFFFFFF50]  }
0x93: {  	v3 =	vld.idx.msk [tilespmem:v3+s2+$0x0], $0xffff  }
0x94: {  	v4 =	vld.idx.msk [tilespmem:v4+s2+$0x0], $0xffff  }
0x95: {  	v6 =	vld.idx.msk [tilespmem:v6+s2+$0x0], $0xffff  }
0x96: {  	v1 =	vld.idx.msk [tilespmem:v1+s2+$0x0], $0xffff;
	[tilespmem:s19+$0xD0] =	vst v2  }
0x97: {  	v2 =	vld [tilespmem:s17+$0xE0]  }
0x98: {  	v7 =	vld.idx.msk [tilespmem:v7+s2+$0x0], $0xffff  }
0x99: {  	v5 =	vld.idx.msk [tilespmem:v5+s2+$0x0], $0xffff;
	[tilespmem:s19+$0xFFFFFFD0] =	vst v3  }
0x9a: {  	[tilespmem:s18+$0x90] =	vst v4;
	v3 =	vld.idx.msk [tilespmem:v8+s2+$0x0], $0xffff  }
0x9b: {  	[tilespmem:s18+$0xFFFFFF90] =	vst v6;
	v4 =	vld [tilespmem:s21+$0xA0]  }
0x9c: {  	v6 =	vld [tilespmem:s21+$0xFFFFFFA0];
	[tilespmem:s18+$0x10] =	vst v1  }
0x9d: {  	v1 =	vld [tilespmem:s21+$0x20]  }
0x9e: {  	v8 =	vld [tilespmem:s17+$0xFFFFFFE0];
	[tilespmem:s19+$0x50] =	vst v7  }
0x9f: {  	[tilespmem:s18+$0xFFFFFF10] =	vst v5;
	v2 =	vld.idx.msk [tilespmem:v2+s2+$0x0], $0xffff  }
0xa0: {  	v5 =	vld [tilespmem:s21+$0xFFFFFF20];
	[tilespmem:s19+$0xFFFFFF50] =	vst v3  }
0xa1: {  	v3 =	vld [tilespmem:s17+$0xFFFFFF60]  }
0xa2: {  	v7 =	vld [tilespmem:s17+$0x60]  }
0xa3: {  	v4 =	vld.idx.msk [tilespmem:v4+s2+$0x0], $0xffff  }
0xa4: {  	v6 =	vld.idx.msk [tilespmem:v6+s2+$0x0], $0xffff  }
0xa5: {  	v1 =	vld.idx.msk [tilespmem:v1+s2+$0x0], $0xffff;
	[tilespmem:s19+$0xE0] =	vst v2  }
0xa6: {  	v2 =	vld [tilespmem:s17+$0xF0]  }
0xa7: {  	v8 =	vld.idx.msk [tilespmem:v8+s2+$0x0], $0xffff  }
0xa8: {  	v5 =	vld.idx.msk [tilespmem:v5+s2+$0x0], $0xffff  }
0xa9: {  	[tilespmem:s18+$0xA0] =	vst v4;
	v3 =	vld.idx.msk [tilespmem:v3+s2+$0x0], $0xffff  }
0xaa: {  	[tilespmem:s18+$0xFFFFFFA0] =	vst v6;
	v4 =	vld [tilespmem:s21+$0xB0]  }
0xab: {  	v6 =	vld [tilespmem:s21+$0xFFFFFFB0];
	[tilespmem:s18+$0x20] =	vst v1  }
0xac: {  	v1 =	vld [tilespmem:s21+$0x30]  }
0xad: {  	[tilespmem:s19+$0xFFFFFFE0] =	vst v8;
	v7 =	vld.idx.msk [tilespmem:v7+s2+$0x0], $0xffff  }
0xae: {  	[tilespmem:s18+$0xFFFFFF20] =	vst v5;
	v2 =	vld.idx.msk [tilespmem:v2+s2+$0x0], $0xffff  }
0xaf: {  	v5 =	vld [tilespmem:s21+$0xFFFFFF30];
	[tilespmem:s19+$0xFFFFFF60] =	vst v3  }
0xb0: {  	v3 =	vld [tilespmem:s17+$0xFFFFFF70]  }
0xb1: {  	v8 =	vld [tilespmem:s17+$0xFFFFFFF0]  }
0xb2: {  	v4 =	vld.idx.msk [tilespmem:v4+s2+$0x0], $0xffff  }
0xb3: {  	v9 =	vld.idx.msk [tilespmem:v6+s2+$0x0], $0xffff;
	[tilespmem:s19+$0x60] =	vst v7  }
0xb4: {  	v7 =	vld.idx.msk [tilespmem:v1+s2+$0x0], $0xffff;
	[tilespmem:s19+$0xF0] =	vst v2  }
0xb5: {  	v2 =	vld [tilespmem:s17+$0x70];
	s17 =	smov.u32 s21  }
0xb6: {  	v10 =	vld.idx.msk [tilespmem:v0+s2+$0x0], $0xffff  }
0xb7: {  	v6 =	vld.idx.msk [tilespmem:v5+s2+$0x0], $0xffff  }
.Ltmp0:
0xb8: {  	[tilespmem:s18+$0xB0] =	vst v4;
	v1 =	vld.idx.msk [tilespmem:v3+s2+$0x0], $0xffff;
	(pc) =	sbr.rel @p0 .LBB2_2-.Ltmp0, $4  }
0xb9: {  	[tilespmem:s18+$0xFFFFFFB0] =	vst v9;
	v5 =	vld [tilespmem:s21+$0xC0]  }
0xba: {  	v3 =	vld [tilespmem:s21+$0xFFFFFFC0];
	[tilespmem:s18+$0x30] =	vst v7;
	v0 =	vmov v2  }
0xbb: {  	v4 =	vld [tilespmem:s21+$0x40]  }
0xbc: {  	s21 =	sadd.s32 $0x200, s21;
	v2 =	vld.idx.msk [tilespmem:v8+s2+$0x0], $0xffff;
	[tilespmem:s16+$0x70] =	vst v10;
	s16 =	smov.u32 s19;
	s19 =	smov.u32 s18  }
0xbd: {  	[tilespmem:s18+$0xFFFFFF30] =	vst v6  }
0xbe: {  	v6 =	vld [tilespmem:s17+$0xFFFFFF40];
	_ =	sdelay $0x4  }
0xbf: {  	v5 =	vld.idx.msk [tilespmem:v5+s2+$0x0], $0xffff  }
0xc0: {  	v3 =	vld.idx.msk [tilespmem:v3+s2+$0x0], $0xffff  }
0xc1: {  	v4 =	vld.idx.msk [tilespmem:v4+s2+$0x0], $0xffff  }
0xc2: {  	v6 =	vld.idx.msk [tilespmem:v6+s2+$0x0], $0xffff;
	_ =	sdelay $0x1  }
0xc3: {  	[tilespmem:s18+$0xC0] =	vst v5  }
0xc4: {  	v5 =	vld [tilespmem:s17+$0xD0];
	[tilespmem:s18+$0xFFFFFFC0] =	vst v3  }
0xc5: {  	[tilespmem:s19+$0x40] =	vst v4;
	v4 =	vld [tilespmem:s17+$0xFFFFFFD0]  }
0xc6: {  	[tilespmem:s19+$0xFFFFFF40] =	vst v6;
	v6 =	vld [tilespmem:s17+$0x50]  }
0xc7: {  	v3 =	vld [tilespmem:s17+$0xFFFFFF50];
	_ =	sdelay $0x4  }
0xc8: {  	v5 =	vld.idx.msk [tilespmem:v5+s2+$0x0], $0xffff  }
0xc9: {  	v4 =	vld.idx.msk [tilespmem:v4+s2+$0x0], $0xffff  }
0xca: {  	v6 =	vld.idx.msk [tilespmem:v6+s2+$0x0], $0xffff  }
0xcb: {  	v3 =	vld.idx.msk [tilespmem:v3+s2+$0x0], $0xffff;
	_ =	sdelay $0x1  }
0xcc: {  	[tilespmem:s19+$0xD0] =	vst v5  }
0xcd: {  	v5 =	vld [tilespmem:s17+$0xE0];
	[tilespmem:s19+$0xFFFFFFD0] =	vst v4  }
0xce: {  	v4 =	vld [tilespmem:s17+$0xFFFFFFE0];
	[tilespmem:s19+$0x50] =	vst v6  }
0xcf: {  	[tilespmem:s19+$0xFFFFFF50] =	vst v3;
	v6 =	vld [tilespmem:s17+$0x60]  }
0xd0: {  	v3 =	vld [tilespmem:s17+$0xFFFFFF60];
	_ =	sdelay $0x4  }
0xd1: {  	v5 =	vld.idx.msk [tilespmem:v5+s2+$0x0], $0xffff  }
0xd2: {  	v4 =	vld.idx.msk [tilespmem:v4+s2+$0x0], $0xffff  }
0xd3: {  	v6 =	vld.idx.msk [tilespmem:v6+s2+$0x0], $0xffff  }
0xd4: {  	v3 =	vld.idx.msk [tilespmem:v3+s2+$0x0], $0xffff;
	_ =	sdelay $0x1  }
0xd5: {  	[tilespmem:s19+$0xE0] =	vst v5  }
0xd6: {  	v5 =	vld [tilespmem:s17+$0xF0];
	[tilespmem:s19+$0xFFFFFFE0] =	vst v4  }
0xd7: {  	v4 =	vld [tilespmem:s17+$0xFFFFFFF0];
	[tilespmem:s19+$0x60] =	vst v6  }
0xd8: {  	[tilespmem:s19+$0xFFFFFF60] =	vst v3;
	v6 =	vld [tilespmem:s17+$0x70]  }
0xd9: {  	v3 =	vld [tilespmem:s17+$0xFFFFFF70];
	_ =	sdelay $0x3  }
0xda: {  	v0 =	vld.idx.msk [tilespmem:v0+s2+$0x0], $0xffff  }
0xdb: {  	v5 =	vld.idx.msk [tilespmem:v5+s2+$0x0], $0xffff  }
0xdc: {  	[tilespmem:s16+$0xFFFFFF70] =	vst v1;
	v1 =	vld.idx.msk [tilespmem:v4+s2+$0x0], $0xffff  }
0xdd: {  	[tilespmem:s16+$0xFFFFFFF0] =	vst v2;
	v2 =	vld.idx.msk [tilespmem:v6+s2+$0x0], $0xffff  }
0xde: {  	v3 =	vld.idx.msk [tilespmem:v3+s2+$0x0], $0xffff  }
0xdf: {  	[tilespmem:s16+$0x70] =	vst v0  }
0xe0: {  	[tilespmem:s19+$0xF0] =	vst v5  }
0xe1: {  	[tilespmem:s19+$0xFFFFFFF0] =	vst v1  }
0xe2: {  	[tilespmem:s19+$0x70] =	vst v2  }
0xe3: {  	[tilespmem:s19+$0xFFFFFF70] =	vst v3  }
0xe4: {  	[hbm4b:s5+s2] =	stream.linear.scatter [tilespmem:s12], [sflag:$0x3], $0x4800, $0x38;
	[tilespmem:$0x1D800] =	vst v63  }
0xe5: {  	_ = 	snop  }
0xe6: {  	[tilespmem:s9], [sflag:$0x2] =	stream.linear.gather [hbm4b:s6+s2], $0x3800, $0x38;
	[tilespmem:$0x1D800] =	vst v63  }
0xe7: {  	_ =	swait.ge [sflag:s11], $0x3800  }
0xe8: {  	[sflag:s11] =	ssyncset.done $0x0  }
0xe9: {  	s31 =	simm.s32 $0x10100;
	[sflag:s11] =	ssyncadd.s32 $0xFFFFC800  }
0xea: {  	v0 =	vld [tilespmem:s31+$0x80]  }
0xeb: {  	v1 =	vld [tilespmem:s31+$0xFFFFFF80]  }
0xec: {  	v2 =	vld [tilespmem:s31+$0x0];
	_ =	sdelay $0x2  }
0xed: {  	v3 =	vld [tilespmem:s31+$0xFFFFFF00];
	_ =	sdelay $0x2  }
0xee: {  	v0 =	vld.idx.msk [tilespmem:v0+s2+$0x0], $0xffff  }
0xef: {  	v1 =	vld.idx.msk [tilespmem:v1+s2+$0x0], $0xffff  }
0xf0: {  	v2 =	vld.idx.msk [tilespmem:v2+s2+$0x0], $0xffff;
	_ =	sdelay $0x1  }
0xf1: {  	s16 =	simm.s32 $0x19100  }
0xf2: {  	v3 =	vld.idx.msk [tilespmem:v3+s2+$0x0], $0xffff;
	[tilespmem:s16+$0x80] =	vst v0  }
0xf3: {  	[tilespmem:s16+$0xFFFFFF80] =	vst v1;
	v0 =	vld [tilespmem:s31+$0x90]  }
0xf4: {  	[tilespmem:s16+$0x0] =	vst v2;
	v1 =	vld [tilespmem:s31+$0xFFFFFF90]  }
0xf5: {  	v2 =	vld [tilespmem:s31+$0x10];
	_ =	sdelay $0x1  }
0xf6: {  	[tilespmem:s16+$0xFFFFFF00] =	vst v3  }
0xf7: {  	v3 =	vld [tilespmem:s31+$0xFFFFFF10];
	_ =	sdelay $0x2  }
0xf8: {  	v0 =	vld.idx.msk [tilespmem:v0+s2+$0x0], $0xffff  }
0xf9: {  	v1 =	vld.idx.msk [tilespmem:v1+s2+$0x0], $0xffff  }
0xfa: {  	v2 =	vld.idx.msk [tilespmem:v2+s2+$0x0], $0xffff;
	_ =	sdelay $0x2  }
0xfb: {  	v3 =	vld.idx.msk [tilespmem:v3+s2+$0x0], $0xffff;
	[tilespmem:s16+$0x90] =	vst v0  }
0xfc: {  	[tilespmem:s16+$0xFFFFFF90] =	vst v1;
	v0 =	vld [tilespmem:s31+$0xA0]  }
0xfd: {  	[tilespmem:s16+$0x10] =	vst v2;
	v1 =	vld [tilespmem:s31+$0xFFFFFFA0]  }
0xfe: {  	v2 =	vld [tilespmem:s31+$0x20];
	_ =	sdelay $0x1  }
0xff: {  	[tilespmem:s16+$0xFFFFFF10] =	vst v3  }
0x100: {  	v3 =	vld [tilespmem:s31+$0xFFFFFF20]  }
0x101: {  	s17 =	simm.s32 $0x10300  }
0x102: {  	v4 =	vld [tilespmem:s17+$0x80]  }
0x103: {  	v0 =	vld.idx.msk [tilespmem:v0+s2+$0x0], $0xffff  }
0x104: {  	v1 =	vld.idx.msk [tilespmem:v1+s2+$0x0], $0xffff  }
0x105: {  	v2 =	vld.idx.msk [tilespmem:v2+s2+$0x0], $0xffff;
	_ =	sdelay $0x1  }
0x106: {  	v5 =	vld [tilespmem:s17+$0xFFFFFF80]  }
0x107: {  	v3 =	vld.idx.msk [tilespmem:v3+s2+$0x0], $0xffff;
	[tilespmem:s16+$0xA0] =	vst v0  }
0x108: {  	[tilespmem:s16+$0xFFFFFFA0] =	vst v1;
	v0 =	vld [tilespmem:s31+$0xB0]  }
0x109: {  	[tilespmem:s16+$0x20] =	vst v2;
	v1 =	vld [tilespmem:s31+$0xFFFFFFB0]  }
0x10a: {  	v2 =	vld [tilespmem:s31+$0x30];
	_ =	sdelay $0x1  }
0x10b: {  	v4 =	vld.idx.msk [tilespmem:v4+s2+$0x0], $0xffff;
	[tilespmem:s16+$0xFFFFFF20] =	vst v3  }
0x10c: {  	v3 =	vld [tilespmem:s31+$0xFFFFFF30]  }
0x10d: {  	v5 =	vld.idx.msk [tilespmem:v5+s2+$0x0], $0xffff  }
0x10e: {  	v6 =	vld [tilespmem:s17+$0x0]  }
0x10f: {  	v0 =	vld.idx.msk [tilespmem:v0+s2+$0x0], $0xffff  }
0x110: {  	s18 =	simm.s32 $0x19300;
	v1 =	vld.idx.msk [tilespmem:v1+s2+$0x0], $0xffff  }
0x111: {  	[tilespmem:s18+$0x80] =	vst v4;
	v2 =	vld.idx.msk [tilespmem:v2+s2+$0x0], $0xffff  }
0x112: {  	[tilespmem:s18+$0xFFFFFF80] =	vst v5;
	v4 =	vld [tilespmem:s17+$0x90]  }
0x113: {  	v5 =	vld [tilespmem:s17+$0xFFFFFF90]  }
0x114: {  	v3 =	vld.idx.msk [tilespmem:v3+s2+$0x0], $0xffff;
	[tilespmem:s16+$0xB0] =	vst v0  }
0x115: {  	[tilespmem:s16+$0xFFFFFFB0] =	vst v1;
	v0 =	vld [tilespmem:s31+$0xC0]  }
0x116: {  	[tilespmem:s16+$0x30] =	vst v2;
	v1 =	vld [tilespmem:s31+$0xFFFFFFC0]  }
0x117: {  	v2 =	vld [tilespmem:s31+$0x40]  }
0x118: {  	v7 =	vld [tilespmem:s17+$0xFFFFFF00]  }
0x119: {  	v6 =	vld.idx.msk [tilespmem:v6+s2+$0x0], $0xffff  }
0x11a: {  	v4 =	vld.idx.msk [tilespmem:v4+s2+$0x0], $0xffff;
	[tilespmem:s16+$0xFFFFFF30] =	vst v3  }
0x11b: {  	v3 =	vld [tilespmem:s31+$0xFFFFFF40]  }
0x11c: {  	v5 =	vld.idx.msk [tilespmem:v5+s2+$0x0], $0xffff  }
0x11d: {  	v0 =	vld.idx.msk [tilespmem:v0+s2+$0x0], $0xffff  }
0x11e: {  	v1 =	vld.idx.msk [tilespmem:v1+s2+$0x0], $0xffff  }
0x11f: {  	[tilespmem:s18+$0x0] =	vst v6;
	v2 =	vld.idx.msk [tilespmem:v2+s2+$0x0], $0xffff  }
0x120: {  	[tilespmem:s18+$0x90] =	vst v4  }
0x121: {  	v7 =	vld.idx.msk [tilespmem:v7+s2+$0x0], $0xffff;
	[tilespmem:s18+$0xFFFFFF90] =	vst v5  }
0x122: {  	v5 =	vld [tilespmem:s17+$0xA0];
	[tilespmem:s16+$0xC0] =	vst v0  }
0x123: {  	[tilespmem:s16+$0xFFFFFFC0] =	vst v1;
	v1 =	vld.idx.msk [tilespmem:v3+s2+$0x0], $0xffff  }
0x124: {  	[tilespmem:s16+$0x40] =	vst v2;
	v2 =	vld [tilespmem:s17+$0x10]  }
0x125: {  	v0 =	vld [tilespmem:s31+$0xD0]  }
0x126: {  	v3 =	vld [tilespmem:s31+$0xFFFFFFD0]  }
0x127: {  	[tilespmem:s18+$0xFFFFFF00] =	vst v7;
	v6 =	vld [tilespmem:s31+$0x50]  }
0x128: {  	[tilespmem:s16+$0xFFFFFF40] =	vst v1;
	v1 =	vld [tilespmem:s17+$0xFFFFFF10]  }
0x129: {  	v7 =	vld [tilespmem:s31+$0xFFFFFF50];
	_ =	sdelay $0x1  }
0x12a: {  	v5 =	vld.idx.msk [tilespmem:v5+s2+$0x0], $0xffff  }
0x12b: {  	v2 =	vld.idx.msk [tilespmem:v2+s2+$0x0], $0xffff  }
0x12c: {  	v0 =	vld.idx.msk [tilespmem:v0+s2+$0x0], $0xffff  }
0x12d: {  	v3 =	vld.idx.msk [tilespmem:v3+s2+$0x0], $0xffff  }
0x12e: {  	v6 =	vld.idx.msk [tilespmem:v6+s2+$0x0], $0xffff  }
0x12f: {  	v1 =	vld.idx.msk [tilespmem:v1+s2+$0x0], $0xffff  }
0x130: {  	v4 =	vld.idx.msk [tilespmem:v7+s2+$0x0], $0xffff  }
0x131: {  	[tilespmem:s18+$0x10] =	vst v2;
	v7 =	vld [tilespmem:s17+$0xFFFFFFA0]  }
0x132: {  	[tilespmem:s16+$0xD0] =	vst v0;
	v2 =	vld [tilespmem:s17+$0x20]  }
0x133: {  	[tilespmem:s16+$0xFFFFFFD0] =	vst v3;
	v0 =	vld [tilespmem:s31+$0xE0]  }
0x134: {  	v3 =	vld [tilespmem:s31+$0xFFFFFFE0];
	[tilespmem:s18+$0xFFFFFF10] =	vst v1  }
0x135: {  	v1 =	vld [tilespmem:s17+$0xFFFFFF20];
	[tilespmem:s16+$0xFFFFFF50] =	vst v4  }
0x136: {  	[tilespmem:s18+$0xA0] =	vst v5;
	v4 =	vld [tilespmem:s31+$0xFFFFFF60]  }
0x137: {  	v5 =	vld [tilespmem:s17+$0xB0];
	[tilespmem:s16+$0x50] =	vst v6  }
0x138: {  	v6 =	vld [tilespmem:s31+$0x60]  }
0x139: {  	v7 =	vld.idx.msk [tilespmem:v7+s2+$0x0], $0xffff  }
0x13a: {  	v2 =	vld.idx.msk [tilespmem:v2+s2+$0x0], $0xffff  }
0x13b: {  	v0 =	vld.idx.msk [tilespmem:v0+s2+$0x0], $0xffff  }
0x13c: {  	v3 =	vld.idx.msk [tilespmem:v3+s2+$0x0], $0xffff  }
0x13d: {  	v1 =	vld.idx.msk [tilespmem:v1+s2+$0x0], $0xffff  }
0x13e: {  	[tilespmem:s18+$0xFFFFFFA0] =	vst v7;
	v4 =	vld.idx.msk [tilespmem:v4+s2+$0x0], $0xffff  }
0x13f: {  	[tilespmem:s18+$0x20] =	vst v2;
	v7 =	vld [tilespmem:s17+$0xFFFFFFB0]  }
0x140: {  	[tilespmem:s16+$0xE0] =	vst v0;
	v2 =	vld [tilespmem:s17+$0x30]  }
0x141: {  	v0 =	vld [tilespmem:s31+$0xF0]  }
0x142: {  	v6 =	vld.idx.msk [tilespmem:v6+s2+$0x0], $0xffff;
	[tilespmem:s18+$0xFFFFFF20] =	vst v1  }
0x143: {  	[tilespmem:s16+$0xFFFFFFE0] =	vst v3;
	v1 =	vld [tilespmem:s17+$0xFFFFFF30]  }
0x144: {  	v3 =	vld.idx.msk [tilespmem:v5+s2+$0x0], $0xffff;
	[tilespmem:s16+$0xFFFFFF60] =	vst v4  }
0x145: {  	v4 =	vld [tilespmem:s31+$0xFFFFFF70]  }
0x146: {  	v9 =	vld [tilespmem:s31+$0xFFFFFFF0]  }
0x147: {  	v5 =	vld.idx.msk [tilespmem:v7+s2+$0x0], $0xffff  }
0x148: {  	v2 =	vld.idx.msk [tilespmem:v2+s2+$0x0], $0xffff  }
0x149: {  	[tilespmem:s16+$0x60] =	vst v6;
	v8 =	vld.idx.msk [tilespmem:v0+s2+$0x0], $0xffff  }
0x14a: {  	v0 =	vld [tilespmem:s31+$0x70]  }
0x14b: {  	[tilespmem:s18+$0xB0] =	vst v3;
	v6 =	vld.idx.msk [tilespmem:v1+s2+$0x0], $0xffff  }
0x14c: {  	[tilespmem:s18+$0xFFFFFFB0] =	vst v5;
	v5 =	vld [tilespmem:s17+$0xC0]  }
0x14d: {  	v1 =	vld.idx.msk [tilespmem:v4+s2+$0x0], $0xffff  }
0x14e: {  	[tilespmem:s18+$0x30] =	vst v2;
	v2 =	vld.idx.msk [tilespmem:v9+s2+$0x0], $0xffff  }
0x14f: {  	v3 =	vld [tilespmem:s17+$0xFFFFFFC0]  }
0x150: {  	s20 =	simm.s32 $0x4;
	s21 =	simm.s32 $0x10500;
	s19 =	simm.s32 $0x19300;
	v4 =	vld [tilespmem:s17+$0x40];
	[tilespmem:s16+$0xF0] =	vst v8  }
.LBB2_4:
0x151: {  	v7 =	vld [tilespmem:s21+$0x80];
	s20 =	sadd.s32 $0x4, s20;
	[tilespmem:s18+$0xFFFFFF30] =	vst v6  }
0x152: {  	v6 =	vld [tilespmem:s21+$0xFFFFFF80];
	p0 =	slt.u32 s20, $0x6C;
	[tilespmem:s16+$0xFFFFFF70] =	vst v1  }
0x153: {  	v1 =	vld [tilespmem:s21+$0x0]  }
0x154: {  	v8 =	vld [tilespmem:s21+$0xFFFFFF00]  }
0x155: {  	v5 =	vld.idx.msk [tilespmem:v5+s2+$0x0], $0xffff  }
0x156: {  	v9 =	vld [tilespmem:s17+$0xFFFFFF40];
	[tilespmem:s16+$0xFFFFFFF0] =	vst v2  }
0x157: {  	v2 =	vld.idx.msk [tilespmem:v3+s2+$0x0], $0xffff  }
0x158: {  	v3 =	vld.idx.msk [tilespmem:v4+s2+$0x0], $0xffff  }
0x159: {  	v4 =	vld.idx.msk [tilespmem:v7+s2+$0x0], $0xffff  }
0x15a: {  	v6 =	vld.idx.msk [tilespmem:v6+s2+$0x0], $0xffff  }
0x15b: {  	v1 =	vld.idx.msk [tilespmem:v1+s2+$0x0], $0xffff;
	[tilespmem:s18+$0xC0] =	vst v5  }
0x15c: {  	v5 =	vld [tilespmem:s17+$0xD0]  }
0x15d: {  	v7 =	vld.idx.msk [tilespmem:v8+s2+$0x0], $0xffff;
	[tilespmem:s18+$0xFFFFFFC0] =	vst v2  }
0x15e: {  	s18 =	sadd.s32 $0x200, s18;
	v2 =	vld.idx.msk [tilespmem:v9+s2+$0x0], $0xffff;
	[tilespmem:s19+$0x40] =	vst v3  }
0x15f: {  	[tilespmem:s18+$0x80] =	vst v4;
	v3 =	vld [tilespmem:s17+$0xFFFFFFD0]  }
0x160: {  	[tilespmem:s18+$0xFFFFFF80] =	vst v6;
	v4 =	vld [tilespmem:s21+$0x90]  }
0x161: {  	v6 =	vld [tilespmem:s21+$0xFFFFFF90];
	[tilespmem:s18+$0x0] =	vst v1  }
0x162: {  	v1 =	vld [tilespmem:s21+$0x10]  }
0x163: {  	[tilespmem:s18+$0xFFFFFF00] =	vst v7;
	v7 =	vld [tilespmem:s17+$0x50]  }
0x164: {  	[tilespmem:s19+$0xFFFFFF40] =	vst v2;
	v2 =	vld.idx.msk [tilespmem:v5+s2+$0x0], $0xffff  }
0x165: {  	v5 =	vld [tilespmem:s21+$0xFFFFFF10]  }
0x166: {  	v8 =	vld [tilespmem:s17+$0xFFFFFF50]  }
0x167: {  	v3 =	vld.idx.msk [tilespmem:v3+s2+$0x0], $0xffff  }
0x168: {  	v4 =	vld.idx.msk [tilespmem:v4+s2+$0x0], $0xffff  }
0x169: {  	v6 =	vld.idx.msk [tilespmem:v6+s2+$0x0], $0xffff  }
0x16a: {  	v1 =	vld.idx.msk [tilespmem:v1+s2+$0x0], $0xffff;
	[tilespmem:s19+$0xD0] =	vst v2  }
0x16b: {  	v2 =	vld [tilespmem:s17+$0xE0]  }
0x16c: {  	v7 =	vld.idx.msk [tilespmem:v7+s2+$0x0], $0xffff  }
0x16d: {  	v5 =	vld.idx.msk [tilespmem:v5+s2+$0x0], $0xffff;
	[tilespmem:s19+$0xFFFFFFD0] =	vst v3  }
0x16e: {  	[tilespmem:s18+$0x90] =	vst v4;
	v3 =	vld.idx.msk [tilespmem:v8+s2+$0x0], $0xffff  }
0x16f: {  	[tilespmem:s18+$0xFFFFFF90] =	vst v6;
	v4 =	vld [tilespmem:s21+$0xA0]  }
0x170: {  	v6 =	vld [tilespmem:s21+$0xFFFFFFA0];
	[tilespmem:s18+$0x10] =	vst v1  }
0x171: {  	v1 =	vld [tilespmem:s21+$0x20]  }
0x172: {  	v8 =	vld [tilespmem:s17+$0xFFFFFFE0];
	[tilespmem:s19+$0x50] =	vst v7  }
0x173: {  	[tilespmem:s18+$0xFFFFFF10] =	vst v5;
	v2 =	vld.idx.msk [tilespmem:v2+s2+$0x0], $0xffff  }
0x174: {  	v5 =	vld [tilespmem:s21+$0xFFFFFF20];
	[tilespmem:s19+$0xFFFFFF50] =	vst v3  }
0x175: {  	v3 =	vld [tilespmem:s17+$0xFFFFFF60]  }
0x176: {  	v7 =	vld [tilespmem:s17+$0x60]  }
0x177: {  	v4 =	vld.idx.msk [tilespmem:v4+s2+$0x0], $0xffff  }
0x178: {  	v6 =	vld.idx.msk [tilespmem:v6+s2+$0x0], $0xffff  }
0x179: {  	v1 =	vld.idx.msk [tilespmem:v1+s2+$0x0], $0xffff;
	[tilespmem:s19+$0xE0] =	vst v2  }
0x17a: {  	v2 =	vld [tilespmem:s17+$0xF0]  }
0x17b: {  	v8 =	vld.idx.msk [tilespmem:v8+s2+$0x0], $0xffff  }
0x17c: {  	v5 =	vld.idx.msk [tilespmem:v5+s2+$0x0], $0xffff  }
0x17d: {  	[tilespmem:s18+$0xA0] =	vst v4;
	v3 =	vld.idx.msk [tilespmem:v3+s2+$0x0], $0xffff  }
0x17e: {  	[tilespmem:s18+$0xFFFFFFA0] =	vst v6;
	v4 =	vld [tilespmem:s21+$0xB0]  }
0x17f: {  	v6 =	vld [tilespmem:s21+$0xFFFFFFB0];
	[tilespmem:s18+$0x20] =	vst v1  }
0x180: {  	v1 =	vld [tilespmem:s21+$0x30]  }
0x181: {  	[tilespmem:s19+$0xFFFFFFE0] =	vst v8;
	v7 =	vld.idx.msk [tilespmem:v7+s2+$0x0], $0xffff  }
0x182: {  	[tilespmem:s18+$0xFFFFFF20] =	vst v5;
	v2 =	vld.idx.msk [tilespmem:v2+s2+$0x0], $0xffff  }
0x183: {  	v5 =	vld [tilespmem:s21+$0xFFFFFF30];
	[tilespmem:s19+$0xFFFFFF60] =	vst v3  }
0x184: {  	v3 =	vld [tilespmem:s17+$0xFFFFFF70]  }
0x185: {  	v8 =	vld [tilespmem:s17+$0xFFFFFFF0]  }
0x186: {  	v4 =	vld.idx.msk [tilespmem:v4+s2+$0x0], $0xffff  }
0x187: {  	v9 =	vld.idx.msk [tilespmem:v6+s2+$0x0], $0xffff;
	[tilespmem:s19+$0x60] =	vst v7  }
0x188: {  	v7 =	vld.idx.msk [tilespmem:v1+s2+$0x0], $0xffff;
	[tilespmem:s19+$0xF0] =	vst v2  }
0x189: {  	v2 =	vld [tilespmem:s17+$0x70];
	s17 =	smov.u32 s21  }
0x18a: {  	v10 =	vld.idx.msk [tilespmem:v0+s2+$0x0], $0xffff  }
0x18b: {  	v6 =	vld.idx.msk [tilespmem:v5+s2+$0x0], $0xffff  }
.Ltmp1:
0x18c: {  	[tilespmem:s18+$0xB0] =	vst v4;
	v1 =	vld.idx.msk [tilespmem:v3+s2+$0x0], $0xffff;
	(pc) =	sbr.rel @p0 .LBB2_4-.Ltmp1, $4  }
0x18d: {  	[tilespmem:s18+$0xFFFFFFB0] =	vst v9;
	v5 =	vld [tilespmem:s21+$0xC0]  }
0x18e: {  	v3 =	vld [tilespmem:s21+$0xFFFFFFC0];
	[tilespmem:s18+$0x30] =	vst v7;
	v0 =	vmov v2  }
0x18f: {  	v4 =	vld [tilespmem:s21+$0x40]  }
0x190: {  	s21 =	sadd.s32 $0x200, s21;
	v2 =	vld.idx.msk [tilespmem:v8+s2+$0x0], $0xffff;
	[tilespmem:s16+$0x70] =	vst v10;
	s16 =	smov.u32 s19;
	s19 =	smov.u32 s18  }
0x191: {  	[tilespmem:s18+$0xFFFFFF30] =	vst v6  }
0x192: {  	v6 =	vld [tilespmem:s17+$0xFFFFFF40];
	_ =	sdelay $0x4  }
0x193: {  	v5 =	vld.idx.msk [tilespmem:v5+s2+$0x0], $0xffff  }
0x194: {  	v3 =	vld.idx.msk [tilespmem:v3+s2+$0x0], $0xffff  }
0x195: {  	v4 =	vld.idx.msk [tilespmem:v4+s2+$0x0], $0xffff  }
0x196: {  	v6 =	vld.idx.msk [tilespmem:v6+s2+$0x0], $0xffff;
	_ =	sdelay $0x1  }
0x197: {  	[tilespmem:s18+$0xC0] =	vst v5  }
0x198: {  	v5 =	vld [tilespmem:s17+$0xD0];
	[tilespmem:s18+$0xFFFFFFC0] =	vst v3  }
0x199: {  	[tilespmem:s19+$0x40] =	vst v4;
	v60 =	vld [tilespmem:s17+$0xFFFFFFD0]  }
0x19a: {  	v61 =	vld [tilespmem:s17+$0x50];
	[tilespmem:s19+$0xFFFFFF40] =	vst v6  }
0x19b: {  	v59 =	vld [tilespmem:s17+$0xFFFFFF50];
	_ =	sdelay $0x4  }
0x19c: {  	v5 =	vld.idx.msk [tilespmem:v5+s2+$0x0], $0xffff  }
0x19d: {  	v4 =	vld.idx.msk [tilespmem:v60+s2+$0x0], $0xffff  }
0x19e: {  	v6 =	vld.idx.msk [tilespmem:v61+s2+$0x0], $0xffff  }
0x19f: {  	v3 =	vld.idx.msk [tilespmem:v59+s2+$0x0], $0xffff;
	_ =	sdelay $0x1  }
0x1a0: {  	[tilespmem:s19+$0xD0] =	vst v5  }
0x1a1: {  	v5 =	vld [tilespmem:s17+$0xE0];
	[tilespmem:s19+$0xFFFFFFD0] =	vst v4  }
0x1a2: {  	v4 =	vld [tilespmem:s17+$0xFFFFFFE0];
	[tilespmem:s19+$0x50] =	vst v6  }
0x1a3: {  	v6 =	vld [tilespmem:s17+$0x60];
	[tilespmem:s19+$0xFFFFFF50] =	vst v3  }
0x1a4: {  	v3 =	vld [tilespmem:s17+$0xFFFFFF60];
	_ =	sdelay $0x4  }
0x1a5: {  	v5 =	vld.idx.msk [tilespmem:v5+s2+$0x0], $0xffff  }
0x1a6: {  	v4 =	vld.idx.msk [tilespmem:v4+s2+$0x0], $0xffff  }
0x1a7: {  	v6 =	vld.idx.msk [tilespmem:v6+s2+$0x0], $0xffff  }
0x1a8: {  	v3 =	vld.idx.msk [tilespmem:v3+s2+$0x0], $0xffff;
	_ =	sdelay $0x1  }
0x1a9: {  	[tilespmem:s19+$0xE0] =	vst v5  }
0x1aa: {  	v5 =	vld [tilespmem:s17+$0xF0];
	[tilespmem:s19+$0xFFFFFFE0] =	vst v4  }
0x1ab: {  	v4 =	vld [tilespmem:s17+$0xFFFFFFF0];
	[tilespmem:s19+$0x60] =	vst v6  }
0x1ac: {  	v6 =	vld [tilespmem:s17+$0x70];
	[tilespmem:s19+$0xFFFFFF60] =	vst v3  }
0x1ad: {  	v3 =	vld [tilespmem:s17+$0xFFFFFF70];
	_ =	sdelay $0x3  }
0x1ae: {  	v0 =	vld.idx.msk [tilespmem:v0+s2+$0x0], $0xffff  }
0x1af: {  	v5 =	vld.idx.msk [tilespmem:v5+s2+$0x0], $0xffff  }
0x1b0: {  	v62 =	vld.idx.msk [tilespmem:v4+s2+$0x0], $0xffff  }
0x1b1: {  	[tilespmem:s16+$0xFFFFFF70] =	vst v1;
	v63 =	vld.idx.msk [tilespmem:v6+s2+$0x0], $0xffff  }
0x1b2: {  	[tilespmem:s16+$0xFFFFFFF0] =	vst v2;
	v3 =	vld.idx.msk [tilespmem:v3+s2+$0x0], $0xffff  }
0x1b3: {  	[tilespmem:s16+$0x70] =	vst v0  }
0x1b4: {  	[tilespmem:s19+$0xF0] =	vst v5  }
0x1b5: {  	[tilespmem:s19+$0xFFFFFFF0] =	vst v62  }
0x1b6: {  	[tilespmem:s19+$0x70] =	vst v63  }
0x1b7: {  	s15 =	sadd.s32 $0x1, s15;
	[tilespmem:s19+$0xFFFFFF70] =	vst v3  }
0x1b8: {  	[hbm4b:s7+s2] =	stream.linear.scatter [tilespmem:s13], [sflag:$0x3], $0x3800, $0x38;
	[tilespmem:$0x1D800] =	vst v63  }
0x1b9: {  	p0 =	sne.s32 s15, s8;
	_ =	swait.ge [sflag:s14], $0x4800  }
.Ltmp2:
0x1ba: {  	[sflag:s14] =	ssyncset.done $0x0;
	(pc) =	sbr.rel @p0 .LBB2_1-.Ltmp2, $4  }
0x1bb: {  	[sflag:s14] =	ssyncadd.s32 $0xFFFFB800  }
0x1bc: {  	_ =	swait.ge [sflag:s14], $0x3800  }
0x1bd: {  	[sflag:s14] =	ssyncset.done $0x0  }
0x1be: {  	[sflag:s14] =	ssyncadd.s32 $0xFFFFC800  }
0x1bf: {  	_ =	sfence.sel $0x180000  }
0x1c0: {  	[bflag:$0x0] =	sbarrier.arrive $0xFFFF  }
0x1c1: {  	p0 =	sne.s32 s1, $0x0;
	_ =	strace $0x9000004D  }
0x1c2: {  	s0 =	sadd.s32 @!p0 $0x100000, s0;
	[bflag:$0x2] =	sbarrier.arrive $0xFFFF  }
0x1c3: {  	[sflag:s0] =	ssyncadd.tile.s32 @!p0 $0x1;
	_ =	shalt  }
.Lfunc_end2:
_tile_overlayer_lowered:
.L_overlay_start_2:
0x1c4: {  	(tag) =	ssettag $0x2  }
0x1c5: {  	s0 =	rddreg [dreg:$0x0];
	s2 =	stileid.u32  }
0x1c6: {  	s1 =	rddreg [dreg:$0x1];
	p0 =	sne.s32 s2, $0x0  }
0x1c7: {  	s3 =	rddreg [dreg:$0x2];
	[bflag:$0x3] =	sbarrier.arrive $0xFFFF;
	s2 =	simm.s32 @!p0 $0x1C04  }
0x1c8: {  	[timem:s3], [sflag:s2] =	dma.local @!p0 [hbm:s0], s1  }
0x1c9: {  	s0 =	simm.s32 @!p0 $0x4  }
0x1ca: {  	_ =	swait.ge @!p0 [sflag:s0], s1  }
0x1cb: {  	s1 =	ssub.s32 @!p0 $0x0, s1;
	[sflag:s0] =	ssyncset.done @!p0 $0x0  }
0x1cc: {  	[sflag:s0] =	ssyncadd.s32 @!p0 s1  }
0x1cd: {  	[bflag:$0x3] =	sbarrier.arrive $0xFFFF  }
0x1ce: {  	_ =	shalt  }

// kernel: kernel.8.cloned.1.call-start
scs
__scs_entry_jumppad:
0x0: {  	(pc) =	sbr.rel $0x88, $3  }
0x1: {  	(tag) =	ssettag $0x0;
	lr =	simm.s32 $0x1  }
0x2: {  	[smem:$0x3F9F] =	sst lr;
	_ =	strace $0xD0000000  }
0x3: {  	_ = 	snop  }
0x4: {  	_ = 	snop  }
0x5: {  	_ = 	snop  }
0x6: {  	_ = 	snop  }
0x7: {  	_ = 	snop  }
__scs_overlays_trampoline_lowered:
0x8: {  	[smem:$0x3FAE] =	sst s0  }
0x9: {  	[smem:$0x3FAF] =	sst s1  }
0xa: {  	[smem:$0x3FB0] =	sst s2  }
0xb: {  	[smem:$0x3FB1] =	sst s3  }
0xc: {  	[smem:$0x3FB2] =	sst s4  }
0xd: {  	[smem:$0x3FB3] =	sst s5  }
0xe: {  	[smem:$0x3FB4] =	sst s6  }
0xf: {  	[smem:$0x3FB5] =	sst s7  }
0x10: {  	[smem:$0x3FB6] =	sst s8  }
0x11: {  	[smem:$0x3FB7] =	sst s9;
	s0 =	simm.s32 @!p0 $0x0  }
0x12: {  	s1 =	sld [smem:$0x3F9D];
	s0 =	simm.s32 @p0 $0x1  }
0x13: {  	[smem:$0x3FB8] =	sst s0;
	s0 =	simm.s32 @!p1 $0x0  }
0x14: {  	s2 =	sld [smem:$0x3F9C];
	s0 =	simm.s32 @p1 $0x1  }
0x15: {  	[smem:$0x3FB9] =	sst s0;
	s0 =	simm.s32 @!p2 $0x0  }
0x16: {  	s3 =	sld [smem:$0x3FDB];
	s0 =	simm.s32 @p2 $0x1  }
0x17: {  	s4 =	simm.s32 $0x1BF5;
	[smem:$0x3FBB] =	sst s0  }
0x18: {  	s0 =	sld [smem:$0x3F9E];
	_ =	swait.ge [sflag:s4], $0x0  }
0x19: {  	s7 =	sld [smem:$0x3F9F]  }
0x1a: {  	s8 =	sadd.s32 $0xFFFFE003, lr  }
0x1b: {  	s9 =	sadd.s32 $0xFFFFFEF7, lr;
	s5 =	simm.s32 $0xFFFFFFFF;
	p2 =	slt.u32 s8, $0xFFFFF086  }
0x1c: {  	p1 =	slt.u32 s9, $0xF7A;
	s5 =	simm.s32 @!p2 $0x0  }
0x1d: {  	s5 =	simm.s32 @p1 $0x1;
	p0 =	seq.s32 s7, s2  }
0x1e: {  	s7 =	smul.u32 @!p0 $0xF7A, s2;
	p2 =	seq.s32 @!p0 s5, $0x0  }
0x1f: {  	s9 =	smul.u32 $0xF7A, s1;
	s8 =	simm.s32 @!p0 $0x1BF5;
	p2 =	por !p2, p0  }
0x20: {  	[sflag:s8] =	ssyncset.s32 @!p0 $0xFFFFF086;
	s6 =	sadd.s32 @!p0 s3, s7;
	s7 =	simm.s32 @!p0 $0x108  }
0x21: {  	s3 =	sadd.s32 s3, s9;
	s6 =	sadd.s32 @!p0 $0x88, s6;
	s7 =	simm.s32 @p2 $0x1082  }
0x22: {  	[simem:s7], [sflag:s8] =	dma.local @!p0 [hbm:s6], $0xF7A  }
0x23: {  	s9 =	sor.u32 $0xD0000000, s2;
	s6 =	simm.s32 $0x108;
	_ =	swait.ge @!p0 [sflag:s8], $0x0  }
0x24: {  	s3 =	sadd.s32 $0x88, s3;
	s6 =	simm.s32 @!p1 $0x1082;
	[sflag:s4] =	ssyncset.s32 $0xFFFFF086  }
0x25: {  	[simem:s6], [sflag:s4] =	dma.local [hbm:s3], $0xF7A  }
0x26: {  	[smem:$0x3F9F] =	sst s1;
	(tag) =	ssettag s2;
	_ =	strace s9  }
0x27: {  	s1 =	sld [smem:$0x3FAF]  }
0x28: {  	s2 =	sld [smem:$0x3FB0]  }
0x29: {  	s4 =	sld [smem:$0x3FB2]  }
0x2a: {  	p0 =	seq.s32 s5, $0x0;
	s5 =	sld [smem:$0x3FB3]  }
0x2b: {  	s6 =	sld [smem:$0x3FB4]  }
0x2c: {  	s7 =	sld [smem:$0x3FB5]  }
0x2d: {  	s3 =	simm.s32 $0x108;
	s8 =	sld [smem:$0x3FB6]  }
0x2e: {  	s3 =	simm.s32 @!p0 $0x1082;
	s9 =	sld [smem:$0x3FB7]  }
0x2f: {  	lr =	sadd.s32 s0, s3;
	s0 =	sld [smem:$0x3FAE]  }
0x30: {  	s3 =	sld [smem:$0x3FB1]  }
0x31: {  	[smem:$0x3FBA] =	sst s10  }
0x32: {  	s10 =	sld [smem:$0x3FB8];
	_ =	sdelay $0x3  }
0x33: {  	p0 =	seq.s32 s10, $0x1;
	s10 =	sld [smem:$0x3FBA];
	_ =	sdelay $0x3  }
0x34: {  	[smem:$0x3FBA] =	sst s10  }
0x35: {  	s10 =	sld [smem:$0x3FB9];
	_ =	sdelay $0x3  }
0x36: {  	p1 =	seq.s32 s10, $0x1;
	s10 =	sld [smem:$0x3FBA];
	_ =	sdelay $0x3  }
0x37: {  	[smem:$0x3FBA] =	sst s10  }
0x38: {  	s10 =	sld [smem:$0x3FBB]  }
0x39: {  	_ = 	snop;
	(pc) =	sbr.ind lr, $3  }
0x3a: {  	_ = 	snop  }
0x3b: {  	_ = 	snop  }
0x3c: {  	p2 =	seq.s32 s10, $0x1;
	s10 =	sld [smem:$0x3FBA]  }
0x3d: {  	_ =	shalt  }
0x3e: {  	_ =	shalt  }
0x3f: {  	_ =	shalt  }
0x40: {  	_ =	shalt  }
0x41: {  	_ =	shalt  }
0x42: {  	_ =	shalt  }
0x43: {  	_ =	shalt  }
0x44: {  	_ =	shalt  }
0x45: {  	_ =	shalt  }
0x46: {  	_ =	shalt  }
0x47: {  	_ =	shalt  }
0x48: {  	_ =	shalt  }
0x49: {  	_ =	shalt  }
0x4a: {  	_ =	shalt  }
0x4b: {  	_ =	shalt  }
0x4c: {  	_ =	shalt  }
0x4d: {  	_ =	shalt  }
0x4e: {  	_ =	shalt  }
0x4f: {  	_ =	shalt  }
0x50: {  	_ =	shalt  }
0x51: {  	_ =	shalt  }
0x52: {  	_ =	shalt  }
0x53: {  	_ =	shalt  }
0x54: {  	_ =	shalt  }
0x55: {  	_ =	shalt  }
0x56: {  	_ =	shalt  }
0x57: {  	_ =	shalt  }
0x58: {  	_ =	shalt  }
0x59: {  	_ =	shalt  }
0x5a: {  	_ =	shalt  }
0x5b: {  	_ =	shalt  }
0x5c: {  	_ =	shalt  }
0x5d: {  	_ =	shalt  }
0x5e: {  	_ =	shalt  }
0x5f: {  	_ =	shalt  }
0x60: {  	_ =	shalt  }
0x61: {  	_ =	shalt  }
0x62: {  	_ =	shalt  }
0x63: {  	_ =	shalt  }
0x64: {  	_ =	shalt  }
0x65: {  	_ =	shalt  }
0x66: {  	_ =	shalt  }
0x67: {  	_ =	shalt  }
0x68: {  	_ =	shalt  }
0x69: {  	_ =	shalt  }
0x6a: {  	_ =	shalt  }
0x6b: {  	_ =	shalt  }
0x6c: {  	_ =	shalt  }
0x6d: {  	_ =	shalt  }
0x6e: {  	_ =	shalt  }
0x6f: {  	_ =	shalt  }
0x70: {  	_ =	shalt  }
0x71: {  	_ =	shalt  }
0x72: {  	_ =	shalt  }
0x73: {  	_ =	shalt  }
0x74: {  	_ =	shalt  }
0x75: {  	_ =	shalt  }
0x76: {  	_ =	shalt  }
0x77: {  	_ =	shalt  }
0x78: {  	_ =	shalt  }
0x79: {  	_ =	shalt  }
0x7a: {  	_ =	shalt  }
0x7b: {  	_ =	shalt  }
0x7c: {  	_ =	shalt  }
0x7d: {  	_ =	shalt  }
0x7e: {  	_ =	shalt  }
0x7f: {  	_ =	shalt  }
0x80: {  	_ =	shalt  }
0x81: {  	_ =	shalt  }
0x82: {  	_ =	shalt  }
0x83: {  	_ =	shalt  }
0x84: {  	_ =	shalt  }
0x85: {  	_ =	shalt  }
0x86: {  	_ =	shalt  }
0x87: {  	_ =	shalt  }
.Lfunc_end0:
.L_simem_size_0:
called_computation_lowered:
.L_overlay_start_0:
0x88: {  	s2 =	sld [smem:$0x3FD9]  }
0x89: {  	s3 =	sld [smem:$0x3FFE];
	_ =	sdelay $0x1  }
0x8a: {  	s1 =	srdreg.scid  }
0x8b: {  	s0 =	sand.u32 $0x1, s1  }
0x8c: {  	s17 =	sshll.u32 s0, $0xA;
	s2 =	sadd.s32 s3, s2  }
0x8d: {  	s2 =	sadd.s32 s2, s17  }
0x8e: {  	[smem:$0x3FC6] =	sst s2  }
0x8f: {  	_ = 	snop  }
0x90: {  	s18 =	sld [smem:$0x3FD0];
	(tm) =	ssettm $0x1  }
0x91: {  	s19 =	sld [smem:$0x3FFB];
	_ =	sdelay $0x3  }
0x92: {  	_ =	strace s19  }
0x93: {  	s2 =	sld [smem:$0x3FFC];
	_ =	sdelay $0x3  }
0x94: {  	_ =	strace s2  }
0x95: {  	s2 =	sld [smem:$0x3FFD];
	_ =	sdelay $0x3  }
0x96: {  	_ =	strace s2  }
0x97: {  	_ =	strace $0x8FFFFFFF  }
0x98: {  	s20 =	sld [smem:$0x3FDB];
	_ =	sdelay $0x1  }
0x99: {  	s4 =	simm.s32 $_scs_section_size  }
0x9a: {  	s5 =	simm.s32 $_size__tile_overlayer_lowered;
	s6 =	simm.s32 $_tile_overlayer_lowered  }
0x9b: {  	s7 =	simm.s32 $0x1BFF;
	s21 =	sshll.u32 s6, $0x1;
	s4 =	sadd.s32 s4, s20  }
0x9c: {  	s22 =	simm.s32 $0x0;
	s5 =	sshll.u32 s5, $0x1;
	s6 =	sadd.s32 s21, s4  }
0x9d: {  	[timem:s22], [sflag:s7] =	dma.local [hbm:s6], s5  }
0x9e: {  	_ =	swait.ge [sflag:s7], s5  }
0x9f: {  	s5 =	ssub.s32 $0x0, s5;
	[sflag:s7] =	ssyncset.done $0x0  }
0xa0: {  	[sflag:s7] =	ssyncadd.s32 s5;
	_ =	sdelay $0x1  }
0xa1: {  	s23 =	simm.s32 $0x1B8B  }
0xa2: {  	_ =	swait.ge [sflag:s23], $0x1  }
0xa3: {  	[sflag:s23] =	ssyncset.done $0x0  }
0xa4: {  	[sflag:s23] =	ssyncadd.s32 $0xFFFFFFFF  }
0xa5: {  	s5 =	sld [smem:$0x0]  }
0xa6: {  	s6 =	sand.u32 $0xFFFFFFFE, s1  }
0xa7: {  	p0 =	sne.s32 s1, s6  }
0xa8: {  	s6 =	sshll.u32 @p0 s6, $0xE  }
0xa9: {  	s6 =	sadd.s32 @p0 $0x11B8D, s6;
	s7 =	sshll.u32 @p0 s5, $0x11  }
0xaa: {  	s6 =	sor.u32 @p0 s7, s6  }
0xab: {  	[sflag:s6] =	ssyncadd.remote.s32 @p0 $0x1;
	_ =	sdelay $0x1  }
0xac: {  	s6 =	simm.s32 @p0 $0x1B8D  }
0xad: {  	_ =	swait.eq @p0 [sflag:s6], $0x1  }
0xae: {  	[sflag:s6] =	ssyncadd.s32 @p0 $0xFFFFFFFF  }
0xaf: {  	s7 =	sshll.u32 @!p0 s1, $0xE  }
0xb0: {  	s7 =	sor.u32 @!p0 $0x4000, s7;
	s6 =	simm.s32 @!p0 $0x1B8D  }
0xb1: {  	s5 =	sshll.u32 @!p0 s5, $0x11;
	s7 =	sadd.s32 @!p0 $0x11B8D, s7;
	_ =	swait.eq @!p0 [sflag:s6], $0x1  }
0xb2: {  	s5 =	sor.u32 @!p0 s5, s7;
	[sflag:s6] =	ssyncadd.s32 @!p0 $0xFFFFFFFF  }
0xb3: {  	s25 =	simm.s32 $0x1B8E;
	s24 =	sld [smem:$0x3FFE];
	[sflag:s5] =	ssyncadd.remote.s32 @!p0 $0x1  }
0xb4: {  	s26 =	simm.s32 $execute0_lowered;
	[smem:$0x3FD2] =	sst s25  }
0xb5: {  	s6 =	sshll.u32 s26, $0x1;
	_ =	strace $0x80000049;
	[dreg:$0x1] =	wrdreg $0xFFFFFFFF  }
0xb6: {  	s28 =	simm.s32 $_size_execute0_lowered;
	s4 =	sadd.s32 s4, s6;
	[dreg:$0x0] =	wrdreg $0x0  }
0xb7: {  	s6 =	sshll.u32 s28, $0x1;
	[dreg:$0x2] =	wrdreg s4  }
0xb8: {  	[dreg:$0x3] =	wrdreg s6  }
0xb9: {  	[dreg:$0x4] =	wrdreg $0xC0  }
0xba: {  	_ =	task [dreg:s22], $0x5FFFF  }
0xbb: {  	[dreg:$0x1] =	wrdreg $0xFFFFFFFF  }
0xbc: {  	[dreg:$0x0] =	wrdreg $0x60  }
0xbd: {  	[dreg:$0x2] =	wrdreg s24  }
0xbe: {  	[dreg:$0x3] =	wrdreg s18  }
0xbf: {  	[dreg:$0x4] =	wrdreg $0x58800  }
0xc0: {  	[dreg:$0x5] =	wrdreg $0x9  }
0xc1: {  	_ =	task.clear_ibuf [dreg:s22], $0x6FFFF;
	_ =	strace $0x90000049  }
0xc2: {  	s29 =	simm.s32 $0x9;
	_ =	strace $0x8000004B  }
0xc3: {  	_ =	swait.ge [sflag:s29], $0x1  }
0xc4: {  	[sflag:s29] =	ssyncadd.s32 $0xFFFFFFFF  }
0xc5: {  	_ =	strace $0x9000004B  }
0xc6: {  	_ =	sfence  }
0xc7: {  	s30 =	sld [smem:$0x0];
	_ =	sdelay $0x2  }
0xc8: {  	s31 =	sshll.u32 s1, $0xD;
	s1 =	sshrl.u32 s1, $0x2  }
0xc9: {  	s4 =	sand.u32 $0x4000, s31;
	s1 =	sadd.s32 s1, s30  }
0xca: {  	s0 =	sor.u32 s4, s0;
	s1 =	sshll.u32 s1, $0x11  }
0xcb: {  	s0 =	sor.u32 s1, s0  }
0xcc: {  	s0 =	sadd.s32 $0x8F2B, s0  }
0xcd: {  	[sflag:s0] =	ssyncadd.remote.s32 $0x1  }
0xce: {  	_ =	sfence.sel $0xFFFF  }
0xcf: {  	[dreg:$0x0] =	wrdreg $0xFFFFFFFF;
	(pc) =	sbr.abs _section_cstart, $3  }
0xd0: {  	[dreg:$0x1] =	wrdreg $0xFFFFFFFF  }
0xd1: {  	_ =	task.clear_ibuf [dreg:s22], $0x2FFFF;
	_ =	strace $0x9FFFFFFF  }
0xd2: {  	(tm) =	ssettm $0x7FFFFFFF  }
0xd3: {  	_ =	shalt  }
tec
execute0_lowered:
.L_overlay_start_1:
0x0: {  	(tag) =	ssettag $0x1  }
0x1: {  	s4 =	rddreg [dreg:$0x0]  }
0x2: {  	s6 =	rddreg [dreg:$0x1]  }
0x3: {  	s0 =	srdreg.scid;
	s2 =	rddreg [dreg:$0x2]  }
0x4: {  	s1 =	rddreg [dreg:$0x3];
	s3 =	simm.s32 $0x0;
	s11 =	simm.s32 $0x4800  }
0x5: {  	s12 =	simm.s32 $0x1;
	s15 =	simm.s32 $0x20;
	s16 =	simm.s32 $0x10  }
0x6: {  	s5 =	sand.u32 $0x1, s0;
	s0 =	stileid.u32;
	[smem:$0x7FF] =	sst s3  }
0x7: {  	s7 =	sshll.u32 s5, $0x4;
	s5 =	ssub.s32 $0x2, s5;
	_ =	strace $0x8000004A  }
0x8: {  	s10 =	sshll.u32 s0, $0xA;
	s31 =	sshll.u32 s0, $0xC;
	s13 =	sshll.u32 s0, $0x6  }
0x9: {  	s8 =	sor.u32 s0, s7;
	s30 =	sshrl.u32 s5, $0x1;
	s6 =	sadd.s32 s6, s7  }
0xa: {  	s13 =	sor.u32 $0x1C02, s13;
	s8 =	smul.u32 $0x900, s8;
	s9 =	ssub.s32 s5, s30  }
0xb: {  	s6 =	sadd.s32 s10, s6;
	s10 =	simm.s32 $0x80;
	s7 =	smax.u32 s9, $0x1  }
0xc: {  	s9 =	simm.s32 $0x2;
	s8 =	sadd.s32 s8, s4;
	s4 =	sadd.s32 s31, s2  }
0xd: {  	v0 =	vimm.f32 $0.0e+00;
	v1 =	vimm.f32 $1.000000000e+00;
	s5 =	sadd.s32 $0x13800, s8;
	s8 =	simm.s32 $0x4880;
	s14 =	sshrl.u32 s4, $0x3  }
.LBB2_1:
0xe: {  	s17 =	simm.s32 $0x48C0  }
0xf: {  	[tilespmem:s17+$0xFFFFFFC0] =	vst v0  }
0x10: {  	[tilespmem:s17+$0x30] =	vst v0  }
0x11: {  	[tilespmem:s17+$0x20] =	vst v0  }
0x12: {  	[tilespmem:s17+$0x10] =	vst v0  }
0x13: {  	[tilespmem:s17+$0x0] =	vst v0  }
0x14: {  	[tilespmem:s17+$0xFFFFFFF0] =	vst v0  }
0x15: {  	s18 =	simm.s32 $0x0;
	[tilespmem:s17+$0xFFFFFFE0] =	vst v0  }
.LBB2_2:
0x16: {  	s18 =	sadd.s32 $0x8, s18;
	[tilespmem:s17+$0xFFFFFFD0] =	vst v0;
	s17 =	sadd.s32 $0x80, s17  }
0x17: {  	[tilespmem:s17+$0xFFFFFFC0] =	vst v0;
	p0 =	slt.u32 s18, $0xF8  }
0x18: {  	[tilespmem:s17+$0x30] =	vst v0  }
.Ltmp0:
0x19: {  	[tilespmem:s17+$0x20] =	vst v0;
	(pc) =	sbr.rel @p0 .LBB2_2-.Ltmp0, $4  }
0x1a: {  	[tilespmem:s17+$0x10] =	vst v0  }
0x1b: {  	[tilespmem:s17+$0x0] =	vst v0  }
0x1c: {  	[tilespmem:s17+$0xFFFFFFF0] =	vst v0  }
0x1d: {  	[tilespmem:s17+$0xFFFFFFE0] =	vst v0  }
0x1e: {  	[tilespmem:s17+$0xFFFFFFD0] =	vst v0  }
0x1f: {  	[spmem:s4] =	stream.linear.scatter [tilespmem:s8], [sflag:$0x2], $0x1000, $0x38;
	[tilespmem:$0x6880] =	vst v63  }
0x20: {  	_ =	swait.ge [sflag:s9], $0x1000  }
0x21: {  	[sflag:s9] =	ssyncset.done $0x0  }
0x22: {  	[sflag:s9] =	ssyncadd.s32 $0xFFFFF000  }
0x23: {  	[tilespmem:$0x4800] =	vst v1  }
0x24: {  	[tilespmem:$0x4810] =	vst v1  }
0x25: {  	[tilespmem:$0x4820] =	vst v1  }
0x26: {  	[tilespmem:$0x4830] =	vst v1  }
0x27: {  	[tilespmem:$0x4840] =	vst v1  }
0x28: {  	[tilespmem:$0x4850] =	vst v1  }
0x29: {  	[tilespmem:$0x4860] =	vst v1  }
0x2a: {  	s28 =	simm.s32 $0x0;
	[tilespmem:$0x4870] =	vst v1  }
0x2b: {  	[tilespmem:s28], [sflag:$0x2] =	stream.linear.gather [hbm4b:s5+s28], $0x4800, $0x38;
	[tilespmem:$0x6880] =	vst v63  }
0x2c: {  	_ =	swait.ge [sflag:s9], $0x4800  }
0x2d: {  	[sflag:s9] =	ssyncset.done $0x0  }
0x2e: {  	[sflag:s9] =	ssyncadd.s32 $0xFFFFB800  }
0x2f: {  	s29 =	simm.s32 $0x0;
	[bflag:$0x0] =	sbarrier.arrive $0xFFFF  }
0x30: {  	[spmem:s2] =	stream.indirect.scatter.add.f32 [tilespmem:s11], [sflag:$0x1], $0x1, s29, s10, $0xb8;
	[tilespmem:$0x6880] =	vst v63  }
0x31: {  	s30 =	simm.s32 $0x80  }
0x32: {  	[spmem:s2] =	stream.indirect.scatter.add.f32 [tilespmem:s11], [sflag:$0x1], $0x1, s30, s10, $0xb8;
	[tilespmem:$0x6880] =	vst v63  }
0x33: {  	s31 =	simm.s32 $0x100  }
0x34: {  	[spmem:s2] =	stream.indirect.scatter.add.f32 [tilespmem:s11], [sflag:$0x1], $0x1, s31, s10, $0xb8;
	[tilespmem:$0x6880] =	vst v63  }
0x35: {  	s18 =	simm.s32 $0x180  }
0x36: {  	[spmem:s2] =	stream.indirect.scatter.add.f32 [tilespmem:s11], [sflag:$0x1], $0x1, s18, s10, $0xb8;
	[tilespmem:$0x6880] =	vst v63  }
0x37: {  	s19 =	simm.s32 $0x200  }
0x38: {  	[spmem:s2] =	stream.indirect.scatter.add.f32 [tilespmem:s11], [sflag:$0x1], $0x1, s19, s10, $0xb8;
	[tilespmem:$0x6880] =	vst v63  }
0x39: {  	s20 =	simm.s32 $0x280  }
0x3a: {  	[spmem:s2] =	stream.indirect.scatter.add.f32 [tilespmem:s11], [sflag:$0x1], $0x1, s20, s10, $0xb8;
	[tilespmem:$0x6880] =	vst v63  }
0x3b: {  	s21 =	simm.s32 $0x300  }
0x3c: {  	[spmem:s2] =	stream.indirect.scatter.add.f32 [tilespmem:s11], [sflag:$0x1], $0x1, s21, s10, $0xb8;
	[tilespmem:$0x6880] =	vst v63  }
0x3d: {  	s22 =	simm.s32 $0x380  }
0x3e: {  	[spmem:s2] =	stream.indirect.scatter.add.f32 [tilespmem:s11], [sflag:$0x1], $0x1, s22, s10, $0xb8;
	[tilespmem:$0x6880] =	vst v63  }
0x3f: {  	s23 =	simm.s32 $0x400  }
0x40: {  	[spmem:s2] =	stream.indirect.scatter.add.f32 [tilespmem:s11], [sflag:$0x1], $0x1, s23, s10, $0xb8;
	[tilespmem:$0x6880] =	vst v63  }
0x41: {  	s24 =	simm.s32 $0x480  }
0x42: {  	[spmem:s2] =	stream.indirect.scatter.add.f32 [tilespmem:s11], [sflag:$0x1], $0x1, s24, s10, $0xb8;
	[tilespmem:$0x6880] =	vst v63  }
0x43: {  	s25 =	simm.s32 $0x500  }
0x44: {  	[spmem:s2] =	stream.indirect.scatter.add.f32 [tilespmem:s11], [sflag:$0x1], $0x1, s25, s10, $0xb8;
	[tilespmem:$0x6880] =	vst v63  }
0x45: {  	s26 =	simm.s32 $0x580  }
0x46: {  	[spmem:s2] =	stream.indirect.scatter.add.f32 [tilespmem:s11], [sflag:$0x1], $0x1, s26, s10, $0xb8;
	[tilespmem:$0x6880] =	vst v63  }
0x47: {  	s28 =	simm.s32 $0x600  }
0x48: {  	[spmem:s2] =	stream.indirect.scatter.add.f32 [tilespmem:s11], [sflag:$0x1], $0x1, s28, s10, $0xb8;
	[tilespmem:$0x6880] =	vst v63  }
0x49: {  	s29 =	simm.s32 $0x680  }
0x4a: {  	[spmem:s2] =	stream.indirect.scatter.add.f32 [tilespmem:s11], [sflag:$0x1], $0x1, s29, s10, $0xb8;
	[tilespmem:$0x6880] =	vst v63  }
0x4b: {  	s30 =	simm.s32 $0x700  }
0x4c: {  	[spmem:s2] =	stream.indirect.scatter.add.f32 [tilespmem:s11], [sflag:$0x1], $0x1, s30, s10, $0xb8;
	[tilespmem:$0x6880] =	vst v63  }
0x4d: {  	s31 =	simm.s32 $0x780  }
0x4e: {  	[spmem:s2] =	stream.indirect.scatter.add.f32 [tilespmem:s11], [sflag:$0x1], $0x1, s31, s10, $0xb8;
	[tilespmem:$0x6880] =	vst v63  }
0x4f: {  	_ =	swait.ge [sflag:s12], $0x80  }
0x50: {  	[sflag:s12] =	ssyncset.done $0x0  }
0x51: {  	[sflag:s12] =	ssyncadd.s32 $0xFFFFFF80  }
0x52: {  	_ =	swait.ge [sflag:s12], $0x80  }
0x53: {  	[sflag:s12] =	ssyncset.done $0x0  }
0x54: {  	[sflag:s12] =	ssyncadd.s32 $0xFFFFFF80  }
0x55: {  	_ =	swait.ge [sflag:s12], $0x80  }
0x56: {  	[sflag:s12] =	ssyncset.done $0x0  }
0x57: {  	[sflag:s12] =	ssyncadd.s32 $0xFFFFFF80  }
0x58: {  	_ =	swait.ge [sflag:s12], $0x80  }
0x59: {  	[sflag:s12] =	ssyncset.done $0x0  }
0x5a: {  	[sflag:s12] =	ssyncadd.s32 $0xFFFFFF80  }
0x5b: {  	_ =	swait.ge [sflag:s12], $0x80  }
0x5c: {  	[sflag:s12] =	ssyncset.done $0x0  }
0x5d: {  	[sflag:s12] =	ssyncadd.s32 $0xFFFFFF80  }
0x5e: {  	_ =	swait.ge [sflag:s12], $0x80  }
0x5f: {  	[sflag:s12] =	ssyncset.done $0x0  }
0x60: {  	[sflag:s12] =	ssyncadd.s32 $0xFFFFFF80  }
0x61: {  	_ =	swait.ge [sflag:s12], $0x80  }
0x62: {  	[sflag:s12] =	ssyncset.done $0x0  }
0x63: {  	[sflag:s12] =	ssyncadd.s32 $0xFFFFFF80  }
0x64: {  	_ =	swait.ge [sflag:s12], $0x80  }
0x65: {  	[sflag:s12] =	ssyncset.done $0x0  }
0x66: {  	[sflag:s12] =	ssyncadd.s32 $0xFFFFFF80  }
0x67: {  	_ =	swait.ge [sflag:s12], $0x80  }
0x68: {  	[sflag:s12] =	ssyncset.done $0x0  }
0x69: {  	[sflag:s12] =	ssyncadd.s32 $0xFFFFFF80  }
0x6a: {  	_ =	swait.ge [sflag:s12], $0x80  }
0x6b: {  	[sflag:s12] =	ssyncset.done $0x0  }
0x6c: {  	[sflag:s12] =	ssyncadd.s32 $0xFFFFFF80  }
0x6d: {  	_ =	swait.ge [sflag:s12], $0x80  }
0x6e: {  	[sflag:s12] =	ssyncset.done $0x0  }
0x6f: {  	[sflag:s12] =	ssyncadd.s32 $0xFFFFFF80  }
0x70: {  	_ =	swait.ge [sflag:s12], $0x80  }
0x71: {  	[sflag:s12] =	ssyncset.done $0x0  }
0x72: {  	[sflag:s12] =	ssyncadd.s32 $0xFFFFFF80  }
0x73: {  	_ =	swait.ge [sflag:s12], $0x80  }
0x74: {  	[sflag:s12] =	ssyncset.done $0x0  }
0x75: {  	[sflag:s12] =	ssyncadd.s32 $0xFFFFFF80  }
0x76: {  	_ =	swait.ge [sflag:s12], $0x80  }
0x77: {  	[sflag:s12] =	ssyncset.done $0x0  }
0x78: {  	[sflag:s12] =	ssyncadd.s32 $0xFFFFFF80  }
0x79: {  	_ =	swait.ge [sflag:s12], $0x80  }
0x7a: {  	[sflag:s12] =	ssyncset.done $0x0  }
0x7b: {  	[sflag:s12] =	ssyncadd.s32 $0xFFFFFF80  }
0x7c: {  	_ =	swait.ge [sflag:s12], $0x80  }
0x7d: {  	s17 =	simm.s32 $0x2000;
	s20 =	simm.s32 $0x4000;
	[sflag:s12] =	ssyncset.done $0x0  }
.LBB2_4:
0x7e: {  	s19 =	sshra.s32 s17, $0x2  }
0x7f: {  	[sflag:s12] =	ssyncadd.s32 $0xFFFFFF80;
	s17 =	smov.u32 s20;
	s18 =	sadd.s32 $0x2000, s20  }
0x80: {  	[spmem:s2] =	stream.indirect.scatter.add.f32 [tilespmem:s11], [sflag:$0x1], $0x1, s19, s10, $0xb8;
	[tilespmem:$0x6880] =	vst v63  }
0x81: {  	p0 =	sne.s32 s20, $0x10000;
	s20 =	sadd.s32 $0x80, s19  }
0x82: {  	[spmem:s2] =	stream.indirect.scatter.add.f32 [tilespmem:s11], [sflag:$0x1], $0x1, s20, s10, $0xb8;
	[tilespmem:$0x6880] =	vst v63  }
0x83: {  	s20 =	sadd.s32 $0x100, s19  }
0x84: {  	[spmem:s2] =	stream.indirect.scatter.add.f32 [tilespmem:s11], [sflag:$0x1], $0x1, s20, s10, $0xb8;
	[tilespmem:$0x6880] =	vst v63  }
0x85: {  	s20 =	sadd.s32 $0x180, s19  }
0x86: {  	[spmem:s2] =	stream.indirect.scatter.add.f32 [tilespmem:s11], [sflag:$0x1], $0x1, s20, s10, $0xb8;
	[tilespmem:$0x6880] =	vst v63  }
0x87: {  	s20 =	sadd.s32 $0x200, s19  }
0x88: {  	[spmem:s2] =	stream.indirect.scatter.add.f32 [tilespmem:s11], [sflag:$0x1], $0x1, s20, s10, $0xb8;
	[tilespmem:$0x6880] =	vst v63  }
0x89: {  	s20 =	sadd.s32 $0x280, s19  }
0x8a: {  	[spmem:s2] =	stream.indirect.scatter.add.f32 [tilespmem:s11], [sflag:$0x1], $0x1, s20, s10, $0xb8;
	[tilespmem:$0x6880] =	vst v63  }
0x8b: {  	s20 =	sadd.s32 $0x300, s19  }
0x8c: {  	[spmem:s2] =	stream.indirect.scatter.add.f32 [tilespmem:s11], [sflag:$0x1], $0x1, s20, s10, $0xb8;
	[tilespmem:$0x6880] =	vst v63  }
0x8d: {  	s20 =	sadd.s32 $0x380, s19  }
0x8e: {  	[spmem:s2] =	stream.indirect.scatter.add.f32 [tilespmem:s11], [sflag:$0x1], $0x1, s20, s10, $0xb8;
	[tilespmem:$0x6880] =	vst v63  }
0x8f: {  	s20 =	sadd.s32 $0x400, s19  }
0x90: {  	[spmem:s2] =	stream.indirect.scatter.add.f32 [tilespmem:s11], [sflag:$0x1], $0x1, s20, s10, $0xb8;
	[tilespmem:$0x6880] =	vst v63  }
0x91: {  	s20 =	sadd.s32 $0x480, s19  }
0x92: {  	[spmem:s2] =	stream.indirect.scatter.add.f32 [tilespmem:s11], [sflag:$0x1], $0x1, s20, s10, $0xb8;
	[tilespmem:$0x6880] =	vst v63  }
0x93: {  	s20 =	sadd.s32 $0x500, s19  }
0x94: {  	[spmem:s2] =	stream.indirect.scatter.add.f32 [tilespmem:s11], [sflag:$0x1], $0x1, s20, s10, $0xb8;
	[tilespmem:$0x6880] =	vst v63  }
0x95: {  	s20 =	sadd.s32 $0x580, s19  }
0x96: {  	[spmem:s2] =	stream.indirect.scatter.add.f32 [tilespmem:s11], [sflag:$0x1], $0x1, s20, s10, $0xb8;
	[tilespmem:$0x6880] =	vst v63  }
0x97: {  	s20 =	sadd.s32 $0x600, s19  }
0x98: {  	[spmem:s2] =	stream.indirect.scatter.add.f32 [tilespmem:s11], [sflag:$0x1], $0x1, s20, s10, $0xb8;
	[tilespmem:$0x6880] =	vst v63  }
0x99: {  	s20 =	sadd.s32 $0x680, s19  }
0x9a: {  	[spmem:s2] =	stream.indirect.scatter.add.f32 [tilespmem:s11], [sflag:$0x1], $0x1, s20, s10, $0xb8;
	[tilespmem:$0x6880] =	vst v63  }
0x9b: {  	s20 =	sadd.s32 $0x700, s19  }
0x9c: {  	[spmem:s2] =	stream.indirect.scatter.add.f32 [tilespmem:s11], [sflag:$0x1], $0x1, s20, s10, $0xb8;
	[tilespmem:$0x6880] =	vst v63  }
0x9d: {  	s19 =	sadd.s32 $0x780, s19  }
0x9e: {  	[spmem:s2] =	stream.indirect.scatter.add.f32 [tilespmem:s11], [sflag:$0x1], $0x1, s19, s10, $0xb8;
	[tilespmem:$0x6880] =	vst v63  }
0x9f: {  	_ =	swait.ge [sflag:s12], $0x80  }
0xa0: {  	[sflag:s12] =	ssyncset.done $0x0  }
0xa1: {  	[sflag:s12] =	ssyncadd.s32 $0xFFFFFF80  }
0xa2: {  	_ =	swait.ge [sflag:s12], $0x80  }
0xa3: {  	[sflag:s12] =	ssyncset.done $0x0  }
0xa4: {  	[sflag:s12] =	ssyncadd.s32 $0xFFFFFF80  }
0xa5: {  	_ =	swait.ge [sflag:s12], $0x80  }
0xa6: {  	[sflag:s12] =	ssyncset.done $0x0  }
0xa7: {  	[sflag:s12] =	ssyncadd.s32 $0xFFFFFF80  }
0xa8: {  	_ =	swait.ge [sflag:s12], $0x80  }
0xa9: {  	[sflag:s12] =	ssyncset.done $0x0  }
0xaa: {  	[sflag:s12] =	ssyncadd.s32 $0xFFFFFF80  }
0xab: {  	_ =	swait.ge [sflag:s12], $0x80  }
0xac: {  	[sflag:s12] =	ssyncset.done $0x0  }
0xad: {  	[sflag:s12] =	ssyncadd.s32 $0xFFFFFF80  }
0xae: {  	_ =	swait.ge [sflag:s12], $0x80  }
0xaf: {  	[sflag:s12] =	ssyncset.done $0x0  }
0xb0: {  	[sflag:s12] =	ssyncadd.s32 $0xFFFFFF80  }
0xb1: {  	_ =	swait.ge [sflag:s12], $0x80  }
0xb2: {  	[sflag:s12] =	ssyncset.done $0x0  }
0xb3: {  	[sflag:s12] =	ssyncadd.s32 $0xFFFFFF80  }
0xb4: {  	_ =	swait.ge [sflag:s12], $0x80  }
0xb5: {  	[sflag:s12] =	ssyncset.done $0x0  }
0xb6: {  	[sflag:s12] =	ssyncadd.s32 $0xFFFFFF80  }
0xb7: {  	_ =	swait.ge [sflag:s12], $0x80  }
0xb8: {  	[sflag:s12] =	ssyncset.done $0x0  }
0xb9: {  	[sflag:s12] =	ssyncadd.s32 $0xFFFFFF80  }
0xba: {  	_ =	swait.ge [sflag:s12], $0x80  }
0xbb: {  	[sflag:s12] =	ssyncset.done $0x0  }
0xbc: {  	[sflag:s12] =	ssyncadd.s32 $0xFFFFFF80  }
0xbd: {  	_ =	swait.ge [sflag:s12], $0x80  }
0xbe: {  	[sflag:s12] =	ssyncset.done $0x0  }
0xbf: {  	[sflag:s12] =	ssyncadd.s32 $0xFFFFFF80  }
0xc0: {  	_ =	swait.ge [sflag:s12], $0x80  }
0xc1: {  	[sflag:s12] =	ssyncset.done $0x0  }
0xc2: {  	[sflag:s12] =	ssyncadd.s32 $0xFFFFFF80  }
0xc3: {  	_ =	swait.ge [sflag:s12], $0x80  }
0xc4: {  	[sflag:s12] =	ssyncset.done $0x0  }
0xc5: {  	[sflag:s12] =	ssyncadd.s32 $0xFFFFFF80  }
0xc6: {  	_ =	swait.ge [sflag:s12], $0x80  }
0xc7: {  	[sflag:s12] =	ssyncset.done $0x0  }
0xc8: {  	[sflag:s12] =	ssyncadd.s32 $0xFFFFFF80  }
.Ltmp1:
0xc9: {  	_ =	swait.ge [sflag:s12], $0x80;
	(pc) =	sbr.rel @p0 .LBB2_4-.Ltmp1, $4  }
0xca: {  	[sflag:s12] =	ssyncset.done $0x0  }
0xcb: {  	[sflag:s12] =	ssyncadd.s32 $0xFFFFFF80  }
0xcc: {  	_ =	swait.ge [sflag:s12], $0x80  }
0xcd: {  	s20 =	smov.u32 s18;
	[sflag:s12] =	ssyncset.done $0x0  }
0xce: {  	s17 =	sshra.s32 s17, $0x2;
	[sflag:s12] =	ssyncadd.s32 $0xFFFFFF80  }
0xcf: {  	[spmem:s2] =	stream.indirect.scatter.add.f32 [tilespmem:s11], [sflag:$0x1], $0x1, s17, s10, $0xb8;
	[tilespmem:$0x6880] =	vst v63  }
0xd0: {  	s18 =	sadd.s32 $0x80, s17  }
0xd1: {  	[spmem:s2] =	stream.indirect.scatter.add.f32 [tilespmem:s11], [sflag:$0x1], $0x1, s18, s10, $0xb8;
	[tilespmem:$0x6880] =	vst v63  }
0xd2: {  	s31 =	sadd.s32 $0x100, s17  }
0xd3: {  	[spmem:s2] =	stream.indirect.scatter.add.f32 [tilespmem:s11], [sflag:$0x1], $0x1, s31, s10, $0xb8;
	[tilespmem:$0x6880] =	vst v63  }
0xd4: {  	s19 =	sadd.s32 $0x180, s17  }
0xd5: {  	[spmem:s2] =	stream.indirect.scatter.add.f32 [tilespmem:s11], [sflag:$0x1], $0x1, s19, s10, $0xb8;
	[tilespmem:$0x6880] =	vst v63  }
0xd6: {  	s20 =	sadd.s32 $0x200, s17  }
0xd7: {  	[spmem:s2] =	stream.indirect.scatter.add.f32 [tilespmem:s11], [sflag:$0x1], $0x1, s20, s10, $0xb8;
	[tilespmem:$0x6880] =	vst v63  }
0xd8: {  	s21 =	sadd.s32 $0x280, s17  }
0xd9: {  	[spmem:s2] =	stream.indirect.scatter.add.f32 [tilespmem:s11], [sflag:$0x1], $0x1, s21, s10, $0xb8;
	[tilespmem:$0x6880] =	vst v63  }
0xda: {  	s22 =	sadd.s32 $0x300, s17  }
0xdb: {  	[spmem:s2] =	stream.indirect.scatter.add.f32 [tilespmem:s11], [sflag:$0x1], $0x1, s22, s10, $0xb8;
	[tilespmem:$0x6880] =	vst v63  }
0xdc: {  	s23 =	sadd.s32 $0x380, s17  }
0xdd: {  	[spmem:s2] =	stream.indirect.scatter.add.f32 [tilespmem:s11], [sflag:$0x1], $0x1, s23, s10, $0xb8;
	[tilespmem:$0x6880] =	vst v63  }
0xde: {  	s24 =	sadd.s32 $0x400, s17  }
0xdf: {  	[spmem:s2] =	stream.indirect.scatter.add.f32 [tilespmem:s11], [sflag:$0x1], $0x1, s24, s10, $0xb8;
	[tilespmem:$0x6880] =	vst v63  }
0xe0: {  	s25 =	sadd.s32 $0x480, s17  }
0xe1: {  	[spmem:s2] =	stream.indirect.scatter.add.f32 [tilespmem:s11], [sflag:$0x1], $0x1, s25, s10, $0xb8;
	[tilespmem:$0x6880] =	vst v63  }
0xe2: {  	s26 =	sadd.s32 $0x500, s17  }
0xe3: {  	[spmem:s2] =	stream.indirect.scatter.add.f32 [tilespmem:s11], [sflag:$0x1], $0x1, s26, s10, $0xb8;
	[tilespmem:$0x6880] =	vst v63  }
0xe4: {  	s28 =	sadd.s32 $0x580, s17  }
0xe5: {  	[spmem:s2] =	stream.indirect.scatter.add.f32 [tilespmem:s11], [sflag:$0x1], $0x1, s28, s10, $0xb8;
	[tilespmem:$0x6880] =	vst v63  }
0xe6: {  	s29 =	sadd.s32 $0x600, s17  }
0xe7: {  	[spmem:s2] =	stream.indirect.scatter.add.f32 [tilespmem:s11], [sflag:$0x1], $0x1, s29, s10, $0xb8;
	[tilespmem:$0x6880] =	vst v63  }
0xe8: {  	s30 =	sadd.s32 $0x680, s17  }
0xe9: {  	[spmem:s2] =	stream.indirect.scatter.add.f32 [tilespmem:s11], [sflag:$0x1], $0x1, s30, s10, $0xb8;
	[tilespmem:$0x6880] =	vst v63  }
0xea: {  	s31 =	sadd.s32 $0x700, s17  }
0xeb: {  	[spmem:s2] =	stream.indirect.scatter.add.f32 [tilespmem:s11], [sflag:$0x1], $0x1, s31, s10, $0xb8;
	[tilespmem:$0x6880] =	vst v63  }
0xec: {  	s17 =	sadd.s32 $0x780, s17  }
0xed: {  	[spmem:s2] =	stream.indirect.scatter.add.f32 [tilespmem:s11], [sflag:$0x1], $0x1, s17, s10, $0xb8;
	[tilespmem:$0x6880] =	vst v63  }
0xee: {  	_ =	swait.ge [sflag:s12], $0x80  }
0xef: {  	[sflag:s12] =	ssyncset.done $0x0  }
0xf0: {  	[sflag:s12] =	ssyncadd.s32 $0xFFFFFF80  }
0xf1: {  	_ =	swait.ge [sflag:s12], $0x80  }
0xf2: {  	[sflag:s12] =	ssyncset.done $0x0  }
0xf3: {  	[sflag:s12] =	ssyncadd.s32 $0xFFFFFF80  }
0xf4: {  	_ =	swait.ge [sflag:s12], $0x80  }
0xf5: {  	[sflag:s12] =	ssyncset.done $0x0  }
0xf6: {  	[sflag:s12] =	ssyncadd.s32 $0xFFFFFF80  }
0xf7: {  	_ =	swait.ge [sflag:s12], $0x80  }
0xf8: {  	[sflag:s12] =	ssyncset.done $0x0  }
0xf9: {  	[sflag:s12] =	ssyncadd.s32 $0xFFFFFF80  }
0xfa: {  	_ =	swait.ge [sflag:s12], $0x80  }
0xfb: {  	[sflag:s12] =	ssyncset.done $0x0  }
0xfc: {  	[sflag:s12] =	ssyncadd.s32 $0xFFFFFF80  }
0xfd: {  	_ =	swait.ge [sflag:s12], $0x80  }
0xfe: {  	[sflag:s12] =	ssyncset.done $0x0  }
0xff: {  	[sflag:s12] =	ssyncadd.s32 $0xFFFFFF80  }
0x100: {  	_ =	swait.ge [sflag:s12], $0x80  }
0x101: {  	[sflag:s12] =	ssyncset.done $0x0  }
0x102: {  	[sflag:s12] =	ssyncadd.s32 $0xFFFFFF80  }
0x103: {  	_ =	swait.ge [sflag:s12], $0x80  }
0x104: {  	[sflag:s12] =	ssyncset.done $0x0  }
0x105: {  	[sflag:s12] =	ssyncadd.s32 $0xFFFFFF80  }
0x106: {  	_ =	swait.ge [sflag:s12], $0x80  }
0x107: {  	[sflag:s12] =	ssyncset.done $0x0  }
0x108: {  	[sflag:s12] =	ssyncadd.s32 $0xFFFFFF80  }
0x109: {  	_ =	swait.ge [sflag:s12], $0x80  }
0x10a: {  	[sflag:s12] =	ssyncset.done $0x0  }
0x10b: {  	[sflag:s12] =	ssyncadd.s32 $0xFFFFFF80  }
0x10c: {  	_ =	swait.ge [sflag:s12], $0x80  }
0x10d: {  	[sflag:s12] =	ssyncset.done $0x0  }
0x10e: {  	[sflag:s12] =	ssyncadd.s32 $0xFFFFFF80  }
0x10f: {  	_ =	swait.ge [sflag:s12], $0x80  }
0x110: {  	[sflag:s12] =	ssyncset.done $0x0  }
0x111: {  	[sflag:s12] =	ssyncadd.s32 $0xFFFFFF80  }
0x112: {  	_ =	swait.ge [sflag:s12], $0x80  }
0x113: {  	[sflag:s12] =	ssyncset.done $0x0  }
0x114: {  	[sflag:s12] =	ssyncadd.s32 $0xFFFFFF80  }
0x115: {  	_ =	swait.ge [sflag:s12], $0x80  }
0x116: {  	[sflag:s12] =	ssyncset.done $0x0  }
0x117: {  	[sflag:s12] =	ssyncadd.s32 $0xFFFFFF80  }
0x118: {  	_ =	swait.ge [sflag:s12], $0x80  }
0x119: {  	[sflag:s12] =	ssyncset.done $0x0  }
0x11a: {  	[sflag:s12] =	ssyncadd.s32 $0xFFFFFF80  }
0x11b: {  	_ =	swait.ge [sflag:s12], $0x80  }
0x11c: {  	s3 =	sadd.s32 $0x1, s3;
	[sflag:s12] =	ssyncset.done $0x0  }
0x11d: {  	p0 =	sne.s32 s3, s7;
	[sflag:s12] =	ssyncadd.s32 $0xFFFFFF80  }
.Ltmp2:
0x11e: {  	[bflag:$0x0] =	sbarrier.arrive $0xFFFF;
	(pc) =	sbr.rel @p0 .LBB2_1-.Ltmp2, $4  }
0x11f: {  	[hbm:s6@s15], [sflag:s13] =	dma.strided [spmem:s14@s16], $0x200, s12, $0x10   }
0x120: {  	_ =	swait.ge [sflag:s9], $0x200  }
0x121: {  	[sflag:s9] =	ssyncset.done $0x0  }
0x122: {  	[sflag:s9] =	ssyncadd.s32 $0xFFFFFE00  }
0x123: {  	_ =	sfence.sel $0x180000  }
0x124: {  	[bflag:$0x0] =	sbarrier.arrive $0xFFFF  }
0x125: {  	p0 =	sne.s32 s0, $0x0;
	_ =	strace $0x9000004A  }
0x126: {  	s0 =	sadd.s32 @!p0 $0x100000, s1;
	[bflag:$0x2] =	sbarrier.arrive $0xFFFF  }
0x127: {  	[sflag:s0] =	ssyncadd.tile.s32 @!p0 $0x1;
	_ =	shalt  }
.Lfunc_end2:
_tile_overlayer_lowered:
.L_overlay_start_2:
0x128: {  	(tag) =	ssettag $0x2  }
0x129: {  	s0 =	rddreg [dreg:$0x0];
	s2 =	stileid.u32  }
0x12a: {  	s1 =	rddreg [dreg:$0x1];
	p0 =	sne.s32 s2, $0x0  }
0x12b: {  	s3 =	rddreg [dreg:$0x2];
	[bflag:$0x3] =	sbarrier.arrive $0xFFFF;
	s2 =	simm.s32 @!p0 $0x1C02  }
0x12c: {  	[timem:s3], [sflag:s2] =	dma.local @!p0 [hbm:s0], s1  }
0x12d: {  	s0 =	simm.s32 @!p0 $0x2  }
0x12e: {  	_ =	swait.ge @!p0 [sflag:s0], s1  }
0x12f: {  	s1 =	ssub.s32 @!p0 $0x0, s1;
	[sflag:s0] =	ssyncset.done @!p0 $0x0  }
0x130: {  	[sflag:s0] =	ssyncadd.s32 @!p0 s1  }
0x131: {  	[bflag:$0x3] =	sbarrier.arrive $0xFFFF  }
0x132: {  	_ =	shalt  }

</sc_bundles>
